<compile_context>
chip_gen: v7x
topology: tpu7x:2x2x1
jax: 0.10.2.dev20260603
libtpu: 0.0.44.dev20260713+nightly
codegen_flags: <defaults>
</compile_context>

<pallas_src>
import functools
from math import sqrt

import jax
import jax.numpy as jnp
import numpy as np
from jax import lax
from jax.experimental import pallas as pl
from jax.experimental.pallas import tpu as pltpu
from jax.experimental.pallas import tpu_sc as plsc

THRESHOLD = 0.5
NEG_POS_RATIO = 3
ALPHA = 1.0

B = 32
P = 8732
C = 21
M = 12
SUB = 8
LN = 1152
PP = SUB * LN
NC = 2
NBIS = 22


def _priors_cxcy_np():
    fmap_dims = {'conv4_3': 38, 'conv7': 19, 'conv8_2': 10, 'conv9_2': 5, 'conv10_2': 3, 'conv11_2': 1}
    obj_scales = {'conv4_3': 0.1, 'conv7': 0.2, 'conv8_2': 0.375, 'conv9_2': 0.55, 'conv10_2': 0.725, 'conv11_2': 0.9}
    aspect_ratios = {'conv4_3': [1.0, 2.0, 0.5], 'conv7': [1.0, 2.0, 3.0, 0.5, 0.333], 'conv8_2': [1.0, 2.0, 3.0, 0.5, 0.333], 'conv9_2': [1.0, 2.0, 3.0, 0.5, 0.333], 'conv10_2': [1.0, 2.0, 0.5], 'conv11_2': [1.0, 2.0, 0.5]}
    fmaps = list(fmap_dims.keys())
    pb = []
    for k, fmap in enumerate(fmaps):
        for i in range(fmap_dims[fmap]):
            for j in range(fmap_dims[fmap]):
                cx = (j + 0.5) / fmap_dims[fmap]
                cy = (i + 0.5) / fmap_dims[fmap]
                for ratio in aspect_ratios[fmap]:
                    pb.append([cx, cy, obj_scales[fmap] * sqrt(ratio), obj_scales[fmap] / sqrt(ratio)])
                    if ratio == 1.0:
                        try:
                            additional_scale = sqrt(obj_scales[fmap] * obj_scales[fmaps[k + 1]])
                        except IndexError:
                            additional_scale = 1.0
                        pb.append([cx, cy, additional_scale, additional_scale])
    return np.clip(np.array(pb, dtype=np.float32), 0.0, 1.0)


def _prior_planes():
    cxcy = _priors_cxcy_np()
    cx, cy, w, h = cxcy[:, 0], cxcy[:, 1], cxcy[:, 2], cxcy[:, 3]
    x1 = cx - w / 2.0
    y1 = cy - h / 2.0
    x2 = cx + w / 2.0
    y2 = cy + h / 2.0
    area = (x2 - x1) * (y2 - y1)
    planes = np.stack([x1, y1, x2, y2, area, cx, cy,
                       10.0 / w, 10.0 / h, 5.0 * np.log(w), 5.0 * np.log(h)], axis=0)
    pad_vals = np.array([2.0, 2.0, 2.0, 2.0, 0.0, 2.0, 2.0, 10.0, 10.0, 0.0, 0.0],
                        dtype=np.float32)
    padded = np.tile(pad_vals[:, None], (1, PP)).astype(np.float32)
    padded[:, :P] = planes
    return padded.reshape(11, SUB, LN).reshape(11 * SUB, LN)


_PR_PLANES = _prior_planes()


def _tc_body(pr_ref, lbl_ref, ploc_ref, pcls_ref, neg_ref, sums_ref, acc_s):
    b = pl.program_id(0)

    def plane(i):
        return pr_ref[8 * i:8 * i + 8, :]

    PX1, PY1, PX2, PY2 = plane(0), plane(1), plane(2), plane(3)
    PAREA = plane(4)
    PCX, PCY = plane(5), plane(6)
    PIW10, PIH10 = plane(7), plane(8)
    PLW5, PLH5 = plane(9), plane(10)

    pidx = (lax.broadcasted_iota(jnp.int32, (SUB, LN), 0) * LN
            + lax.broadcasted_iota(jnp.int32, (SUB, LN), 1))

    def lbl(m, c):
        return lbl_ref[0, 0, 5 * m + c]

    iou_rows = []
    for m in range(M):
        bx1, by1, bx2, by2 = lbl(m, 0), lbl(m, 1), lbl(m, 2), lbl(m, 3)
        iw = jnp.maximum(jnp.minimum(bx2, PX2) - jnp.maximum(bx1, PX1), 0.0)
        ih = jnp.maximum(jnp.minimum(by2, PY2) - jnp.maximum(by1, PY1), 0.0)
        inter = iw * ih
        barea = (bx2 - bx1) * (by2 - by1)
        iou_rows.append(inter / (barea + PAREA - inter))
    iou3 = jnp.stack(iou_rows, axis=0)

    midx = lax.broadcasted_iota(jnp.int32, (M, SUB, LN), 0)
    pidx3 = pidx[None, :, :]

    curmax = jnp.max(iou3, axis=0)
    obj = jnp.min(jnp.where(iou3 == curmax[None], midx, M), axis=0)

    rm = jnp.max(jnp.max(iou3, axis=2), axis=1)
    cand3 = jnp.where(iou3 == rm[:, None, None], pidx3, jnp.int32(PP))
    pa = jnp.min(jnp.min(cand3, axis=2), axis=1)
    msk3 = pidx3 == pa[:, None, None]
    forced = jnp.max(jnp.where(msk3, midx, -1), axis=0)
    has_forced = forced >= 0
    obj = jnp.where(has_forced, forced, obj)
    curmax = jnp.where(has_forced, 1.0, curmax)

    labp = jnp.zeros((SUB, LN), jnp.float32)
    gx1 = jnp.zeros((SUB, LN), jnp.float32)
    gy1 = jnp.zeros((SUB, LN), jnp.float32)
    gx2 = jnp.zeros((SUB, LN), jnp.float32)
    gy2 = jnp.zeros((SUB, LN), jnp.float32)
    for m in range(M):
        sel = obj == m
        labp = jnp.where(sel, lbl(m, 4), labp)
        gx1 = jnp.where(sel, lbl(m, 0), gx1)
        gy1 = jnp.where(sel, lbl(m, 1), gy1)
        gx2 = jnp.where(sel, lbl(m, 2), gx2)
        gy2 = jnp.where(sel, lbl(m, 3), gy2)
    labp = jnp.where(curmax < THRESHOLD, 0.0, labp)
    pos = labp != 0.0
    posf = pos.astype(jnp.float32)

    bcx = (gx1 + gx2) * 0.5
    bcy = (gy1 + gy2) * 0.5
    bw = gx2 - gx1
    bh = gy2 - gy1
    t0 = (bcx - PCX) * PIW10
    t1 = (bcy - PCY) * PIH10
    t2 = jnp.log(bw) * 5.0 - PLW5
    t3 = jnp.log(bh) * 5.0 - PLH5
    loc_img = jnp.sum((jnp.abs(ploc_ref[0, 0:8, :] - t0)
                       + jnp.abs(ploc_ref[0, 8:16, :] - t1)
                       + jnp.abs(ploc_ref[0, 16:24, :] - t2)
                       + jnp.abs(ploc_ref[0, 24:32, :] - t3)) * posf)

    def cls_plane(c):
        return pcls_ref[0, 8 * c:8 * c + 8, :]

    s = jnp.exp(cls_plane(0))
    for c in range(1, C):
        s = s + jnp.exp(cls_plane(c))
    logz = jnp.log(s)
    pick = cls_plane(0)
    for c in range(1, C):
        pick = jnp.where(labp == jnp.float32(c), cls_plane(c), pick)
    conf = logz - pick
    posc_img = jnp.sum(conf * posf)
    npos_img = jnp.sum(posf)

    valid = pidx < P
    neg = jnp.where(pos | (~valid), 0.0, conf)
    slot = (lax.broadcasted_iota(jnp.int32, (SUB, LN), 0) == SUB - 1) & \
           (lax.broadcasted_iota(jnp.int32, (SUB, LN), 1) == LN - 1)
    neg_ref[0] = jnp.where(slot, npos_img, neg)

    @pl.when(b == 0)
    def _init():
        acc_s[0] = loc_img
        acc_s[1] = posc_img
        acc_s[2] = npos_img

    @pl.when(b > 0)
    def _acc():
        acc_s[0] = acc_s[0] + loc_img
        acc_s[1] = acc_s[1] + posc_img
        acc_s[2] = acc_s[2] + npos_img

    @pl.when(b == B - 1)
    def _fin():
        sums_ref[0, 0] = acc_s[0]
        sums_ref[0, 1] = acc_s[1]
        sums_ref[0, 2] = acc_s[2]
        sums_ref[0, 3] = 0.0


def _tc_main(lbl_flat, pl_r, pc_r):
    return pl.pallas_call(
        _tc_body,
        grid=(B,),
        in_specs=[
            pl.BlockSpec((11 * SUB, LN), lambda b: (0, 0)),
            pl.BlockSpec((1, 1, M * 5), lambda b: (b, 0, 0), memory_space=pltpu.SMEM),
            pl.BlockSpec((1, 4 * SUB, LN), lambda b: (b, 0, 0)),
            pl.BlockSpec((1, C * SUB, LN), lambda b: (b, 0, 0)),
        ],
        out_specs=[
            pl.BlockSpec((1, SUB, LN), lambda b: (b, 0, 0)),
            pl.BlockSpec((1, 4), lambda b: (0, 0), memory_space=pltpu.SMEM),
        ],
        out_shape=[
            jax.ShapeDtypeStruct((B, SUB, LN), jnp.float32),
            jax.ShapeDtypeStruct((1, 4), jnp.float32),
        ],
        scratch_shapes=[pltpu.SMEM((4,), jnp.float32)],
        compiler_params=pltpu.CompilerParams(
            dimension_semantics=("arbitrary",)),
    )(jnp.asarray(_PR_PLANES), lbl_flat, pl_r, pc_r)


def _sel_body(neg_hbm, out_hbm, neg_v, orow_v):
    cid = lax.axis_index("c")
    sid = lax.axis_index("s")
    b = sid * NC + cid
    lane = lax.iota(jnp.int32, 16)

    for r in range(SUB):
        pltpu.sync_copy(neg_hbm.at[b, r], neg_v.at[pl.ds(LN * r, LN)])

    last = neg_v[pl.ds(PP - 16, 16)]
    nposf = jnp.sum(jnp.where(lane == 15, last, 0.0))
    neg_v[pl.ds(PP - 16, 16)] = jnp.where(lane == 15, 0.0, last)
    ki = NEG_POS_RATIO * nposf.astype(jnp.int32)

    ngrp = PP // 16
    unroll = 12

    def count_ge(cand):
        def cbody(g0, cv):
            for j in range(unroll):
                off = pl.multiple_of(16 * (g0 * unroll + j), 16)
                v = plsc.bitcast(neg_v[pl.ds(off, 16)], jnp.int32)
                cv = cv + jnp.where(v >= cand, 1, 0)
            return cv
        return jnp.sum(lax.fori_loop(0, ngrp // unroll, cbody,
                                     jnp.zeros((16,), jnp.int32)))

    def bis(i, t):
        cand = t | lax.shift_left(jnp.int32(1), 30 - i)
        return jnp.where(count_ge(cand) >= ki, cand, t)

    tb = lax.fori_loop(0, NBIS, bis, jnp.int32(0))

    def fbody(g0, carry):
        cg, sg = carry
        for j in range(unroll):
            off = pl.multiple_of(16 * (g0 * unroll + j), 16)
            vf = neg_v[pl.ds(off, 16)]
            gt = plsc.bitcast(vf, jnp.int32) > tb
            cg = cg + jnp.where(gt, 1, 0)
            sg = sg + jnp.where(gt, vf, 0.0)
        return cg, sg

    cg, sg = lax.fori_loop(0, ngrp // unroll, fbody,
                           (jnp.zeros((16,), jnp.int32),
                            jnp.zeros((16,), jnp.float32)))
    tvv = plsc.bitcast(jnp.full((16,), tb, jnp.int32), jnp.float32)
    kv = jnp.full((16,), ki, jnp.int32).astype(jnp.float32)
    cgv = jnp.full((16,), jnp.sum(cg), jnp.int32).astype(jnp.float32)
    sgv = jnp.full((16,), jnp.sum(sg), jnp.float32)
    hardv = sgv + (kv - cgv) * tvv

    orow_v[...] = jnp.where(lane == 0, hardv, 0.0)
    pltpu.sync_copy(orow_v, out_hbm.at[pl.ds(b * 16, 16)])


def _sc_select(neg_flat):
    mesh = plsc.VectorSubcoreMesh(core_axis_name="c", subcore_axis_name="s")
    fn = pl.kernel(
        _sel_body,
        out_type=jax.ShapeDtypeStruct((B * 16,), jnp.float32),
        mesh=mesh,
        scratch_types=[
            pltpu.VMEM((PP,), jnp.float32),
            pltpu.VMEM((16,), jnp.float32),
        ],
        compiler_params=pltpu.CompilerParams(needs_layout_passes=False),
    )
    return fn(neg_flat)


@jax.jit
def kernel(pred_loc, pred_cls, label):
    pl_t = jnp.transpose(pred_loc, (0, 2, 1))
    pl_r = jnp.pad(pl_t, ((0, 0), (0, 0), (0, PP - P)))
    pl_r = pl_r.reshape(B, 4 * SUB, LN)
    pc_t = jnp.transpose(pred_cls, (0, 2, 1))
    pc_r = jnp.pad(pc_t, ((0, 0), (0, 0), (0, PP - P)))
    pc_r = pc_r.reshape(B, C * SUB, LN)
    lbl_flat = label.reshape(B, 1, M * 5)

    neg, sums = _tc_main(lbl_flat, pl_r, pc_r)
    o = _sc_select(neg)

    hard_tot = jnp.sum(o.reshape(B, 16)[:, 0])
    loc_tot = sums[0, 0]
    posc_tot = sums[0, 1]
    npos_tot = sums[0, 2]
    return ((hard_tot + posc_tot) / npos_tot
            + ALPHA * loc_tot / (4.0 * npos_tot))

# --- scband reference (transcript-rebuilt; emitter-appended) ---
"""Pipeline reference for scband-multi-box-loss-84765474553915 (READ-ONLY COPY).

The authoritative reference and input builder live on the scoring server;
editing this copy changes nothing except your own understanding.
"""

import jax, jax.numpy as jnp
import numpy as np
from math import sqrt

THRESHOLD = 0.5
NEG_POS_RATIO = 3
ALPHA = 1.0


def _create_prior_boxes():
    fmap_dims = {'conv4_3': 38, 'conv7': 19, 'conv8_2': 10, 'conv9_2': 5, 'conv10_2': 3, 'conv11_2': 1}
    obj_scales = {'conv4_3': 0.1, 'conv7': 0.2, 'conv8_2': 0.375, 'conv9_2': 0.55, 'conv10_2': 0.725, 'conv11_2': 0.9}
    aspect_ratios = {'conv4_3': [1.0, 2.0, 0.5], 'conv7': [1.0, 2.0, 3.0, 0.5, 0.333], 'conv8_2': [1.0, 2.0, 3.0, 0.5, 0.333], 'conv9_2': [1.0, 2.0, 3.0, 0.5, 0.333], 'conv10_2': [1.0, 2.0, 0.5], 'conv11_2': [1.0, 2.0, 0.5]}
    fmaps = list(fmap_dims.keys())
    pb = []
    for k, fmap in enumerate(fmaps):
        for i in range(fmap_dims[fmap]):
            for j in range(fmap_dims[fmap]):
                cx = (j + 0.5) / fmap_dims[fmap]
                cy = (i + 0.5) / fmap_dims[fmap]
                for ratio in aspect_ratios[fmap]:
                    pb.append([cx, cy, obj_scales[fmap] * sqrt(ratio), obj_scales[fmap] / sqrt(ratio)])
                    if ratio == 1.0:
                        try:
                            additional_scale = sqrt(obj_scales[fmap] * obj_scales[fmaps[k + 1]])
                        except IndexError:
                            additional_scale = 1.0
                        pb.append([cx, cy, additional_scale, additional_scale])
    return jnp.asarray(np.clip(np.array(pb, dtype=np.float32), 0.0, 1.0))


def cxcy_to_xy(cxcy):
    return jnp.concatenate([cxcy[:, :2] - cxcy[:, 2:] / 2.0, cxcy[:, :2] + cxcy[:, 2:] / 2.0], axis=1)


def xy_to_cxcy(xy):
    return jnp.concatenate([(xy[:, 2:] + xy[:, :2]) / 2.0, xy[:, 2:] - xy[:, :2]], axis=1)


def cxcy_to_gcxgcy(cxcy, priors_cxcy):
    return jnp.concatenate([(cxcy[:, :2] - priors_cxcy[:, :2]) / (priors_cxcy[:, 2:] / 10.0), jnp.log(cxcy[:, 2:] / priors_cxcy[:, 2:]) * 5.0], axis=1)


def find_jaccard_overlap(set1, set2):
    lower = jnp.maximum(set1[:, None, :2], set2[None, :, :2])
    upper = jnp.minimum(set1[:, None, 2:], set2[None, :, 2:])
    inter = jnp.clip(upper - lower, 0.0, None).prod(axis=2)
    area1 = (set1[:, 2] - set1[:, 0]) * (set1[:, 3] - set1[:, 1])
    area2 = (set2[:, 2] - set2[:, 0]) * (set2[:, 3] - set2[:, 1])
    union = area1[:, None] + area2[None, :] - inter
    return inter / union


PRIORS_CXCY = _create_prior_boxes()
PRIORS_XY = cxcy_to_xy(PRIORS_CXCY)


def setup_inputs(seed: int = 0) -> dict:
    key = jax.random.key(seed)
    k1, k2, k3, k4, k5 = jax.random.split(key, 5)
    B, P, C, M = 32, 8732, 21, 12
    pred_loc = jax.random.normal(k1, (B, P, 4), dtype=jnp.float32)
    pred_cls = jax.random.normal(k2, (B, P, C), dtype=jnp.float32)
    centers = jax.random.uniform(k3, (B, M, 2), minval=0.2, maxval=0.8)
    sizes = jax.random.uniform(k4, (B, M, 2), minval=0.05, maxval=0.4)
    x1y1 = jnp.clip(centers - sizes / 2.0, 0.0, 1.0)
    x2y2 = jnp.clip(centers + sizes / 2.0, 0.0, 1.0)
    cls = jax.random.randint(k5, (B, M), 1, C).astype(jnp.float32)
    label = jnp.concatenate([x1y1, x2y2, cls[:, :, None]], axis=2).astype(jnp.float32)
    return {'pred_loc': pred_loc, 'pred_cls': pred_cls, 'label': label}


def _multibox_loss(pred_loc, pred_cls, boxes_all, labels_all):
    P = PRIORS_CXCY.shape[0]
    M = boxes_all.shape[1]

    def match(boxes, labels):
        overlap = find_jaccard_overlap(boxes, PRIORS_XY)
        overlap_for_each_prior = jnp.max(overlap, axis=0)
        object_for_each_prior = jnp.argmax(overlap, axis=0)
        prior_for_each_object = jnp.argmax(overlap, axis=1)
        object_for_each_prior = object_for_each_prior.at[prior_for_each_object].set(jnp.arange(M))
        overlap_for_each_prior = overlap_for_each_prior.at[prior_for_each_object].set(1.0)
        label_for_each_prior = labels[object_for_each_prior]
        label_for_each_prior = jnp.where(overlap_for_each_prior < THRESHOLD, 0, label_for_each_prior)
        true_locs = cxcy_to_gcxgcy(xy_to_cxcy(boxes[object_for_each_prior]), PRIORS_CXCY)
        return true_locs, label_for_each_prior

    true_locs, true_classes = jax.vmap(match)(boxes_all, labels_all)
    pos = true_classes != 0
    n_pos_per = pos.sum(axis=1)
    n_pos_total = n_pos_per.sum().astype(jnp.float32)
    loc_loss = jnp.sum(jnp.abs(pred_loc - true_locs) * pos[:, :, None].astype(pred_loc.dtype)) / (4.0 * n_pos_total)
    log_z = jax.nn.logsumexp(pred_cls, axis=2)
    picked = jnp.take_along_axis(pred_cls, true_classes[:, :, None], axis=2)[:, :, 0]
    conf_loss_all = log_z - picked
    conf_loss_pos_sum = jnp.sum(jnp.where(pos, conf_loss_all, 0.0))
    conf_loss_neg = jnp.where(pos, 0.0, conf_loss_all)
    conf_loss_neg_sorted = -jnp.sort(-conf_loss_neg, axis=1)
    ranks = jnp.arange(P)[None, :]
    hard = ranks < (NEG_POS_RATIO * n_pos_per)[:, None]
    conf_loss_hard_sum = jnp.sum(jnp.where(hard, conf_loss_neg_sorted, 0.0))
    conf_loss = (conf_loss_hard_sum + conf_loss_pos_sum) / n_pos_total
    return conf_loss + ALPHA * loc_loss


def reference(pred_loc, pred_cls, label):
    boxes_all = label[:, :, :4]
    labels_all = label[:, :, 4].astype(jnp.int32)
    return _multibox_loss(pred_loc, pred_cls, boxes_all, labels_all)

if __name__ == "__main__":
    import jax
    _d = setup_inputs()
    print(jax.jit(kernel)(*tuple(_d.values())))

</pallas_src>

<mosaic_0001>
#map = affine_map<(d0, d1) -> (0, 0, 0)>
#map1 = affine_map<(d0, d1) -> (0)>
module attributes {stable_mosaic.version = 14 : i64} {
  func.func @_sel_body(%arg0: i32, %arg1: i32, %arg2: memref<32x8x1152xf32, #tpu.memory_space<hbm>>, %arg3: memref<512xf32, #tpu.memory_space<hbm>>, %arg4: memref<9216xf32, #tpu.memory_space<vmem>>, %arg5: memref<16xf32, #tpu.memory_space<vmem>>) attributes {dimension_semantics = [#tpu.dimension_semantics<core_parallel>, #tpu.dimension_semantics<subcore_parallel>], iteration_bounds = array<i64: 2, 16>, scalar_prefetch = 0 : i64, scratch_operands = 2 : i64, tpu.core_type = #tpu.core_type<sc_vector_subcore>, window_params = [{transform_indices = #map}, {transform_indices = #map1}]} {
    %mul3A = arith.constant 2 : i32
    %mul3A_0 = arith.muli %arg1, %mul3A : i32
    %add3A = arith.addi %mul3A_0, %arg0 : i32
    %iota3A = tpu.iota {dimensions = array<i32: 0>} : vector<16xi32>
    %run_scoped3A = arith.constant 0 : i32
    "tpu.region"() ({
      %run_scoped3A_65 = tpu.sem_alloc : memref<!tpu.dma_semaphore, #tpu.memory_space<semaphore_mem>>
      %dma_start3A = arith.constant 0 : i32
      %dma_start3A_66 = tpu.memref_slice %arg4[%dma_start3A] : memref<9216xf32, #tpu.memory_space<vmem>> -> memref<1152xf32, #tpu.memory_space<vmem>>
      %dma_start3A_67 = arith.constant 0 : i32
      %dma_start3A_68 = tpu.memref_slice %arg2[%add3A, %run_scoped3A, %dma_start3A_67] : memref<32x8x1152xf32, #tpu.memory_space<hbm>> -> memref<1x1x1152xf32, #tpu.memory_space<hbm>>
      %dma_start3A_69 = tpu.memref_squeeze %dma_start3A_68 : memref<1x1x1152xf32, #tpu.memory_space<hbm>> -> memref<1152xf32, #tpu.memory_space<hbm>>
      %dma_start3A_70 = arith.constant 0 : i32
      %dma_start3A_71 = tpu.memref_slice %arg4[%dma_start3A_70] : memref<9216xf32, #tpu.memory_space<vmem>> -> memref<1152xf32, #tpu.memory_space<vmem>>
      %dma_start3A_72 = arith.constant 0 : i32
      %dma_start3A_73 = tpu.memref_slice %arg2[%add3A, %run_scoped3A, %dma_start3A_72] : memref<32x8x1152xf32, #tpu.memory_space<hbm>> -> memref<1x1x1152xf32, #tpu.memory_space<hbm>>
      %dma_start3A_74 = tpu.memref_squeeze %dma_start3A_73 : memref<1x1x1152xf32, #tpu.memory_space<hbm>> -> memref<1152xf32, #tpu.memory_space<hbm>>
      tpu.enqueue_dma source(%dma_start3A_74 : memref<1152xf32, #tpu.memory_space<hbm>>) target(%dma_start3A_71 : memref<1152xf32, #tpu.memory_space<vmem>>) target_semaphore(%run_scoped3A_65 : memref<!tpu.dma_semaphore, #tpu.memory_space<semaphore_mem>>)
      %dma_wait3A = arith.constant 0 : i32
      %dma_wait3A_75 = tpu.memref_slice %arg4[%dma_wait3A] : memref<9216xf32, #tpu.memory_space<vmem>> -> memref<1152xf32, #tpu.memory_space<vmem>>
      %dma_wait3A_76 = arith.constant 0 : i32
      %dma_wait3A_77 = tpu.memref_slice %arg2[%add3A, %run_scoped3A, %dma_wait3A_76] : memref<32x8x1152xf32, #tpu.memory_space<hbm>> -> memref<1x1x1152xf32, #tpu.memory_space<hbm>>
      %dma_wait3A_78 = tpu.memref_squeeze %dma_wait3A_77 : memref<1x1x1152xf32, #tpu.memory_space<hbm>> -> memref<1152xf32, #tpu.memory_space<hbm>>
      %dma_wait3A_79 = arith.constant 0 : i32
      %dma_wait3A_80 = tpu.memref_slice %arg4[%dma_wait3A_79] : memref<9216xf32, #tpu.memory_space<vmem>> -> memref<1152xf32, #tpu.memory_space<vmem>>
      %dma_wait3A_81 = arith.constant 0 : i32
      %dma_wait3A_82 = tpu.memref_slice %arg2[%add3A, %run_scoped3A, %dma_wait3A_81] : memref<32x8x1152xf32, #tpu.memory_space<hbm>> -> memref<1x1x1152xf32, #tpu.memory_space<hbm>>
      %dma_wait3A_83 = tpu.memref_squeeze %dma_wait3A_82 : memref<1x1x1152xf32, #tpu.memory_space<hbm>> -> memref<1152xf32, #tpu.memory_space<hbm>>
      tpu.wait_dma2 semaphore(%run_scoped3A_65 : memref<!tpu.dma_semaphore, #tpu.memory_space<semaphore_mem>>) src(%dma_wait3A_83 : memref<1152xf32, #tpu.memory_space<hbm>>) dst(%dma_wait3A_80 : memref<1152xf32, #tpu.memory_space<vmem>>)
      tpu.yield
    }) : () -> ()
    %run_scoped3A_1 = arith.constant 1 : i32
    "tpu.region"() ({
      %run_scoped3A_65 = tpu.sem_alloc : memref<!tpu.dma_semaphore, #tpu.memory_space<semaphore_mem>>
      %dma_start3A = arith.constant 1152 : i32
      %dma_start3A_66 = tpu.memref_slice %arg4[%dma_start3A] : memref<9216xf32, #tpu.memory_space<vmem>> -> memref<1152xf32, #tpu.memory_space<vmem>>
      %dma_start3A_67 = arith.constant 0 : i32
      %dma_start3A_68 = tpu.memref_slice %arg2[%add3A, %run_scoped3A_1, %dma_start3A_67] : memref<32x8x1152xf32, #tpu.memory_space<hbm>> -> memref<1x1x1152xf32, #tpu.memory_space<hbm>>
      %dma_start3A_69 = tpu.memref_squeeze %dma_start3A_68 : memref<1x1x1152xf32, #tpu.memory_space<hbm>> -> memref<1152xf32, #tpu.memory_space<hbm>>
      %dma_start3A_70 = arith.constant 1152 : i32
      %dma_start3A_71 = tpu.memref_slice %arg4[%dma_start3A_70] : memref<9216xf32, #tpu.memory_space<vmem>> -> memref<1152xf32, #tpu.memory_space<vmem>>
      %dma_start3A_72 = arith.constant 0 : i32
      %dma_start3A_73 = tpu.memref_slice %arg2[%add3A, %run_scoped3A_1, %dma_start3A_72] : memref<32x8x1152xf32, #tpu.memory_space<hbm>> -> memref<1x1x1152xf32, #tpu.memory_space<hbm>>
      %dma_start3A_74 = tpu.memref_squeeze %dma_start3A_73 : memref<1x1x1152xf32, #tpu.memory_space<hbm>> -> memref<1152xf32, #tpu.memory_space<hbm>>
      tpu.enqueue_dma source(%dma_start3A_74 : memref<1152xf32, #tpu.memory_space<hbm>>) target(%dma_start3A_71 : memref<1152xf32, #tpu.memory_space<vmem>>) target_semaphore(%run_scoped3A_65 : memref<!tpu.dma_semaphore, #tpu.memory_space<semaphore_mem>>)
      %dma_wait3A = arith.constant 1152 : i32
      %dma_wait3A_75 = tpu.memref_slice %arg4[%dma_wait3A] : memref<9216xf32, #tpu.memory_space<vmem>> -> memref<1152xf32, #tpu.memory_space<vmem>>
      %dma_wait3A_76 = arith.constant 0 : i32
      %dma_wait3A_77 = tpu.memref_slice %arg2[%add3A, %run_scoped3A_1, %dma_wait3A_76] : memref<32x8x1152xf32, #tpu.memory_space<hbm>> -> memref<1x1x1152xf32, #tpu.memory_space<hbm>>
      %dma_wait3A_78 = tpu.memref_squeeze %dma_wait3A_77 : memref<1x1x1152xf32, #tpu.memory_space<hbm>> -> memref<1152xf32, #tpu.memory_space<hbm>>
      %dma_wait3A_79 = arith.constant 1152 : i32
      %dma_wait3A_80 = tpu.memref_slice %arg4[%dma_wait3A_79] : memref<9216xf32, #tpu.memory_space<vmem>> -> memref<1152xf32, #tpu.memory_space<vmem>>
      %dma_wait3A_81 = arith.constant 0 : i32
      %dma_wait3A_82 = tpu.memref_slice %arg2[%add3A, %run_scoped3A_1, %dma_wait3A_81] : memref<32x8x1152xf32, #tpu.memory_space<hbm>> -> memref<1x1x1152xf32, #tpu.memory_space<hbm>>
      %dma_wait3A_83 = tpu.memref_squeeze %dma_wait3A_82 : memref<1x1x1152xf32, #tpu.memory_space<hbm>> -> memref<1152xf32, #tpu.memory_space<hbm>>
      tpu.wait_dma2 semaphore(%run_scoped3A_65 : memref<!tpu.dma_semaphore, #tpu.memory_space<semaphore_mem>>) src(%dma_wait3A_83 : memref<1152xf32, #tpu.memory_space<hbm>>) dst(%dma_wait3A_80 : memref<1152xf32, #tpu.memory_space<vmem>>)
      tpu.yield
    }) : () -> ()
    %run_scoped3A_2 = arith.constant 2 : i32
    "tpu.region"() ({
      %run_scoped3A_65 = tpu.sem_alloc : memref<!tpu.dma_semaphore, #tpu.memory_space<semaphore_mem>>
      %dma_start3A = arith.constant 2304 : i32
      %dma_start3A_66 = tpu.memref_slice %arg4[%dma_start3A] : memref<9216xf32, #tpu.memory_space<vmem>> -> memref<1152xf32, #tpu.memory_space<vmem>>
      %dma_start3A_67 = arith.constant 0 : i32
      %dma_start3A_68 = tpu.memref_slice %arg2[%add3A, %run_scoped3A_2, %dma_start3A_67] : memref<32x8x1152xf32, #tpu.memory_space<hbm>> -> memref<1x1x1152xf32, #tpu.memory_space<hbm>>
      %dma_start3A_69 = tpu.memref_squeeze %dma_start3A_68 : memref<1x1x1152xf32, #tpu.memory_space<hbm>> -> memref<1152xf32, #tpu.memory_space<hbm>>
      %dma_start3A_70 = arith.constant 2304 : i32
      %dma_start3A_71 = tpu.memref_slice %arg4[%dma_start3A_70] : memref<9216xf32, #tpu.memory_space<vmem>> -> memref<1152xf32, #tpu.memory_space<vmem>>
      %dma_start3A_72 = arith.constant 0 : i32
      %dma_start3A_73 = tpu.memref_slice %arg2[%add3A, %run_scoped3A_2, %dma_start3A_72] : memref<32x8x1152xf32, #tpu.memory_space<hbm>> -> memref<1x1x1152xf32, #tpu.memory_space<hbm>>
      %dma_start3A_74 = tpu.memref_squeeze %dma_start3A_73 : memref<1x1x1152xf32, #tpu.memory_space<hbm>> -> memref<1152xf32, #tpu.memory_space<hbm>>
      tpu.enqueue_dma source(%dma_start3A_74 : memref<1152xf32, #tpu.memory_space<hbm>>) target(%dma_start3A_71 : memref<1152xf32, #tpu.memory_space<vmem>>) target_semaphore(%run_scoped3A_65 : memref<!tpu.dma_semaphore, #tpu.memory_space<semaphore_mem>>)
      %dma_wait3A = arith.constant 2304 : i32
      %dma_wait3A_75 = tpu.memref_slice %arg4[%dma_wait3A] : memref<9216xf32, #tpu.memory_space<vmem>> -> memref<1152xf32, #tpu.memory_space<vmem>>
      %dma_wait3A_76 = arith.constant 0 : i32
      %dma_wait3A_77 = tpu.memref_slice %arg2[%add3A, %run_scoped3A_2, %dma_wait3A_76] : memref<32x8x1152xf32, #tpu.memory_space<hbm>> -> memref<1x1x1152xf32, #tpu.memory_space<hbm>>
      %dma_wait3A_78 = tpu.memref_squeeze %dma_wait3A_77 : memref<1x1x1152xf32, #tpu.memory_space<hbm>> -> memref<1152xf32, #tpu.memory_space<hbm>>
      %dma_wait3A_79 = arith.constant 2304 : i32
      %dma_wait3A_80 = tpu.memref_slice %arg4[%dma_wait3A_79] : memref<9216xf32, #tpu.memory_space<vmem>> -> memref<1152xf32, #tpu.memory_space<vmem>>
      %dma_wait3A_81 = arith.constant 0 : i32
      %dma_wait3A_82 = tpu.memref_slice %arg2[%add3A, %run_scoped3A_2, %dma_wait3A_81] : memref<32x8x1152xf32, #tpu.memory_space<hbm>> -> memref<1x1x1152xf32, #tpu.memory_space<hbm>>
      %dma_wait3A_83 = tpu.memref_squeeze %dma_wait3A_82 : memref<1x1x1152xf32, #tpu.memory_space<hbm>> -> memref<1152xf32, #tpu.memory_space<hbm>>
      tpu.wait_dma2 semaphore(%run_scoped3A_65 : memref<!tpu.dma_semaphore, #tpu.memory_space<semaphore_mem>>) src(%dma_wait3A_83 : memref<1152xf32, #tpu.memory_space<hbm>>) dst(%dma_wait3A_80 : memref<1152xf32, #tpu.memory_space<vmem>>)
      tpu.yield
    }) : () -> ()
    %run_scoped3A_3 = arith.constant 3 : i32
    "tpu.region"() ({
      %run_scoped3A_65 = tpu.sem_alloc : memref<!tpu.dma_semaphore, #tpu.memory_space<semaphore_mem>>
      %dma_start3A = arith.constant 3456 : i32
      %dma_start3A_66 = tpu.memref_slice %arg4[%dma_start3A] : memref<9216xf32, #tpu.memory_space<vmem>> -> memref<1152xf32, #tpu.memory_space<vmem>>
      %dma_start3A_67 = arith.constant 0 : i32
      %dma_start3A_68 = tpu.memref_slice %arg2[%add3A, %run_scoped3A_3, %dma_start3A_67] : memref<32x8x1152xf32, #tpu.memory_space<hbm>> -> memref<1x1x1152xf32, #tpu.memory_space<hbm>>
      %dma_start3A_69 = tpu.memref_squeeze %dma_start3A_68 : memref<1x1x1152xf32, #tpu.memory_space<hbm>> -> memref<1152xf32, #tpu.memory_space<hbm>>
      %dma_start3A_70 = arith.constant 3456 : i32
      %dma_start3A_71 = tpu.memref_slice %arg4[%dma_start3A_70] : memref<9216xf32, #tpu.memory_space<vmem>> -> memref<1152xf32, #tpu.memory_space<vmem>>
      %dma_start3A_72 = arith.constant 0 : i32
      %dma_start3A_73 = tpu.memref_slice %arg2[%add3A, %run_scoped3A_3, %dma_start3A_72] : memref<32x8x1152xf32, #tpu.memory_space<hbm>> -> memref<1x1x1152xf32, #tpu.memory_space<hbm>>
      %dma_start3A_74 = tpu.memref_squeeze %dma_start3A_73 : memref<1x1x1152xf32, #tpu.memory_space<hbm>> -> memref<1152xf32, #tpu.memory_space<hbm>>
      tpu.enqueue_dma source(%dma_start3A_74 : memref<1152xf32, #tpu.memory_space<hbm>>) target(%dma_start3A_71 : memref<1152xf32, #tpu.memory_space<vmem>>) target_semaphore(%run_scoped3A_65 : memref<!tpu.dma_semaphore, #tpu.memory_space<semaphore_mem>>)
      %dma_wait3A = arith.constant 3456 : i32
      %dma_wait3A_75 = tpu.memref_slice %arg4[%dma_wait3A] : memref<9216xf32, #tpu.memory_space<vmem>> -> memref<1152xf32, #tpu.memory_space<vmem>>
      %dma_wait3A_76 = arith.constant 0 : i32
      %dma_wait3A_77 = tpu.memref_slice %arg2[%add3A, %run_scoped3A_3, %dma_wait3A_76] : memref<32x8x1152xf32, #tpu.memory_space<hbm>> -> memref<1x1x1152xf32, #tpu.memory_space<hbm>>
      %dma_wait3A_78 = tpu.memref_squeeze %dma_wait3A_77 : memref<1x1x1152xf32, #tpu.memory_space<hbm>> -> memref<1152xf32, #tpu.memory_space<hbm>>
      %dma_wait3A_79 = arith.constant 3456 : i32
      %dma_wait3A_80 = tpu.memref_slice %arg4[%dma_wait3A_79] : memref<9216xf32, #tpu.memory_space<vmem>> -> memref<1152xf32, #tpu.memory_space<vmem>>
      %dma_wait3A_81 = arith.constant 0 : i32
      %dma_wait3A_82 = tpu.memref_slice %arg2[%add3A, %run_scoped3A_3, %dma_wait3A_81] : memref<32x8x1152xf32, #tpu.memory_space<hbm>> -> memref<1x1x1152xf32, #tpu.memory_space<hbm>>
      %dma_wait3A_83 = tpu.memref_squeeze %dma_wait3A_82 : memref<1x1x1152xf32, #tpu.memory_space<hbm>> -> memref<1152xf32, #tpu.memory_space<hbm>>
      tpu.wait_dma2 semaphore(%run_scoped3A_65 : memref<!tpu.dma_semaphore, #tpu.memory_space<semaphore_mem>>) src(%dma_wait3A_83 : memref<1152xf32, #tpu.memory_space<hbm>>) dst(%dma_wait3A_80 : memref<1152xf32, #tpu.memory_space<vmem>>)
      tpu.yield
    }) : () -> ()
    %run_scoped3A_4 = arith.constant 4 : i32
    "tpu.region"() ({
      %run_scoped3A_65 = tpu.sem_alloc : memref<!tpu.dma_semaphore, #tpu.memory_space<semaphore_mem>>
      %dma_start3A = arith.constant 4608 : i32
      %dma_start3A_66 = tpu.memref_slice %arg4[%dma_start3A] : memref<9216xf32, #tpu.memory_space<vmem>> -> memref<1152xf32, #tpu.memory_space<vmem>>
      %dma_start3A_67 = arith.constant 0 : i32
      %dma_start3A_68 = tpu.memref_slice %arg2[%add3A, %run_scoped3A_4, %dma_start3A_67] : memref<32x8x1152xf32, #tpu.memory_space<hbm>> -> memref<1x1x1152xf32, #tpu.memory_space<hbm>>
      %dma_start3A_69 = tpu.memref_squeeze %dma_start3A_68 : memref<1x1x1152xf32, #tpu.memory_space<hbm>> -> memref<1152xf32, #tpu.memory_space<hbm>>
      %dma_start3A_70 = arith.constant 4608 : i32
      %dma_start3A_71 = tpu.memref_slice %arg4[%dma_start3A_70] : memref<9216xf32, #tpu.memory_space<vmem>> -> memref<1152xf32, #tpu.memory_space<vmem>>
      %dma_start3A_72 = arith.constant 0 : i32
      %dma_start3A_73 = tpu.memref_slice %arg2[%add3A, %run_scoped3A_4, %dma_start3A_72] : memref<32x8x1152xf32, #tpu.memory_space<hbm>> -> memref<1x1x1152xf32, #tpu.memory_space<hbm>>
      %dma_start3A_74 = tpu.memref_squeeze %dma_start3A_73 : memref<1x1x1152xf32, #tpu.memory_space<hbm>> -> memref<1152xf32, #tpu.memory_space<hbm>>
      tpu.enqueue_dma source(%dma_start3A_74 : memref<1152xf32, #tpu.memory_space<hbm>>) target(%dma_start3A_71 : memref<1152xf32, #tpu.memory_space<vmem>>) target_semaphore(%run_scoped3A_65 : memref<!tpu.dma_semaphore, #tpu.memory_space<semaphore_mem>>)
      %dma_wait3A = arith.constant 4608 : i32
      %dma_wait3A_75 = tpu.memref_slice %arg4[%dma_wait3A] : memref<9216xf32, #tpu.memory_space<vmem>> -> memref<1152xf32, #tpu.memory_space<vmem>>
      %dma_wait3A_76 = arith.constant 0 : i32
      %dma_wait3A_77 = tpu.memref_slice %arg2[%add3A, %run_scoped3A_4, %dma_wait3A_76] : memref<32x8x1152xf32, #tpu.memory_space<hbm>> -> memref<1x1x1152xf32, #tpu.memory_space<hbm>>
      %dma_wait3A_78 = tpu.memref_squeeze %dma_wait3A_77 : memref<1x1x1152xf32, #tpu.memory_space<hbm>> -> memref<1152xf32, #tpu.memory_space<hbm>>
      %dma_wait3A_79 = arith.constant 4608 : i32
      %dma_wait3A_80 = tpu.memref_slice %arg4[%dma_wait3A_79] : memref<9216xf32, #tpu.memory_space<vmem>> -> memref<1152xf32, #tpu.memory_space<vmem>>
      %dma_wait3A_81 = arith.constant 0 : i32
      %dma_wait3A_82 = tpu.memref_slice %arg2[%add3A, %run_scoped3A_4, %dma_wait3A_81] : memref<32x8x1152xf32, #tpu.memory_space<hbm>> -> memref<1x1x1152xf32, #tpu.memory_space<hbm>>
      %dma_wait3A_83 = tpu.memref_squeeze %dma_wait3A_82 : memref<1x1x1152xf32, #tpu.memory_space<hbm>> -> memref<1152xf32, #tpu.memory_space<hbm>>
      tpu.wait_dma2 semaphore(%run_scoped3A_65 : memref<!tpu.dma_semaphore, #tpu.memory_space<semaphore_mem>>) src(%dma_wait3A_83 : memref<1152xf32, #tpu.memory_space<hbm>>) dst(%dma_wait3A_80 : memref<1152xf32, #tpu.memory_space<vmem>>)
      tpu.yield
    }) : () -> ()
    %run_scoped3A_5 = arith.constant 5 : i32
    "tpu.region"() ({
      %run_scoped3A_65 = tpu.sem_alloc : memref<!tpu.dma_semaphore, #tpu.memory_space<semaphore_mem>>
      %dma_start3A = arith.constant 5760 : i32
      %dma_start3A_66 = tpu.memref_slice %arg4[%dma_start3A] : memref<9216xf32, #tpu.memory_space<vmem>> -> memref<1152xf32, #tpu.memory_space<vmem>>
      %dma_start3A_67 = arith.constant 0 : i32
      %dma_start3A_68 = tpu.memref_slice %arg2[%add3A, %run_scoped3A_5, %dma_start3A_67] : memref<32x8x1152xf32, #tpu.memory_space<hbm>> -> memref<1x1x1152xf32, #tpu.memory_space<hbm>>
      %dma_start3A_69 = tpu.memref_squeeze %dma_start3A_68 : memref<1x1x1152xf32, #tpu.memory_space<hbm>> -> memref<1152xf32, #tpu.memory_space<hbm>>
      %dma_start3A_70 = arith.constant 5760 : i32
      %dma_start3A_71 = tpu.memref_slice %arg4[%dma_start3A_70] : memref<9216xf32, #tpu.memory_space<vmem>> -> memref<1152xf32, #tpu.memory_space<vmem>>
      %dma_start3A_72 = arith.constant 0 : i32
      %dma_start3A_73 = tpu.memref_slice %arg2[%add3A, %run_scoped3A_5, %dma_start3A_72] : memref<32x8x1152xf32, #tpu.memory_space<hbm>> -> memref<1x1x1152xf32, #tpu.memory_space<hbm>>
      %dma_start3A_74 = tpu.memref_squeeze %dma_start3A_73 : memref<1x1x1152xf32, #tpu.memory_space<hbm>> -> memref<1152xf32, #tpu.memory_space<hbm>>
      tpu.enqueue_dma source(%dma_start3A_74 : memref<1152xf32, #tpu.memory_space<hbm>>) target(%dma_start3A_71 : memref<1152xf32, #tpu.memory_space<vmem>>) target_semaphore(%run_scoped3A_65 : memref<!tpu.dma_semaphore, #tpu.memory_space<semaphore_mem>>)
      %dma_wait3A = arith.constant 5760 : i32
      %dma_wait3A_75 = tpu.memref_slice %arg4[%dma_wait3A] : memref<9216xf32, #tpu.memory_space<vmem>> -> memref<1152xf32, #tpu.memory_space<vmem>>
      %dma_wait3A_76 = arith.constant 0 : i32
      %dma_wait3A_77 = tpu.memref_slice %arg2[%add3A, %run_scoped3A_5, %dma_wait3A_76] : memref<32x8x1152xf32, #tpu.memory_space<hbm>> -> memref<1x1x1152xf32, #tpu.memory_space<hbm>>
      %dma_wait3A_78 = tpu.memref_squeeze %dma_wait3A_77 : memref<1x1x1152xf32, #tpu.memory_space<hbm>> -> memref<1152xf32, #tpu.memory_space<hbm>>
      %dma_wait3A_79 = arith.constant 5760 : i32
      %dma_wait3A_80 = tpu.memref_slice %arg4[%dma_wait3A_79] : memref<9216xf32, #tpu.memory_space<vmem>> -> memref<1152xf32, #tpu.memory_space<vmem>>
      %dma_wait3A_81 = arith.constant 0 : i32
      %dma_wait3A_82 = tpu.memref_slice %arg2[%add3A, %run_scoped3A_5, %dma_wait3A_81] : memref<32x8x1152xf32, #tpu.memory_space<hbm>> -> memref<1x1x1152xf32, #tpu.memory_space<hbm>>
      %dma_wait3A_83 = tpu.memref_squeeze %dma_wait3A_82 : memref<1x1x1152xf32, #tpu.memory_space<hbm>> -> memref<1152xf32, #tpu.memory_space<hbm>>
      tpu.wait_dma2 semaphore(%run_scoped3A_65 : memref<!tpu.dma_semaphore, #tpu.memory_space<semaphore_mem>>) src(%dma_wait3A_83 : memref<1152xf32, #tpu.memory_space<hbm>>) dst(%dma_wait3A_80 : memref<1152xf32, #tpu.memory_space<vmem>>)
      tpu.yield
    }) : () -> ()
    %run_scoped3A_6 = arith.constant 6 : i32
    "tpu.region"() ({
      %run_scoped3A_65 = tpu.sem_alloc : memref<!tpu.dma_semaphore, #tpu.memory_space<semaphore_mem>>
      %dma_start3A = arith.constant 6912 : i32
      %dma_start3A_66 = tpu.memref_slice %arg4[%dma_start3A] : memref<9216xf32, #tpu.memory_space<vmem>> -> memref<1152xf32, #tpu.memory_space<vmem>>
      %dma_start3A_67 = arith.constant 0 : i32
      %dma_start3A_68 = tpu.memref_slice %arg2[%add3A, %run_scoped3A_6, %dma_start3A_67] : memref<32x8x1152xf32, #tpu.memory_space<hbm>> -> memref<1x1x1152xf32, #tpu.memory_space<hbm>>
      %dma_start3A_69 = tpu.memref_squeeze %dma_start3A_68 : memref<1x1x1152xf32, #tpu.memory_space<hbm>> -> memref<1152xf32, #tpu.memory_space<hbm>>
      %dma_start3A_70 = arith.constant 6912 : i32
      %dma_start3A_71 = tpu.memref_slice %arg4[%dma_start3A_70] : memref<9216xf32, #tpu.memory_space<vmem>> -> memref<1152xf32, #tpu.memory_space<vmem>>
      %dma_start3A_72 = arith.constant 0 : i32
      %dma_start3A_73 = tpu.memref_slice %arg2[%add3A, %run_scoped3A_6, %dma_start3A_72] : memref<32x8x1152xf32, #tpu.memory_space<hbm>> -> memref<1x1x1152xf32, #tpu.memory_space<hbm>>
      %dma_start3A_74 = tpu.memref_squeeze %dma_start3A_73 : memref<1x1x1152xf32, #tpu.memory_space<hbm>> -> memref<1152xf32, #tpu.memory_space<hbm>>
      tpu.enqueue_dma source(%dma_start3A_74 : memref<1152xf32, #tpu.memory_space<hbm>>) target(%dma_start3A_71 : memref<1152xf32, #tpu.memory_space<vmem>>) target_semaphore(%run_scoped3A_65 : memref<!tpu.dma_semaphore, #tpu.memory_space<semaphore_mem>>)
      %dma_wait3A = arith.constant 6912 : i32
      %dma_wait3A_75 = tpu.memref_slice %arg4[%dma_wait3A] : memref<9216xf32, #tpu.memory_space<vmem>> -> memref<1152xf32, #tpu.memory_space<vmem>>
      %dma_wait3A_76 = arith.constant 0 : i32
      %dma_wait3A_77 = tpu.memref_slice %arg2[%add3A, %run_scoped3A_6, %dma_wait3A_76] : memref<32x8x1152xf32, #tpu.memory_space<hbm>> -> memref<1x1x1152xf32, #tpu.memory_space<hbm>>
      %dma_wait3A_78 = tpu.memref_squeeze %dma_wait3A_77 : memref<1x1x1152xf32, #tpu.memory_space<hbm>> -> memref<1152xf32, #tpu.memory_space<hbm>>
      %dma_wait3A_79 = arith.constant 6912 : i32
      %dma_wait3A_80 = tpu.memref_slice %arg4[%dma_wait3A_79] : memref<9216xf32, #tpu.memory_space<vmem>> -> memref<1152xf32, #tpu.memory_space<vmem>>
      %dma_wait3A_81 = arith.constant 0 : i32
      %dma_wait3A_82 = tpu.memref_slice %arg2[%add3A, %run_scoped3A_6, %dma_wait3A_81] : memref<32x8x1152xf32, #tpu.memory_space<hbm>> -> memref<1x1x1152xf32, #tpu.memory_space<hbm>>
      %dma_wait3A_83 = tpu.memref_squeeze %dma_wait3A_82 : memref<1x1x1152xf32, #tpu.memory_space<hbm>> -> memref<1152xf32, #tpu.memory_space<hbm>>
      tpu.wait_dma2 semaphore(%run_scoped3A_65 : memref<!tpu.dma_semaphore, #tpu.memory_space<semaphore_mem>>) src(%dma_wait3A_83 : memref<1152xf32, #tpu.memory_space<hbm>>) dst(%dma_wait3A_80 : memref<1152xf32, #tpu.memory_space<vmem>>)
      tpu.yield
    }) : () -> ()
    %run_scoped3A_7 = arith.constant 7 : i32
    "tpu.region"() ({
      %run_scoped3A_65 = tpu.sem_alloc : memref<!tpu.dma_semaphore, #tpu.memory_space<semaphore_mem>>
      %dma_start3A = arith.constant 8064 : i32
      %dma_start3A_66 = tpu.memref_slice %arg4[%dma_start3A] : memref<9216xf32, #tpu.memory_space<vmem>> -> memref<1152xf32, #tpu.memory_space<vmem>>
      %dma_start3A_67 = arith.constant 0 : i32
      %dma_start3A_68 = tpu.memref_slice %arg2[%add3A, %run_scoped3A_7, %dma_start3A_67] : memref<32x8x1152xf32, #tpu.memory_space<hbm>> -> memref<1x1x1152xf32, #tpu.memory_space<hbm>>
      %dma_start3A_69 = tpu.memref_squeeze %dma_start3A_68 : memref<1x1x1152xf32, #tpu.memory_space<hbm>> -> memref<1152xf32, #tpu.memory_space<hbm>>
      %dma_start3A_70 = arith.constant 8064 : i32
      %dma_start3A_71 = tpu.memref_slice %arg4[%dma_start3A_70] : memref<9216xf32, #tpu.memory_space<vmem>> -> memref<1152xf32, #tpu.memory_space<vmem>>
      %dma_start3A_72 = arith.constant 0 : i32
      %dma_start3A_73 = tpu.memref_slice %arg2[%add3A, %run_scoped3A_7, %dma_start3A_72] : memref<32x8x1152xf32, #tpu.memory_space<hbm>> -> memref<1x1x1152xf32, #tpu.memory_space<hbm>>
      %dma_start3A_74 = tpu.memref_squeeze %dma_start3A_73 : memref<1x1x1152xf32, #tpu.memory_space<hbm>> -> memref<1152xf32, #tpu.memory_space<hbm>>
      tpu.enqueue_dma source(%dma_start3A_74 : memref<1152xf32, #tpu.memory_space<hbm>>) target(%dma_start3A_71 : memref<1152xf32, #tpu.memory_space<vmem>>) target_semaphore(%run_scoped3A_65 : memref<!tpu.dma_semaphore, #tpu.memory_space<semaphore_mem>>)
      %dma_wait3A = arith.constant 8064 : i32
      %dma_wait3A_75 = tpu.memref_slice %arg4[%dma_wait3A] : memref<9216xf32, #tpu.memory_space<vmem>> -> memref<1152xf32, #tpu.memory_space<vmem>>
      %dma_wait3A_76 = arith.constant 0 : i32
      %dma_wait3A_77 = tpu.memref_slice %arg2[%add3A, %run_scoped3A_7, %dma_wait3A_76] : memref<32x8x1152xf32, #tpu.memory_space<hbm>> -> memref<1x1x1152xf32, #tpu.memory_space<hbm>>
      %dma_wait3A_78 = tpu.memref_squeeze %dma_wait3A_77 : memref<1x1x1152xf32, #tpu.memory_space<hbm>> -> memref<1152xf32, #tpu.memory_space<hbm>>
      %dma_wait3A_79 = arith.constant 8064 : i32
      %dma_wait3A_80 = tpu.memref_slice %arg4[%dma_wait3A_79] : memref<9216xf32, #tpu.memory_space<vmem>> -> memref<1152xf32, #tpu.memory_space<vmem>>
      %dma_wait3A_81 = arith.constant 0 : i32
      %dma_wait3A_82 = tpu.memref_slice %arg2[%add3A, %run_scoped3A_7, %dma_wait3A_81] : memref<32x8x1152xf32, #tpu.memory_space<hbm>> -> memref<1x1x1152xf32, #tpu.memory_space<hbm>>
      %dma_wait3A_83 = tpu.memref_squeeze %dma_wait3A_82 : memref<1x1x1152xf32, #tpu.memory_space<hbm>> -> memref<1152xf32, #tpu.memory_space<hbm>>
      tpu.wait_dma2 semaphore(%run_scoped3A_65 : memref<!tpu.dma_semaphore, #tpu.memory_space<semaphore_mem>>) src(%dma_wait3A_83 : memref<1152xf32, #tpu.memory_space<hbm>>) dst(%dma_wait3A_80 : memref<1152xf32, #tpu.memory_space<vmem>>)
      tpu.yield
    }) : () -> ()
    %get3A = arith.constant 9200 : index
    %get3A_8 = tpu.vector_load %arg4[%get3A] {strides = array<i32>} : memref<9216xf32, #tpu.memory_space<vmem>>, vector<16xf32>,
    %eq3A = arith.constant 15 : i32
    %eq3A_9 = vector.broadcast %eq3A : i32 to vector<16xi32>
    %eq3A_10 = arith.cmpi eq, %iota3A, %eq3A_9 : vector<16xi32>
    %jit3A = arith.constant 0.000000e+00 : f32
    %broadcast_in_dim3A = vector.broadcast %jit3A : f32 to vector<16xf32>
    %select_n3A = arith.select %eq3A_10, %get3A_8, %broadcast_in_dim3A : vector<16xi1>, vector<16xf32>
    %reduce_sum3A = arith.constant true
    %reduce_sum3A_11 = vector.broadcast %reduce_sum3A : i1 to vector<16xi1>
    %reduce_sum3A_12 = tpu.scan <sum>, %select_n3A masked %reduce_sum3A_11 : vector<16xf32>, vector<16xi1> -> vector<16xf32>
    %reduce_sum3A_13 = vector.extract %reduce_sum3A_12[15] : f32 from vector<16xf32>
    %eq3A_14 = arith.constant 15 : i32
    %eq3A_15 = vector.broadcast %eq3A_14 : i32 to vector<16xi32>
    %eq3A_16 = arith.cmpi eq, %iota3A, %eq3A_15 : vector<16xi32>
    %jit3A_17 = arith.constant 0.000000e+00 : f32
    %broadcast_in_dim3A_18 = vector.broadcast %jit3A_17 : f32 to vector<16xf32>
    %select_n3A_19 = arith.select %eq3A_16, %broadcast_in_dim3A_18, %get3A_8 : vector<16xi1>, vector<16xf32>
    %swap3A = arith.constant 9200 : index
    %swap3A_20 = tpu.vector_load %arg4[%swap3A] {strides = array<i32>} : memref<9216xf32, #tpu.memory_space<vmem>>, vector<16xf32>,
    tpu.vector_store %arg4[%swap3A], %select_n3A_19 {strides = array<i32>} : memref<9216xf32, #tpu.memory_space<vmem>>, vector<16xf32>,
    %convert_element_type3A = arith.fptosi %reduce_sum3A_13 : f32 to i32
    %mul3A_21 = arith.constant 3 : i32
    %mul3A_22 = arith.muli %mul3A_21, %convert_element_type3A : i32
    %scan3A = arith.constant 0 : i32
    %scan3A_23 = arith.constant 0 : i32
    %scan3A_24 = arith.constant 22 : i32
    %scan3A_25 = arith.addi %scan3A_23, %scan3A_24 : i32
    %scan3A_26 = arith.constant 1 : i32
    %scan3A_27 = scf.for %scan3A_65 = %scan3A_23 to %scan3A_25 step %scan3A_26 iter_args(%scan3A_66 = %scan3A) -> (i32)  : i32 {
      %sub3A_67 = arith.constant 30 : i32
      %sub3A_68 = arith.subi %sub3A_67, %scan3A_65 : i32
      %shift_left3A = arith.constant 1 : i32
      %shift_left3A_69 = arith.shli %shift_left3A, %sub3A_68 : i32
      %or3A = arith.ori %scan3A_66, %shift_left3A_69 : i32
      %broadcast_in_dim3A_70 = arith.constant 0 : i32
      %broadcast_in_dim3A_71 = vector.broadcast %broadcast_in_dim3A_70 : i32 to vector<16xi32>
      %scan3A_72 = arith.constant 0 : i32
      %scan3A_73 = arith.constant 48 : i32
      %scan3A_74 = arith.addi %scan3A_72, %scan3A_73 : i32
      %scan3A_75 = arith.constant 1 : i32
      %scan3A_76 = scf.for %scan3A_83 = %scan3A_72 to %scan3A_74 step %scan3A_75 iter_args(%scan3A_84 = %broadcast_in_dim3A_71) -> (vector<16xi32>)  : i32 {
        %mul3A_85 = arith.constant 12 : i32
        %mul3A_86 = arith.muli %scan3A_83, %mul3A_85 : i32
        %add3A_87 = arith.constant 0 : i32
        %add3A_88 = arith.addi %mul3A_86, %add3A_87 : i32
        %mul3A_89 = arith.constant 16 : i32
        %mul3A_90 = arith.muli %mul3A_89, %add3A_88 : i32
        %multiple_of3A = tpu.assume_multiple %mul3A_90, 16 : i32
        %get3A_91 = arith.index_cast %multiple_of3A : i32 to index
        %get3A_92 = tpu.vector_load %arg4[%get3A_91] {strides = array<i32>} : memref<9216xf32, #tpu.memory_space<vmem>>, vector<16xf32>,
        %bitcast3A_93 = vector.bitcast %get3A_92 : vector<16xf32> to vector<16xi32>
        %ge3A_94 = vector.broadcast %or3A : i32 to vector<16xi32>
        %ge3A_95 = arith.cmpi sge, %bitcast3A_93, %ge3A_94 : vector<16xi32>
        %jit3A_96 = arith.constant 1 : i32
        %jit3A_97 = arith.constant 0 : i32
        %broadcast_in_dim3A_98 = vector.broadcast %jit3A_96 : i32 to vector<16xi32>
        %broadcast_in_dim3A_99 = vector.broadcast %jit3A_97 : i32 to vector<16xi32>
        %select_n3A_100 = arith.select %ge3A_95, %broadcast_in_dim3A_98, %broadcast_in_dim3A_99 : vector<16xi1>, vector<16xi32>
        %add3A_101 = arith.addi %scan3A_84, %select_n3A_100 : vector<16xi32>
        %mul3A_102 = arith.constant 12 : i32
        %mul3A_103 = arith.muli %scan3A_83, %mul3A_102 : i32
        %add3A_104 = arith.constant 1 : i32
        %add3A_105 = arith.addi %mul3A_103, %add3A_104 : i32
        %mul3A_106 = arith.constant 16 : i32
        %mul3A_107 = arith.muli %mul3A_106, %add3A_105 : i32
        %multiple_of3A_108 = tpu.assume_multiple %mul3A_107, 16 : i32
        %get3A_109 = arith.index_cast %multiple_of3A_108 : i32 to index
        %get3A_110 = tpu.vector_load %arg4[%get3A_109] {strides = array<i32>} : memref<9216xf32, #tpu.memory_space<vmem>>, vector<16xf32>,
        %bitcast3A_111 = vector.bitcast %get3A_110 : vector<16xf32> to vector<16xi32>
        %ge3A_112 = vector.broadcast %or3A : i32 to vector<16xi32>
        %ge3A_113 = arith.cmpi sge, %bitcast3A_111, %ge3A_112 : vector<16xi32>
        %jit3A_114 = arith.constant 1 : i32
        %jit3A_115 = arith.constant 0 : i32
        %broadcast_in_dim3A_116 = vector.broadcast %jit3A_114 : i32 to vector<16xi32>
        %broadcast_in_dim3A_117 = vector.broadcast %jit3A_115 : i32 to vector<16xi32>
        %select_n3A_118 = arith.select %ge3A_113, %broadcast_in_dim3A_116, %broadcast_in_dim3A_117 : vector<16xi1>, vector<16xi32>
        %add3A_119 = arith.addi %add3A_101, %select_n3A_118 : vector<16xi32>
        %mul3A_120 = arith.constant 12 : i32
        %mul3A_121 = arith.muli %scan3A_83, %mul3A_120 : i32
        %add3A_122 = arith.constant 2 : i32
        %add3A_123 = arith.addi %mul3A_121, %add3A_122 : i32
        %mul3A_124 = arith.constant 16 : i32
        %mul3A_125 = arith.muli %mul3A_124, %add3A_123 : i32
        %multiple_of3A_126 = tpu.assume_multiple %mul3A_125, 16 : i32
        %get3A_127 = arith.index_cast %multiple_of3A_126 : i32 to index
        %get3A_128 = tpu.vector_load %arg4[%get3A_127] {strides = array<i32>} : memref<9216xf32, #tpu.memory_space<vmem>>, vector<16xf32>,
        %bitcast3A_129 = vector.bitcast %get3A_128 : vector<16xf32> to vector<16xi32>
        %ge3A_130 = vector.broadcast %or3A : i32 to vector<16xi32>
        %ge3A_131 = arith.cmpi sge, %bitcast3A_129, %ge3A_130 : vector<16xi32>
        %jit3A_132 = arith.constant 1 : i32
        %jit3A_133 = arith.constant 0 : i32
        %broadcast_in_dim3A_134 = vector.broadcast %jit3A_132 : i32 to vector<16xi32>
        %broadcast_in_dim3A_135 = vector.broadcast %jit3A_133 : i32 to vector<16xi32>
        %select_n3A_136 = arith.select %ge3A_131, %broadcast_in_dim3A_134, %broadcast_in_dim3A_135 : vector<16xi1>, vector<16xi32>
        %add3A_137 = arith.addi %add3A_119, %select_n3A_136 : vector<16xi32>
        %mul3A_138 = arith.constant 12 : i32
        %mul3A_139 = arith.muli %scan3A_83, %mul3A_138 : i32
        %add3A_140 = arith.constant 3 : i32
        %add3A_141 = arith.addi %mul3A_139, %add3A_140 : i32
        %mul3A_142 = arith.constant 16 : i32
        %mul3A_143 = arith.muli %mul3A_142, %add3A_141 : i32
        %multiple_of3A_144 = tpu.assume_multiple %mul3A_143, 16 : i32
        %get3A_145 = arith.index_cast %multiple_of3A_144 : i32 to index
        %get3A_146 = tpu.vector_load %arg4[%get3A_145] {strides = array<i32>} : memref<9216xf32, #tpu.memory_space<vmem>>, vector<16xf32>,
        %bitcast3A_147 = vector.bitcast %get3A_146 : vector<16xf32> to vector<16xi32>
        %ge3A_148 = vector.broadcast %or3A : i32 to vector<16xi32>
        %ge3A_149 = arith.cmpi sge, %bitcast3A_147, %ge3A_148 : vector<16xi32>
        %jit3A_150 = arith.constant 1 : i32
        %jit3A_151 = arith.constant 0 : i32
        %broadcast_in_dim3A_152 = vector.broadcast %jit3A_150 : i32 to vector<16xi32>
        %broadcast_in_dim3A_153 = vector.broadcast %jit3A_151 : i32 to vector<16xi32>
        %select_n3A_154 = arith.select %ge3A_149, %broadcast_in_dim3A_152, %broadcast_in_dim3A_153 : vector<16xi1>, vector<16xi32>
        %add3A_155 = arith.addi %add3A_137, %select_n3A_154 : vector<16xi32>
        %mul3A_156 = arith.constant 12 : i32
        %mul3A_157 = arith.muli %scan3A_83, %mul3A_156 : i32
        %add3A_158 = arith.constant 4 : i32
        %add3A_159 = arith.addi %mul3A_157, %add3A_158 : i32
        %mul3A_160 = arith.constant 16 : i32
        %mul3A_161 = arith.muli %mul3A_160, %add3A_159 : i32
        %multiple_of3A_162 = tpu.assume_multiple %mul3A_161, 16 : i32
        %get3A_163 = arith.index_cast %multiple_of3A_162 : i32 to index
        %get3A_164 = tpu.vector_load %arg4[%get3A_163] {strides = array<i32>} : memref<9216xf32, #tpu.memory_space<vmem>>, vector<16xf32>,
        %bitcast3A_165 = vector.bitcast %get3A_164 : vector<16xf32> to vector<16xi32>
        %ge3A_166 = vector.broadcast %or3A : i32 to vector<16xi32>
        %ge3A_167 = arith.cmpi sge, %bitcast3A_165, %ge3A_166 : vector<16xi32>
        %jit3A_168 = arith.constant 1 : i32
        %jit3A_169 = arith.constant 0 : i32
        %broadcast_in_dim3A_170 = vector.broadcast %jit3A_168 : i32 to vector<16xi32>
        %broadcast_in_dim3A_171 = vector.broadcast %jit3A_169 : i32 to vector<16xi32>
        %select_n3A_172 = arith.select %ge3A_167, %broadcast_in_dim3A_170, %broadcast_in_dim3A_171 : vector<16xi1>, vector<16xi32>
        %add3A_173 = arith.addi %add3A_155, %select_n3A_172 : vector<16xi32>
        %mul3A_174 = arith.constant 12 : i32
        %mul3A_175 = arith.muli %scan3A_83, %mul3A_174 : i32
        %add3A_176 = arith.constant 5 : i32
        %add3A_177 = arith.addi %mul3A_175, %add3A_176 : i32
        %mul3A_178 = arith.constant 16 : i32
        %mul3A_179 = arith.muli %mul3A_178, %add3A_177 : i32
        %multiple_of3A_180 = tpu.assume_multiple %mul3A_179, 16 : i32
        %get3A_181 = arith.index_cast %multiple_of3A_180 : i32 to index
        %get3A_182 = tpu.vector_load %arg4[%get3A_181] {strides = array<i32>} : memref<9216xf32, #tpu.memory_space<vmem>>, vector<16xf32>,
        %bitcast3A_183 = vector.bitcast %get3A_182 : vector<16xf32> to vector<16xi32>
        %ge3A_184 = vector.broadcast %or3A : i32 to vector<16xi32>
        %ge3A_185 = arith.cmpi sge, %bitcast3A_183, %ge3A_184 : vector<16xi32>
        %jit3A_186 = arith.constant 1 : i32
        %jit3A_187 = arith.constant 0 : i32
        %broadcast_in_dim3A_188 = vector.broadcast %jit3A_186 : i32 to vector<16xi32>
        %broadcast_in_dim3A_189 = vector.broadcast %jit3A_187 : i32 to vector<16xi32>
        %select_n3A_190 = arith.select %ge3A_185, %broadcast_in_dim3A_188, %broadcast_in_dim3A_189 : vector<16xi1>, vector<16xi32>
        %add3A_191 = arith.addi %add3A_173, %select_n3A_190 : vector<16xi32>
        %mul3A_192 = arith.constant 12 : i32
        %mul3A_193 = arith.muli %scan3A_83, %mul3A_192 : i32
        %add3A_194 = arith.constant 6 : i32
        %add3A_195 = arith.addi %mul3A_193, %add3A_194 : i32
        %mul3A_196 = arith.constant 16 : i32
        %mul3A_197 = arith.muli %mul3A_196, %add3A_195 : i32
        %multiple_of3A_198 = tpu.assume_multiple %mul3A_197, 16 : i32
        %get3A_199 = arith.index_cast %multiple_of3A_198 : i32 to index
        %get3A_200 = tpu.vector_load %arg4[%get3A_199] {strides = array<i32>} : memref<9216xf32, #tpu.memory_space<vmem>>, vector<16xf32>,
        %bitcast3A_201 = vector.bitcast %get3A_200 : vector<16xf32> to vector<16xi32>
        %ge3A_202 = vector.broadcast %or3A : i32 to vector<16xi32>
        %ge3A_203 = arith.cmpi sge, %bitcast3A_201, %ge3A_202 : vector<16xi32>
        %jit3A_204 = arith.constant 1 : i32
        %jit3A_205 = arith.constant 0 : i32
        %broadcast_in_dim3A_206 = vector.broadcast %jit3A_204 : i32 to vector<16xi32>
        %broadcast_in_dim3A_207 = vector.broadcast %jit3A_205 : i32 to vector<16xi32>
        %select_n3A_208 = arith.select %ge3A_203, %broadcast_in_dim3A_206, %broadcast_in_dim3A_207 : vector<16xi1>, vector<16xi32>
        %add3A_209 = arith.addi %add3A_191, %select_n3A_208 : vector<16xi32>
        %mul3A_210 = arith.constant 12 : i32
        %mul3A_211 = arith.muli %scan3A_83, %mul3A_210 : i32
        %add3A_212 = arith.constant 7 : i32
        %add3A_213 = arith.addi %mul3A_211, %add3A_212 : i32
        %mul3A_214 = arith.constant 16 : i32
        %mul3A_215 = arith.muli %mul3A_214, %add3A_213 : i32
        %multiple_of3A_216 = tpu.assume_multiple %mul3A_215, 16 : i32
        %get3A_217 = arith.index_cast %multiple_of3A_216 : i32 to index
        %get3A_218 = tpu.vector_load %arg4[%get3A_217] {strides = array<i32>} : memref<9216xf32, #tpu.memory_space<vmem>>, vector<16xf32>,
        %bitcast3A_219 = vector.bitcast %get3A_218 : vector<16xf32> to vector<16xi32>
        %ge3A_220 = vector.broadcast %or3A : i32 to vector<16xi32>
        %ge3A_221 = arith.cmpi sge, %bitcast3A_219, %ge3A_220 : vector<16xi32>
        %jit3A_222 = arith.constant 1 : i32
        %jit3A_223 = arith.constant 0 : i32
        %broadcast_in_dim3A_224 = vector.broadcast %jit3A_222 : i32 to vector<16xi32>
        %broadcast_in_dim3A_225 = vector.broadcast %jit3A_223 : i32 to vector<16xi32>
        %select_n3A_226 = arith.select %ge3A_221, %broadcast_in_dim3A_224, %broadcast_in_dim3A_225 : vector<16xi1>, vector<16xi32>
        %add3A_227 = arith.addi %add3A_209, %select_n3A_226 : vector<16xi32>
        %mul3A_228 = arith.constant 12 : i32
        %mul3A_229 = arith.muli %scan3A_83, %mul3A_228 : i32
        %add3A_230 = arith.constant 8 : i32
        %add3A_231 = arith.addi %mul3A_229, %add3A_230 : i32
        %mul3A_232 = arith.constant 16 : i32
        %mul3A_233 = arith.muli %mul3A_232, %add3A_231 : i32
        %multiple_of3A_234 = tpu.assume_multiple %mul3A_233, 16 : i32
        %get3A_235 = arith.index_cast %multiple_of3A_234 : i32 to index
        %get3A_236 = tpu.vector_load %arg4[%get3A_235] {strides = array<i32>} : memref<9216xf32, #tpu.memory_space<vmem>>, vector<16xf32>,
        %bitcast3A_237 = vector.bitcast %get3A_236 : vector<16xf32> to vector<16xi32>
        %ge3A_238 = vector.broadcast %or3A : i32 to vector<16xi32>
        %ge3A_239 = arith.cmpi sge, %bitcast3A_237, %ge3A_238 : vector<16xi32>
        %jit3A_240 = arith.constant 1 : i32
        %jit3A_241 = arith.constant 0 : i32
        %broadcast_in_dim3A_242 = vector.broadcast %jit3A_240 : i32 to vector<16xi32>
        %broadcast_in_dim3A_243 = vector.broadcast %jit3A_241 : i32 to vector<16xi32>
        %select_n3A_244 = arith.select %ge3A_239, %broadcast_in_dim3A_242, %broadcast_in_dim3A_243 : vector<16xi1>, vector<16xi32>
        %add3A_245 = arith.addi %add3A_227, %select_n3A_244 : vector<16xi32>
        %mul3A_246 = arith.constant 12 : i32
        %mul3A_247 = arith.muli %scan3A_83, %mul3A_246 : i32
        %add3A_248 = arith.constant 9 : i32
        %add3A_249 = arith.addi %mul3A_247, %add3A_248 : i32
        %mul3A_250 = arith.constant 16 : i32
        %mul3A_251 = arith.muli %mul3A_250, %add3A_249 : i32
        %multiple_of3A_252 = tpu.assume_multiple %mul3A_251, 16 : i32
        %get3A_253 = arith.index_cast %multiple_of3A_252 : i32 to index
        %get3A_254 = tpu.vector_load %arg4[%get3A_253] {strides = array<i32>} : memref<9216xf32, #tpu.memory_space<vmem>>, vector<16xf32>,
        %bitcast3A_255 = vector.bitcast %get3A_254 : vector<16xf32> to vector<16xi32>
        %ge3A_256 = vector.broadcast %or3A : i32 to vector<16xi32>
        %ge3A_257 = arith.cmpi sge, %bitcast3A_255, %ge3A_256 : vector<16xi32>
        %jit3A_258 = arith.constant 1 : i32
        %jit3A_259 = arith.constant 0 : i32
        %broadcast_in_dim3A_260 = vector.broadcast %jit3A_258 : i32 to vector<16xi32>
        %broadcast_in_dim3A_261 = vector.broadcast %jit3A_259 : i32 to vector<16xi32>
        %select_n3A_262 = arith.select %ge3A_257, %broadcast_in_dim3A_260, %broadcast_in_dim3A_261 : vector<16xi1>, vector<16xi32>
        %add3A_263 = arith.addi %add3A_245, %select_n3A_262 : vector<16xi32>
        %mul3A_264 = arith.constant 12 : i32
        %mul3A_265 = arith.muli %scan3A_83, %mul3A_264 : i32
        %add3A_266 = arith.constant 10 : i32
        %add3A_267 = arith.addi %mul3A_265, %add3A_266 : i32
        %mul3A_268 = arith.constant 16 : i32
        %mul3A_269 = arith.muli %mul3A_268, %add3A_267 : i32
        %multiple_of3A_270 = tpu.assume_multiple %mul3A_269, 16 : i32
        %get3A_271 = arith.index_cast %multiple_of3A_270 : i32 to index
        %get3A_272 = tpu.vector_load %arg4[%get3A_271] {strides = array<i32>} : memref<9216xf32, #tpu.memory_space<vmem>>, vector<16xf32>,
        %bitcast3A_273 = vector.bitcast %get3A_272 : vector<16xf32> to vector<16xi32>
        %ge3A_274 = vector.broadcast %or3A : i32 to vector<16xi32>
        %ge3A_275 = arith.cmpi sge, %bitcast3A_273, %ge3A_274 : vector<16xi32>
        %jit3A_276 = arith.constant 1 : i32
        %jit3A_277 = arith.constant 0 : i32
        %broadcast_in_dim3A_278 = vector.broadcast %jit3A_276 : i32 to vector<16xi32>
        %broadcast_in_dim3A_279 = vector.broadcast %jit3A_277 : i32 to vector<16xi32>
        %select_n3A_280 = arith.select %ge3A_275, %broadcast_in_dim3A_278, %broadcast_in_dim3A_279 : vector<16xi1>, vector<16xi32>
        %add3A_281 = arith.addi %add3A_263, %select_n3A_280 : vector<16xi32>
        %mul3A_282 = arith.constant 12 : i32
        %mul3A_283 = arith.muli %scan3A_83, %mul3A_282 : i32
        %add3A_284 = arith.constant 11 : i32
        %add3A_285 = arith.addi %mul3A_283, %add3A_284 : i32
        %mul3A_286 = arith.constant 16 : i32
        %mul3A_287 = arith.muli %mul3A_286, %add3A_285 : i32
        %multiple_of3A_288 = tpu.assume_multiple %mul3A_287, 16 : i32
        %get3A_289 = arith.index_cast %multiple_of3A_288 : i32 to index
        %get3A_290 = tpu.vector_load %arg4[%get3A_289] {strides = array<i32>} : memref<9216xf32, #tpu.memory_space<vmem>>, vector<16xf32>,
        %bitcast3A_291 = vector.bitcast %get3A_290 : vector<16xf32> to vector<16xi32>
        %ge3A_292 = vector.broadcast %or3A : i32 to vector<16xi32>
        %ge3A_293 = arith.cmpi sge, %bitcast3A_291, %ge3A_292 : vector<16xi32>
        %jit3A_294 = arith.constant 1 : i32
        %jit3A_295 = arith.constant 0 : i32
        %broadcast_in_dim3A_296 = vector.broadcast %jit3A_294 : i32 to vector<16xi32>
        %broadcast_in_dim3A_297 = vector.broadcast %jit3A_295 : i32 to vector<16xi32>
        %select_n3A_298 = arith.select %ge3A_293, %broadcast_in_dim3A_296, %broadcast_in_dim3A_297 : vector<16xi1>, vector<16xi32>
        %add3A_299 = arith.addi %add3A_281, %select_n3A_298 : vector<16xi32>
        scf.yield %add3A_299 : vector<16xi32>
      }
      %scan3A_77 = arith.constant 48 : i32
      %reduce_sum3A_78 = arith.constant true
      %reduce_sum3A_79 = vector.broadcast %reduce_sum3A_78 : i1 to vector<16xi1>
      %reduce_sum3A_80 = tpu.scan <sum>, %scan3A_76 masked %reduce_sum3A_79 : vector<16xi32>, vector<16xi1> -> vector<16xi32>
      %reduce_sum3A_81 = vector.extract %reduce_sum3A_80[15] : i32 from vector<16xi32>
      %ge3A = arith.cmpi sge, %reduce_sum3A_81, %mul3A_22 : i32
      %select_n3A_82 = arith.select %ge3A, %or3A, %scan3A_66 : i32
      scf.yield %select_n3A_82 : i32
    }
    %scan3A_28 = arith.constant 22 : i32
    %broadcast_in_dim3A_29 = arith.constant 0 : i32
    %broadcast_in_dim3A_30 = vector.broadcast %broadcast_in_dim3A_29 : i32 to vector<16xi32>
    %broadcast_in_dim3A_31 = arith.constant 0.000000e+00 : f32
    %broadcast_in_dim3A_32 = vector.broadcast %broadcast_in_dim3A_31 : f32 to vector<16xf32>
    %scan3A_33 = arith.constant 0 : i32
    %scan3A_34 = arith.constant 48 : i32
    %scan3A_35 = arith.addi %scan3A_33, %scan3A_34 : i32
    %scan3A_36 = arith.constant 1 : i32
    %scan3A_37:2 = scf.for %scan3A_65 = %scan3A_33 to %scan3A_35 step %scan3A_36 iter_args(%scan3A_66 = %broadcast_in_dim3A_30, %scan3A_67 = %broadcast_in_dim3A_32) -> (vector<16xi32>, vector<16xf32>)  : i32 {
      %mul3A_68 = arith.constant 12 : i32
      %mul3A_69 = arith.muli %scan3A_65, %mul3A_68 : i32
      %add3A_70 = arith.constant 0 : i32
      %add3A_71 = arith.addi %mul3A_69, %add3A_70 : i32
      %mul3A_72 = arith.constant 16 : i32
      %mul3A_73 = arith.muli %mul3A_72, %add3A_71 : i32
      %multiple_of3A = tpu.assume_multiple %mul3A_73, 16 : i32
      %get3A_74 = arith.index_cast %multiple_of3A : i32 to index
      %get3A_75 = tpu.vector_load %arg4[%get3A_74] {strides = array<i32>} : memref<9216xf32, #tpu.memory_space<vmem>>, vector<16xf32>,
      %bitcast3A_76 = vector.bitcast %get3A_75 : vector<16xf32> to vector<16xi32>
      %gt3A = vector.broadcast %scan3A_27 : i32 to vector<16xi32>
      %gt3A_77 = arith.cmpi sgt, %bitcast3A_76, %gt3A : vector<16xi32>
      %jit3A_78 = arith.constant 1 : i32
      %jit3A_79 = arith.constant 0 : i32
      %broadcast_in_dim3A_80 = vector.broadcast %jit3A_78 : i32 to vector<16xi32>
      %broadcast_in_dim3A_81 = vector.broadcast %jit3A_79 : i32 to vector<16xi32>
      %select_n3A_82 = arith.select %gt3A_77, %broadcast_in_dim3A_80, %broadcast_in_dim3A_81 : vector<16xi1>, vector<16xi32>
      %add3A_83 = arith.addi %scan3A_66, %select_n3A_82 : vector<16xi32>
      %jit3A_84 = arith.constant 0.000000e+00 : f32
      %broadcast_in_dim3A_85 = vector.broadcast %jit3A_84 : f32 to vector<16xf32>
      %select_n3A_86 = arith.select %gt3A_77, %get3A_75, %broadcast_in_dim3A_85 : vector<16xi1>, vector<16xf32>
      %add3A_87 = arith.addf %scan3A_67, %select_n3A_86 : vector<16xf32>
      %mul3A_88 = arith.constant 12 : i32
      %mul3A_89 = arith.muli %scan3A_65, %mul3A_88 : i32
      %add3A_90 = arith.constant 1 : i32
      %add3A_91 = arith.addi %mul3A_89, %add3A_90 : i32
      %mul3A_92 = arith.constant 16 : i32
      %mul3A_93 = arith.muli %mul3A_92, %add3A_91 : i32
      %multiple_of3A_94 = tpu.assume_multiple %mul3A_93, 16 : i32
      %get3A_95 = arith.index_cast %multiple_of3A_94 : i32 to index
      %get3A_96 = tpu.vector_load %arg4[%get3A_95] {strides = array<i32>} : memref<9216xf32, #tpu.memory_space<vmem>>, vector<16xf32>,
      %bitcast3A_97 = vector.bitcast %get3A_96 : vector<16xf32> to vector<16xi32>
      %gt3A_98 = vector.broadcast %scan3A_27 : i32 to vector<16xi32>
      %gt3A_99 = arith.cmpi sgt, %bitcast3A_97, %gt3A_98 : vector<16xi32>
      %jit3A_100 = arith.constant 1 : i32
      %jit3A_101 = arith.constant 0 : i32
      %broadcast_in_dim3A_102 = vector.broadcast %jit3A_100 : i32 to vector<16xi32>
      %broadcast_in_dim3A_103 = vector.broadcast %jit3A_101 : i32 to vector<16xi32>
      %select_n3A_104 = arith.select %gt3A_99, %broadcast_in_dim3A_102, %broadcast_in_dim3A_103 : vector<16xi1>, vector<16xi32>
      %add3A_105 = arith.addi %add3A_83, %select_n3A_104 : vector<16xi32>
      %jit3A_106 = arith.constant 0.000000e+00 : f32
      %broadcast_in_dim3A_107 = vector.broadcast %jit3A_106 : f32 to vector<16xf32>
      %select_n3A_108 = arith.select %gt3A_99, %get3A_96, %broadcast_in_dim3A_107 : vector<16xi1>, vector<16xf32>
      %add3A_109 = arith.addf %add3A_87, %select_n3A_108 : vector<16xf32>
      %mul3A_110 = arith.constant 12 : i32
      %mul3A_111 = arith.muli %scan3A_65, %mul3A_110 : i32
      %add3A_112 = arith.constant 2 : i32
      %add3A_113 = arith.addi %mul3A_111, %add3A_112 : i32
      %mul3A_114 = arith.constant 16 : i32
      %mul3A_115 = arith.muli %mul3A_114, %add3A_113 : i32
      %multiple_of3A_116 = tpu.assume_multiple %mul3A_115, 16 : i32
      %get3A_117 = arith.index_cast %multiple_of3A_116 : i32 to index
      %get3A_118 = tpu.vector_load %arg4[%get3A_117] {strides = array<i32>} : memref<9216xf32, #tpu.memory_space<vmem>>, vector<16xf32>,
      %bitcast3A_119 = vector.bitcast %get3A_118 : vector<16xf32> to vector<16xi32>
      %gt3A_120 = vector.broadcast %scan3A_27 : i32 to vector<16xi32>
      %gt3A_121 = arith.cmpi sgt, %bitcast3A_119, %gt3A_120 : vector<16xi32>
      %jit3A_122 = arith.constant 1 : i32
      %jit3A_123 = arith.constant 0 : i32
      %broadcast_in_dim3A_124 = vector.broadcast %jit3A_122 : i32 to vector<16xi32>
      %broadcast_in_dim3A_125 = vector.broadcast %jit3A_123 : i32 to vector<16xi32>
      %select_n3A_126 = arith.select %gt3A_121, %broadcast_in_dim3A_124, %broadcast_in_dim3A_125 : vector<16xi1>, vector<16xi32>
      %add3A_127 = arith.addi %add3A_105, %select_n3A_126 : vector<16xi32>
      %jit3A_128 = arith.constant 0.000000e+00 : f32
      %broadcast_in_dim3A_129 = vector.broadcast %jit3A_128 : f32 to vector<16xf32>
      %select_n3A_130 = arith.select %gt3A_121, %get3A_118, %broadcast_in_dim3A_129 : vector<16xi1>, vector<16xf32>
      %add3A_131 = arith.addf %add3A_109, %select_n3A_130 : vector<16xf32>
      %mul3A_132 = arith.constant 12 : i32
      %mul3A_133 = arith.muli %scan3A_65, %mul3A_132 : i32
      %add3A_134 = arith.constant 3 : i32
      %add3A_135 = arith.addi %mul3A_133, %add3A_134 : i32
      %mul3A_136 = arith.constant 16 : i32
      %mul3A_137 = arith.muli %mul3A_136, %add3A_135 : i32
      %multiple_of3A_138 = tpu.assume_multiple %mul3A_137, 16 : i32
      %get3A_139 = arith.index_cast %multiple_of3A_138 : i32 to index
      %get3A_140 = tpu.vector_load %arg4[%get3A_139] {strides = array<i32>} : memref<9216xf32, #tpu.memory_space<vmem>>, vector<16xf32>,
      %bitcast3A_141 = vector.bitcast %get3A_140 : vector<16xf32> to vector<16xi32>
      %gt3A_142 = vector.broadcast %scan3A_27 : i32 to vector<16xi32>
      %gt3A_143 = arith.cmpi sgt, %bitcast3A_141, %gt3A_142 : vector<16xi32>
      %jit3A_144 = arith.constant 1 : i32
      %jit3A_145 = arith.constant 0 : i32
      %broadcast_in_dim3A_146 = vector.broadcast %jit3A_144 : i32 to vector<16xi32>
      %broadcast_in_dim3A_147 = vector.broadcast %jit3A_145 : i32 to vector<16xi32>
      %select_n3A_148 = arith.select %gt3A_143, %broadcast_in_dim3A_146, %broadcast_in_dim3A_147 : vector<16xi1>, vector<16xi32>
      %add3A_149 = arith.addi %add3A_127, %select_n3A_148 : vector<16xi32>
      %jit3A_150 = arith.constant 0.000000e+00 : f32
      %broadcast_in_dim3A_151 = vector.broadcast %jit3A_150 : f32 to vector<16xf32>
      %select_n3A_152 = arith.select %gt3A_143, %get3A_140, %broadcast_in_dim3A_151 : vector<16xi1>, vector<16xf32>
      %add3A_153 = arith.addf %add3A_131, %select_n3A_152 : vector<16xf32>
      %mul3A_154 = arith.constant 12 : i32
      %mul3A_155 = arith.muli %scan3A_65, %mul3A_154 : i32
      %add3A_156 = arith.constant 4 : i32
      %add3A_157 = arith.addi %mul3A_155, %add3A_156 : i32
      %mul3A_158 = arith.constant 16 : i32
      %mul3A_159 = arith.muli %mul3A_158, %add3A_157 : i32
      %multiple_of3A_160 = tpu.assume_multiple %mul3A_159, 16 : i32
      %get3A_161 = arith.index_cast %multiple_of3A_160 : i32 to index
      %get3A_162 = tpu.vector_load %arg4[%get3A_161] {strides = array<i32>} : memref<9216xf32, #tpu.memory_space<vmem>>, vector<16xf32>,
      %bitcast3A_163 = vector.bitcast %get3A_162 : vector<16xf32> to vector<16xi32>
      %gt3A_164 = vector.broadcast %scan3A_27 : i32 to vector<16xi32>
      %gt3A_165 = arith.cmpi sgt, %bitcast3A_163, %gt3A_164 : vector<16xi32>
      %jit3A_166 = arith.constant 1 : i32
      %jit3A_167 = arith.constant 0 : i32
      %broadcast_in_dim3A_168 = vector.broadcast %jit3A_166 : i32 to vector<16xi32>
      %broadcast_in_dim3A_169 = vector.broadcast %jit3A_167 : i32 to vector<16xi32>
      %select_n3A_170 = arith.select %gt3A_165, %broadcast_in_dim3A_168, %broadcast_in_dim3A_169 : vector<16xi1>, vector<16xi32>
      %add3A_171 = arith.addi %add3A_149, %select_n3A_170 : vector<16xi32>
      %jit3A_172 = arith.constant 0.000000e+00 : f32
      %broadcast_in_dim3A_173 = vector.broadcast %jit3A_172 : f32 to vector<16xf32>
      %select_n3A_174 = arith.select %gt3A_165, %get3A_162, %broadcast_in_dim3A_173 : vector<16xi1>, vector<16xf32>
      %add3A_175 = arith.addf %add3A_153, %select_n3A_174 : vector<16xf32>
      %mul3A_176 = arith.constant 12 : i32
      %mul3A_177 = arith.muli %scan3A_65, %mul3A_176 : i32
      %add3A_178 = arith.constant 5 : i32
      %add3A_179 = arith.addi %mul3A_177, %add3A_178 : i32
      %mul3A_180 = arith.constant 16 : i32
      %mul3A_181 = arith.muli %mul3A_180, %add3A_179 : i32
      %multiple_of3A_182 = tpu.assume_multiple %mul3A_181, 16 : i32
      %get3A_183 = arith.index_cast %multiple_of3A_182 : i32 to index
      %get3A_184 = tpu.vector_load %arg4[%get3A_183] {strides = array<i32>} : memref<9216xf32, #tpu.memory_space<vmem>>, vector<16xf32>,
      %bitcast3A_185 = vector.bitcast %get3A_184 : vector<16xf32> to vector<16xi32>
      %gt3A_186 = vector.broadcast %scan3A_27 : i32 to vector<16xi32>
      %gt3A_187 = arith.cmpi sgt, %bitcast3A_185, %gt3A_186 : vector<16xi32>
      %jit3A_188 = arith.constant 1 : i32
      %jit3A_189 = arith.constant 0 : i32
      %broadcast_in_dim3A_190 = vector.broadcast %jit3A_188 : i32 to vector<16xi32>
      %broadcast_in_dim3A_191 = vector.broadcast %jit3A_189 : i32 to vector<16xi32>
      %select_n3A_192 = arith.select %gt3A_187, %broadcast_in_dim3A_190, %broadcast_in_dim3A_191 : vector<16xi1>, vector<16xi32>
      %add3A_193 = arith.addi %add3A_171, %select_n3A_192 : vector<16xi32>
      %jit3A_194 = arith.constant 0.000000e+00 : f32
      %broadcast_in_dim3A_195 = vector.broadcast %jit3A_194 : f32 to vector<16xf32>
      %select_n3A_196 = arith.select %gt3A_187, %get3A_184, %broadcast_in_dim3A_195 : vector<16xi1>, vector<16xf32>
      %add3A_197 = arith.addf %add3A_175, %select_n3A_196 : vector<16xf32>
      %mul3A_198 = arith.constant 12 : i32
      %mul3A_199 = arith.muli %scan3A_65, %mul3A_198 : i32
      %add3A_200 = arith.constant 6 : i32
      %add3A_201 = arith.addi %mul3A_199, %add3A_200 : i32
      %mul3A_202 = arith.constant 16 : i32
      %mul3A_203 = arith.muli %mul3A_202, %add3A_201 : i32
      %multiple_of3A_204 = tpu.assume_multiple %mul3A_203, 16 : i32
      %get3A_205 = arith.index_cast %multiple_of3A_204 : i32 to index
      %get3A_206 = tpu.vector_load %arg4[%get3A_205] {strides = array<i32>} : memref<9216xf32, #tpu.memory_space<vmem>>, vector<16xf32>,
      %bitcast3A_207 = vector.bitcast %get3A_206 : vector<16xf32> to vector<16xi32>
      %gt3A_208 = vector.broadcast %scan3A_27 : i32 to vector<16xi32>
      %gt3A_209 = arith.cmpi sgt, %bitcast3A_207, %gt3A_208 : vector<16xi32>
      %jit3A_210 = arith.constant 1 : i32
      %jit3A_211 = arith.constant 0 : i32
      %broadcast_in_dim3A_212 = vector.broadcast %jit3A_210 : i32 to vector<16xi32>
      %broadcast_in_dim3A_213 = vector.broadcast %jit3A_211 : i32 to vector<16xi32>
      %select_n3A_214 = arith.select %gt3A_209, %broadcast_in_dim3A_212, %broadcast_in_dim3A_213 : vector<16xi1>, vector<16xi32>
      %add3A_215 = arith.addi %add3A_193, %select_n3A_214 : vector<16xi32>
      %jit3A_216 = arith.constant 0.000000e+00 : f32
      %broadcast_in_dim3A_217 = vector.broadcast %jit3A_216 : f32 to vector<16xf32>
      %select_n3A_218 = arith.select %gt3A_209, %get3A_206, %broadcast_in_dim3A_217 : vector<16xi1>, vector<16xf32>
      %add3A_219 = arith.addf %add3A_197, %select_n3A_218 : vector<16xf32>
      %mul3A_220 = arith.constant 12 : i32
      %mul3A_221 = arith.muli %scan3A_65, %mul3A_220 : i32
      %add3A_222 = arith.constant 7 : i32
      %add3A_223 = arith.addi %mul3A_221, %add3A_222 : i32
      %mul3A_224 = arith.constant 16 : i32
      %mul3A_225 = arith.muli %mul3A_224, %add3A_223 : i32
      %multiple_of3A_226 = tpu.assume_multiple %mul3A_225, 16 : i32
      %get3A_227 = arith.index_cast %multiple_of3A_226 : i32 to index
      %get3A_228 = tpu.vector_load %arg4[%get3A_227] {strides = array<i32>} : memref<9216xf32, #tpu.memory_space<vmem>>, vector<16xf32>,
      %bitcast3A_229 = vector.bitcast %get3A_228 : vector<16xf32> to vector<16xi32>
      %gt3A_230 = vector.broadcast %scan3A_27 : i32 to vector<16xi32>
      %gt3A_231 = arith.cmpi sgt, %bitcast3A_229, %gt3A_230 : vector<16xi32>
      %jit3A_232 = arith.constant 1 : i32
      %jit3A_233 = arith.constant 0 : i32
      %broadcast_in_dim3A_234 = vector.broadcast %jit3A_232 : i32 to vector<16xi32>
      %broadcast_in_dim3A_235 = vector.broadcast %jit3A_233 : i32 to vector<16xi32>
      %select_n3A_236 = arith.select %gt3A_231, %broadcast_in_dim3A_234, %broadcast_in_dim3A_235 : vector<16xi1>, vector<16xi32>
      %add3A_237 = arith.addi %add3A_215, %select_n3A_236 : vector<16xi32>
      %jit3A_238 = arith.constant 0.000000e+00 : f32
      %broadcast_in_dim3A_239 = vector.broadcast %jit3A_238 : f32 to vector<16xf32>
      %select_n3A_240 = arith.select %gt3A_231, %get3A_228, %broadcast_in_dim3A_239 : vector<16xi1>, vector<16xf32>
      %add3A_241 = arith.addf %add3A_219, %select_n3A_240 : vector<16xf32>
      %mul3A_242 = arith.constant 12 : i32
      %mul3A_243 = arith.muli %scan3A_65, %mul3A_242 : i32
      %add3A_244 = arith.constant 8 : i32
      %add3A_245 = arith.addi %mul3A_243, %add3A_244 : i32
      %mul3A_246 = arith.constant 16 : i32
      %mul3A_247 = arith.muli %mul3A_246, %add3A_245 : i32
      %multiple_of3A_248 = tpu.assume_multiple %mul3A_247, 16 : i32
      %get3A_249 = arith.index_cast %multiple_of3A_248 : i32 to index
      %get3A_250 = tpu.vector_load %arg4[%get3A_249] {strides = array<i32>} : memref<9216xf32, #tpu.memory_space<vmem>>, vector<16xf32>,
      %bitcast3A_251 = vector.bitcast %get3A_250 : vector<16xf32> to vector<16xi32>
      %gt3A_252 = vector.broadcast %scan3A_27 : i32 to vector<16xi32>
      %gt3A_253 = arith.cmpi sgt, %bitcast3A_251, %gt3A_252 : vector<16xi32>
      %jit3A_254 = arith.constant 1 : i32
      %jit3A_255 = arith.constant 0 : i32
      %broadcast_in_dim3A_256 = vector.broadcast %jit3A_254 : i32 to vector<16xi32>
      %broadcast_in_dim3A_257 = vector.broadcast %jit3A_255 : i32 to vector<16xi32>
      %select_n3A_258 = arith.select %gt3A_253, %broadcast_in_dim3A_256, %broadcast_in_dim3A_257 : vector<16xi1>, vector<16xi32>
      %add3A_259 = arith.addi %add3A_237, %select_n3A_258 : vector<16xi32>
      %jit3A_260 = arith.constant 0.000000e+00 : f32
      %broadcast_in_dim3A_261 = vector.broadcast %jit3A_260 : f32 to vector<16xf32>
      %select_n3A_262 = arith.select %gt3A_253, %get3A_250, %broadcast_in_dim3A_261 : vector<16xi1>, vector<16xf32>
      %add3A_263 = arith.addf %add3A_241, %select_n3A_262 : vector<16xf32>
      %mul3A_264 = arith.constant 12 : i32
      %mul3A_265 = arith.muli %scan3A_65, %mul3A_264 : i32
      %add3A_266 = arith.constant 9 : i32
      %add3A_267 = arith.addi %mul3A_265, %add3A_266 : i32
      %mul3A_268 = arith.constant 16 : i32
      %mul3A_269 = arith.muli %mul3A_268, %add3A_267 : i32
      %multiple_of3A_270 = tpu.assume_multiple %mul3A_269, 16 : i32
      %get3A_271 = arith.index_cast %multiple_of3A_270 : i32 to index
      %get3A_272 = tpu.vector_load %arg4[%get3A_271] {strides = array<i32>} : memref<9216xf32, #tpu.memory_space<vmem>>, vector<16xf32>,
      %bitcast3A_273 = vector.bitcast %get3A_272 : vector<16xf32> to vector<16xi32>
      %gt3A_274 = vector.broadcast %scan3A_27 : i32 to vector<16xi32>
      %gt3A_275 = arith.cmpi sgt, %bitcast3A_273, %gt3A_274 : vector<16xi32>
      %jit3A_276 = arith.constant 1 : i32
      %jit3A_277 = arith.constant 0 : i32
      %broadcast_in_dim3A_278 = vector.broadcast %jit3A_276 : i32 to vector<16xi32>
      %broadcast_in_dim3A_279 = vector.broadcast %jit3A_277 : i32 to vector<16xi32>
      %select_n3A_280 = arith.select %gt3A_275, %broadcast_in_dim3A_278, %broadcast_in_dim3A_279 : vector<16xi1>, vector<16xi32>
      %add3A_281 = arith.addi %add3A_259, %select_n3A_280 : vector<16xi32>
      %jit3A_282 = arith.constant 0.000000e+00 : f32
      %broadcast_in_dim3A_283 = vector.broadcast %jit3A_282 : f32 to vector<16xf32>
      %select_n3A_284 = arith.select %gt3A_275, %get3A_272, %broadcast_in_dim3A_283 : vector<16xi1>, vector<16xf32>
      %add3A_285 = arith.addf %add3A_263, %select_n3A_284 : vector<16xf32>
      %mul3A_286 = arith.constant 12 : i32
      %mul3A_287 = arith.muli %scan3A_65, %mul3A_286 : i32
      %add3A_288 = arith.constant 10 : i32
      %add3A_289 = arith.addi %mul3A_287, %add3A_288 : i32
      %mul3A_290 = arith.constant 16 : i32
      %mul3A_291 = arith.muli %mul3A_290, %add3A_289 : i32
      %multiple_of3A_292 = tpu.assume_multiple %mul3A_291, 16 : i32
      %get3A_293 = arith.index_cast %multiple_of3A_292 : i32 to index
      %get3A_294 = tpu.vector_load %arg4[%get3A_293] {strides = array<i32>} : memref<9216xf32, #tpu.memory_space<vmem>>, vector<16xf32>,
      %bitcast3A_295 = vector.bitcast %get3A_294 : vector<16xf32> to vector<16xi32>
      %gt3A_296 = vector.broadcast %scan3A_27 : i32 to vector<16xi32>
      %gt3A_297 = arith.cmpi sgt, %bitcast3A_295, %gt3A_296 : vector<16xi32>
      %jit3A_298 = arith.constant 1 : i32
      %jit3A_299 = arith.constant 0 : i32
      %broadcast_in_dim3A_300 = vector.broadcast %jit3A_298 : i32 to vector<16xi32>
      %broadcast_in_dim3A_301 = vector.broadcast %jit3A_299 : i32 to vector<16xi32>
      %select_n3A_302 = arith.select %gt3A_297, %broadcast_in_dim3A_300, %broadcast_in_dim3A_301 : vector<16xi1>, vector<16xi32>
      %add3A_303 = arith.addi %add3A_281, %select_n3A_302 : vector<16xi32>
      %jit3A_304 = arith.constant 0.000000e+00 : f32
      %broadcast_in_dim3A_305 = vector.broadcast %jit3A_304 : f32 to vector<16xf32>
      %select_n3A_306 = arith.select %gt3A_297, %get3A_294, %broadcast_in_dim3A_305 : vector<16xi1>, vector<16xf32>
      %add3A_307 = arith.addf %add3A_285, %select_n3A_306 : vector<16xf32>
      %mul3A_308 = arith.constant 12 : i32
      %mul3A_309 = arith.muli %scan3A_65, %mul3A_308 : i32
      %add3A_310 = arith.constant 11 : i32
      %add3A_311 = arith.addi %mul3A_309, %add3A_310 : i32
      %mul3A_312 = arith.constant 16 : i32
      %mul3A_313 = arith.muli %mul3A_312, %add3A_311 : i32
      %multiple_of3A_314 = tpu.assume_multiple %mul3A_313, 16 : i32
      %get3A_315 = arith.index_cast %multiple_of3A_314 : i32 to index
      %get3A_316 = tpu.vector_load %arg4[%get3A_315] {strides = array<i32>} : memref<9216xf32, #tpu.memory_space<vmem>>, vector<16xf32>,
      %bitcast3A_317 = vector.bitcast %get3A_316 : vector<16xf32> to vector<16xi32>
      %gt3A_318 = vector.broadcast %scan3A_27 : i32 to vector<16xi32>
      %gt3A_319 = arith.cmpi sgt, %bitcast3A_317, %gt3A_318 : vector<16xi32>
      %jit3A_320 = arith.constant 1 : i32
      %jit3A_321 = arith.constant 0 : i32
      %broadcast_in_dim3A_322 = vector.broadcast %jit3A_320 : i32 to vector<16xi32>
      %broadcast_in_dim3A_323 = vector.broadcast %jit3A_321 : i32 to vector<16xi32>
      %select_n3A_324 = arith.select %gt3A_319, %broadcast_in_dim3A_322, %broadcast_in_dim3A_323 : vector<16xi1>, vector<16xi32>
      %add3A_325 = arith.addi %add3A_303, %select_n3A_324 : vector<16xi32>
      %jit3A_326 = arith.constant 0.000000e+00 : f32
      %broadcast_in_dim3A_327 = vector.broadcast %jit3A_326 : f32 to vector<16xf32>
      %select_n3A_328 = arith.select %gt3A_319, %get3A_316, %broadcast_in_dim3A_327 : vector<16xi1>, vector<16xf32>
      %add3A_329 = arith.addf %add3A_307, %select_n3A_328 : vector<16xf32>
      scf.yield %add3A_325, %add3A_329 : vector<16xi32>, vector<16xf32>
    }
    %scan3A_38 = arith.constant 48 : i32
    %broadcast_in_dim3A_39 = vector.broadcast %scan3A_27 : i32 to vector<16xi32>
    %bitcast3A = vector.bitcast %broadcast_in_dim3A_39 : vector<16xi32> to vector<16xf32>
    %broadcast_in_dim3A_40 = vector.broadcast %mul3A_22 : i32 to vector<16xi32>
    %convert_element_type3A_41 = arith.sitofp %broadcast_in_dim3A_40 : vector<16xi32> to vector<16xf32>
    %reduce_sum3A_42 = arith.constant true
    %reduce_sum3A_43 = vector.broadcast %reduce_sum3A_42 : i1 to vector<16xi1>
    %reduce_sum3A_44 = tpu.scan <sum>, %scan3A_37#0 masked %reduce_sum3A_43 : vector<16xi32>, vector<16xi1> -> vector<16xi32>
    %reduce_sum3A_45 = vector.extract %reduce_sum3A_44[15] : i32 from vector<16xi32>
    %broadcast_in_dim3A_46 = vector.broadcast %reduce_sum3A_45 : i32 to vector<16xi32>
    %convert_element_type3A_47 = arith.sitofp %broadcast_in_dim3A_46 : vector<16xi32> to vector<16xf32>
    %reduce_sum3A_48 = arith.constant true
    %reduce_sum3A_49 = vector.broadcast %reduce_sum3A_48 : i1 to vector<16xi1>
    %reduce_sum3A_50 = tpu.scan <sum>, %scan3A_37#1 masked %reduce_sum3A_49 : vector<16xf32>, vector<16xi1> -> vector<16xf32>
    %reduce_sum3A_51 = vector.extract %reduce_sum3A_50[15] : f32 from vector<16xf32>
    %broadcast_in_dim3A_52 = vector.broadcast %reduce_sum3A_51 : f32 to vector<16xf32>
    %sub3A = arith.subf %convert_element_type3A_41, %convert_element_type3A_47 : vector<16xf32>
    %mul3A_53 = arith.mulf %sub3A, %bitcast3A : vector<16xf32>
    %add3A_54 = arith.addf %broadcast_in_dim3A_52, %mul3A_53 : vector<16xf32>
    %eq3A_55 = arith.constant 0 : i32
    %eq3A_56 = vector.broadcast %eq3A_55 : i32 to vector<16xi32>
    %eq3A_57 = arith.cmpi eq, %iota3A, %eq3A_56 : vector<16xi32>
    %jit3A_58 = arith.constant 0.000000e+00 : f32
    %broadcast_in_dim3A_59 = vector.broadcast %jit3A_58 : f32 to vector<16xf32>
    %select_n3A_60 = arith.select %eq3A_57, %add3A_54, %broadcast_in_dim3A_59 : vector<16xi1>, vector<16xf32>
    %swap3A_61 = arith.constant 0 : index
    %swap3A_62 = tpu.vector_load %arg5[%swap3A_61] {strides = array<i32>} : memref<16xf32, #tpu.memory_space<vmem>>, vector<16xf32>,
    tpu.vector_store %arg5[%swap3A_61], %select_n3A_60 {strides = array<i32>} : memref<16xf32, #tpu.memory_space<vmem>>, vector<16xf32>,
    %mul3A_63 = arith.constant 16 : i32
    %mul3A_64 = arith.muli %add3A, %mul3A_63 : i32
    "tpu.region"() ({
      %run_scoped3A_65 = tpu.sem_alloc : memref<!tpu.dma_semaphore, #tpu.memory_space<semaphore_mem>>
      %dma_start3A = tpu.memref_slice %arg3[%mul3A_64] : memref<512xf32, #tpu.memory_space<hbm>> -> memref<16xf32, #tpu.memory_space<hbm>>
      %dma_start3A_66 = tpu.memref_slice %arg3[%mul3A_64] : memref<512xf32, #tpu.memory_space<hbm>> -> memref<16xf32, #tpu.memory_space<hbm>>
      tpu.enqueue_dma source(%arg5 : memref<16xf32, #tpu.memory_space<vmem>>) target(%dma_start3A_66 : memref<16xf32, #tpu.memory_space<hbm>>) target_semaphore(%run_scoped3A_65 : memref<!tpu.dma_semaphore, #tpu.memory_space<semaphore_mem>>)
      %dma_wait3A = tpu.memref_slice %arg3[%mul3A_64] : memref<512xf32, #tpu.memory_space<hbm>> -> memref<16xf32, #tpu.memory_space<hbm>>
      %dma_wait3A_67 = tpu.memref_slice %arg3[%mul3A_64] : memref<512xf32, #tpu.memory_space<hbm>> -> memref<16xf32, #tpu.memory_space<hbm>>
      tpu.wait_dma2 semaphore(%run_scoped3A_65 : memref<!tpu.dma_semaphore, #tpu.memory_space<semaphore_mem>>) src(%arg5 : memref<16xf32, #tpu.memory_space<vmem>>) dst(%dma_wait3A_67 : memref<16xf32, #tpu.memory_space<hbm>>)
      tpu.yield
    }) : () -> ()
    return
  }
}

module attributes {stable_mosaic.version = 14 : i64} {
  func.func @_tc_body(%arg0: i32, %arg1: memref<88x1152xf32, #tpu.memory_space<vmem>>, %arg2: memref<1x1x60xf32, #tpu.memory_space<smem>>, %arg3: memref<1x32x1152xf32, #tpu.memory_space<vmem>>, %arg4: memref<1x168x1152xf32, #tpu.memory_space<vmem>>, %arg5: memref<1x8x1152xf32, #tpu.memory_space<vmem>>, %arg6: memref<1x4xf32, #tpu.memory_space<smem>>, %arg7: memref<4xf32, #tpu.memory_space<smem>>) attributes {dimension_semantics = [#tpu.dimension_semantics<arbitrary>], iteration_bounds = array<i64: 32>, scalar_prefetch = 0 : i64, scratch_operands = 1 : i64, tpu.core_type = #tpu.core_type<tc>, window_params = [{pipeline_mode = #tpu.pipeline_mode<synchronous>, transform_indices = @transform_0, window_bounds = array<i64: 88, 1152>}, {transform_indices = @transform_1, window_bounds = array<i64: 1, 1, 60>}, {transform_indices = @transform_2, window_bounds = array<i64: 1, 32, 1152>}, {transform_indices = @transform_3, window_bounds = array<i64: 1, 168, 1152>}, {transform_indices = @transform_4, window_bounds = array<i64: 1, 8, 1152>}, {transform_indices = @transform_5, window_bounds = array<i64: 1, 4>}]} {
    %get3A = arith.constant 0 : index
    %get3A_0 = arith.constant 0 : index
    %get3A_1 = vector.load %arg1[%get3A, %get3A_0] : memref<88x1152xf32, #tpu.memory_space<vmem>>, vector<8x1152xf32>
    %get3A_2 = arith.constant 8 : index
    %get3A_3 = arith.constant 0 : index
    %get3A_4 = vector.load %arg1[%get3A_2, %get3A_3] : memref<88x1152xf32, #tpu.memory_space<vmem>>, vector<8x1152xf32>
    %get3A_5 = arith.constant 16 : index
    %get3A_6 = arith.constant 0 : index
    %get3A_7 = vector.load %arg1[%get3A_5, %get3A_6] : memref<88x1152xf32, #tpu.memory_space<vmem>>, vector<8x1152xf32>
    %get3A_8 = arith.constant 24 : index
    %get3A_9 = arith.constant 0 : index
    %get3A_10 = vector.load %arg1[%get3A_8, %get3A_9] : memref<88x1152xf32, #tpu.memory_space<vmem>>, vector<8x1152xf32>
    %get3A_11 = arith.constant 32 : index
    %get3A_12 = arith.constant 0 : index
    %get3A_13 = vector.load %arg1[%get3A_11, %get3A_12] : memref<88x1152xf32, #tpu.memory_space<vmem>>, vector<8x1152xf32>
    %get3A_14 = arith.constant 40 : index
    %get3A_15 = arith.constant 0 : index
    %get3A_16 = vector.load %arg1[%get3A_14, %get3A_15] : memref<88x1152xf32, #tpu.memory_space<vmem>>, vector<8x1152xf32>
    %get3A_17 = arith.constant 48 : index
    %get3A_18 = arith.constant 0 : index
    %get3A_19 = vector.load %arg1[%get3A_17, %get3A_18] : memref<88x1152xf32, #tpu.memory_space<vmem>>, vector<8x1152xf32>
    %get3A_20 = arith.constant 56 : index
    %get3A_21 = arith.constant 0 : index
    %get3A_22 = vector.load %arg1[%get3A_20, %get3A_21] : memref<88x1152xf32, #tpu.memory_space<vmem>>, vector<8x1152xf32>
    %get3A_23 = arith.constant 64 : index
    %get3A_24 = arith.constant 0 : index
    %get3A_25 = vector.load %arg1[%get3A_23, %get3A_24] : memref<88x1152xf32, #tpu.memory_space<vmem>>, vector<8x1152xf32>
    %get3A_26 = arith.constant 72 : index
    %get3A_27 = arith.constant 0 : index
    %get3A_28 = vector.load %arg1[%get3A_26, %get3A_27] : memref<88x1152xf32, #tpu.memory_space<vmem>>, vector<8x1152xf32>
    %get3A_29 = arith.constant 80 : index
    %get3A_30 = arith.constant 0 : index
    %get3A_31 = vector.load %arg1[%get3A_29, %get3A_30] : memref<88x1152xf32, #tpu.memory_space<vmem>>, vector<8x1152xf32>
    %iota3A = tpu.iota {dimensions = array<i32: 0>} : vector<8x1152xi32>
    %mul3A = arith.constant 1152 : i32
    %mul3A_32 = vector.broadcast %mul3A : i32 to vector<8x1152xi32>
    %mul3A_33 = arith.muli %iota3A, %mul3A_32 : vector<8x1152xi32>
    %iota3A_34 = tpu.iota {dimensions = array<i32: 1>} : vector<8x1152xi32>
    %add3A = arith.addi %mul3A_33, %iota3A_34 : vector<8x1152xi32>
    %get3A_35 = arith.constant 0 : index
    %get3A_36 = arith.constant 0 : index
    %get3A_37 = arith.constant 0 : index
    %get3A_38 = memref.load %arg2[%get3A_35, %get3A_36, %get3A_37] : memref<1x1x60xf32, #tpu.memory_space<smem>>
    %get3A_39 = arith.constant 0 : index
    %get3A_40 = arith.constant 0 : index
    %get3A_41 = arith.constant 1 : index
    %get3A_42 = memref.load %arg2[%get3A_39, %get3A_40, %get3A_41] : memref<1x1x60xf32, #tpu.memory_space<smem>>
    %get3A_43 = arith.constant 0 : index
    %get3A_44 = arith.constant 0 : index
    %get3A_45 = arith.constant 2 : index
    %get3A_46 = memref.load %arg2[%get3A_43, %get3A_44, %get3A_45] : memref<1x1x60xf32, #tpu.memory_space<smem>>
    %get3A_47 = arith.constant 0 : index
    %get3A_48 = arith.constant 0 : index
    %get3A_49 = arith.constant 3 : index
    %get3A_50 = memref.load %arg2[%get3A_47, %get3A_48, %get3A_49] : memref<1x1x60xf32, #tpu.memory_space<smem>>
    %min3A = vector.broadcast %get3A_46 : f32 to vector<8x1152xf32>
    %min3A_51 = arith.minimumf %min3A, %get3A_7 : vector<8x1152xf32>
    %max3A = vector.broadcast %get3A_38 : f32 to vector<8x1152xf32>
    %max3A_52 = arith.maximumf %max3A, %get3A_1 : vector<8x1152xf32>
    %sub3A = arith.subf %min3A_51, %max3A_52 : vector<8x1152xf32>
    %max3A_53 = arith.constant 0.000000e+00 : f32
    %max3A_54 = vector.broadcast %max3A_53 : f32 to vector<8x1152xf32>
    %max3A_55 = arith.maximumf %sub3A, %max3A_54 : vector<8x1152xf32>
    %min3A_56 = vector.broadcast %get3A_50 : f32 to vector<8x1152xf32>
    %min3A_57 = arith.minimumf %min3A_56, %get3A_10 : vector<8x1152xf32>
    %max3A_58 = vector.broadcast %get3A_42 : f32 to vector<8x1152xf32>
    %max3A_59 = arith.maximumf %max3A_58, %get3A_4 : vector<8x1152xf32>
    %sub3A_60 = arith.subf %min3A_57, %max3A_59 : vector<8x1152xf32>
    %max3A_61 = arith.constant 0.000000e+00 : f32
    %max3A_62 = vector.broadcast %max3A_61 : f32 to vector<8x1152xf32>
    %max3A_63 = arith.maximumf %sub3A_60, %max3A_62 : vector<8x1152xf32>
    %mul3A_64 = arith.mulf %max3A_55, %max3A_63 : vector<8x1152xf32>
    %sub3A_65 = arith.subf %get3A_46, %get3A_38 : f32
    %sub3A_66 = arith.subf %get3A_50, %get3A_42 : f32
    %mul3A_67 = arith.mulf %sub3A_65, %sub3A_66 : f32
    %add3A_68 = vector.broadcast %mul3A_67 : f32 to vector<8x1152xf32>
    %add3A_69 = arith.addf %add3A_68, %get3A_13 : vector<8x1152xf32>
    %sub3A_70 = arith.subf %add3A_69, %mul3A_64 : vector<8x1152xf32>
    %div3A = arith.divf %mul3A_64, %sub3A_70 : vector<8x1152xf32>
    %get3A_71 = arith.constant 0 : index
    %get3A_72 = arith.constant 0 : index
    %get3A_73 = arith.constant 5 : index
    %get3A_74 = memref.load %arg2[%get3A_71, %get3A_72, %get3A_73] : memref<1x1x60xf32, #tpu.memory_space<smem>>
    %get3A_75 = arith.constant 0 : index
    %get3A_76 = arith.constant 0 : index
    %get3A_77 = arith.constant 6 : index
    %get3A_78 = memref.load %arg2[%get3A_75, %get3A_76, %get3A_77] : memref<1x1x60xf32, #tpu.memory_space<smem>>
    %get3A_79 = arith.constant 0 : index
    %get3A_80 = arith.constant 0 : index
    %get3A_81 = arith.constant 7 : index
    %get3A_82 = memref.load %arg2[%get3A_79, %get3A_80, %get3A_81] : memref<1x1x60xf32, #tpu.memory_space<smem>>
    %get3A_83 = arith.constant 0 : index
    %get3A_84 = arith.constant 0 : index
    %get3A_85 = arith.constant 8 : index
    %get3A_86 = memref.load %arg2[%get3A_83, %get3A_84, %get3A_85] : memref<1x1x60xf32, #tpu.memory_space<smem>>
    %min3A_87 = vector.broadcast %get3A_82 : f32 to vector<8x1152xf32>
    %min3A_88 = arith.minimumf %min3A_87, %get3A_7 : vector<8x1152xf32>
    %max3A_89 = vector.broadcast %get3A_74 : f32 to vector<8x1152xf32>
    %max3A_90 = arith.maximumf %max3A_89, %get3A_1 : vector<8x1152xf32>
    %sub3A_91 = arith.subf %min3A_88, %max3A_90 : vector<8x1152xf32>
    %max3A_92 = arith.constant 0.000000e+00 : f32
    %max3A_93 = vector.broadcast %max3A_92 : f32 to vector<8x1152xf32>
    %max3A_94 = arith.maximumf %sub3A_91, %max3A_93 : vector<8x1152xf32>
    %min3A_95 = vector.broadcast %get3A_86 : f32 to vector<8x1152xf32>
    %min3A_96 = arith.minimumf %min3A_95, %get3A_10 : vector<8x1152xf32>
    %max3A_97 = vector.broadcast %get3A_78 : f32 to vector<8x1152xf32>
    %max3A_98 = arith.maximumf %max3A_97, %get3A_4 : vector<8x1152xf32>
    %sub3A_99 = arith.subf %min3A_96, %max3A_98 : vector<8x1152xf32>
    %max3A_100 = arith.constant 0.000000e+00 : f32
    %max3A_101 = vector.broadcast %max3A_100 : f32 to vector<8x1152xf32>
    %max3A_102 = arith.maximumf %sub3A_99, %max3A_101 : vector<8x1152xf32>
    %mul3A_103 = arith.mulf %max3A_94, %max3A_102 : vector<8x1152xf32>
    %sub3A_104 = arith.subf %get3A_82, %get3A_74 : f32
    %sub3A_105 = arith.subf %get3A_86, %get3A_78 : f32
    %mul3A_106 = arith.mulf %sub3A_104, %sub3A_105 : f32
    %add3A_107 = vector.broadcast %mul3A_106 : f32 to vector<8x1152xf32>
    %add3A_108 = arith.addf %add3A_107, %get3A_13 : vector<8x1152xf32>
    %sub3A_109 = arith.subf %add3A_108, %mul3A_103 : vector<8x1152xf32>
    %div3A_110 = arith.divf %mul3A_103, %sub3A_109 : vector<8x1152xf32>
    %get3A_111 = arith.constant 0 : index
    %get3A_112 = arith.constant 0 : index
    %get3A_113 = arith.constant 10 : index
    %get3A_114 = memref.load %arg2[%get3A_111, %get3A_112, %get3A_113] : memref<1x1x60xf32, #tpu.memory_space<smem>>
    %get3A_115 = arith.constant 0 : index
    %get3A_116 = arith.constant 0 : index
    %get3A_117 = arith.constant 11 : index
    %get3A_118 = memref.load %arg2[%get3A_115, %get3A_116, %get3A_117] : memref<1x1x60xf32, #tpu.memory_space<smem>>
    %get3A_119 = arith.constant 0 : index
    %get3A_120 = arith.constant 0 : index
    %get3A_121 = arith.constant 12 : index
    %get3A_122 = memref.load %arg2[%get3A_119, %get3A_120, %get3A_121] : memref<1x1x60xf32, #tpu.memory_space<smem>>
    %get3A_123 = arith.constant 0 : index
    %get3A_124 = arith.constant 0 : index
    %get3A_125 = arith.constant 13 : index
    %get3A_126 = memref.load %arg2[%get3A_123, %get3A_124, %get3A_125] : memref<1x1x60xf32, #tpu.memory_space<smem>>
    %min3A_127 = vector.broadcast %get3A_122 : f32 to vector<8x1152xf32>
    %min3A_128 = arith.minimumf %min3A_127, %get3A_7 : vector<8x1152xf32>
    %max3A_129 = vector.broadcast %get3A_114 : f32 to vector<8x1152xf32>
    %max3A_130 = arith.maximumf %max3A_129, %get3A_1 : vector<8x1152xf32>
    %sub3A_131 = arith.subf %min3A_128, %max3A_130 : vector<8x1152xf32>
    %max3A_132 = arith.constant 0.000000e+00 : f32
    %max3A_133 = vector.broadcast %max3A_132 : f32 to vector<8x1152xf32>
    %max3A_134 = arith.maximumf %sub3A_131, %max3A_133 : vector<8x1152xf32>
    %min3A_135 = vector.broadcast %get3A_126 : f32 to vector<8x1152xf32>
    %min3A_136 = arith.minimumf %min3A_135, %get3A_10 : vector<8x1152xf32>
    %max3A_137 = vector.broadcast %get3A_118 : f32 to vector<8x1152xf32>
    %max3A_138 = arith.maximumf %max3A_137, %get3A_4 : vector<8x1152xf32>
    %sub3A_139 = arith.subf %min3A_136, %max3A_138 : vector<8x1152xf32>
    %max3A_140 = arith.constant 0.000000e+00 : f32
    %max3A_141 = vector.broadcast %max3A_140 : f32 to vector<8x1152xf32>
    %max3A_142 = arith.maximumf %sub3A_139, %max3A_141 : vector<8x1152xf32>
    %mul3A_143 = arith.mulf %max3A_134, %max3A_142 : vector<8x1152xf32>
    %sub3A_144 = arith.subf %get3A_122, %get3A_114 : f32
    %sub3A_145 = arith.subf %get3A_126, %get3A_118 : f32
    %mul3A_146 = arith.mulf %sub3A_144, %sub3A_145 : f32
    %add3A_147 = vector.broadcast %mul3A_146 : f32 to vector<8x1152xf32>
    %add3A_148 = arith.addf %add3A_147, %get3A_13 : vector<8x1152xf32>
    %sub3A_149 = arith.subf %add3A_148, %mul3A_143 : vector<8x1152xf32>
    %div3A_150 = arith.divf %mul3A_143, %sub3A_149 : vector<8x1152xf32>
    %get3A_151 = arith.constant 0 : index
    %get3A_152 = arith.constant 0 : index
    %get3A_153 = arith.constant 15 : index
    %get3A_154 = memref.load %arg2[%get3A_151, %get3A_152, %get3A_153] : memref<1x1x60xf32, #tpu.memory_space<smem>>
    %get3A_155 = arith.constant 0 : index
    %get3A_156 = arith.constant 0 : index
    %get3A_157 = arith.constant 16 : index
    %get3A_158 = memref.load %arg2[%get3A_155, %get3A_156, %get3A_157] : memref<1x1x60xf32, #tpu.memory_space<smem>>
    %get3A_159 = arith.constant 0 : index
    %get3A_160 = arith.constant 0 : index
    %get3A_161 = arith.constant 17 : index
    %get3A_162 = memref.load %arg2[%get3A_159, %get3A_160, %get3A_161] : memref<1x1x60xf32, #tpu.memory_space<smem>>
    %get3A_163 = arith.constant 0 : index
    %get3A_164 = arith.constant 0 : index
    %get3A_165 = arith.constant 18 : index
    %get3A_166 = memref.load %arg2[%get3A_163, %get3A_164, %get3A_165] : memref<1x1x60xf32, #tpu.memory_space<smem>>
    %min3A_167 = vector.broadcast %get3A_162 : f32 to vector<8x1152xf32>
    %min3A_168 = arith.minimumf %min3A_167, %get3A_7 : vector<8x1152xf32>
    %max3A_169 = vector.broadcast %get3A_154 : f32 to vector<8x1152xf32>
    %max3A_170 = arith.maximumf %max3A_169, %get3A_1 : vector<8x1152xf32>
    %sub3A_171 = arith.subf %min3A_168, %max3A_170 : vector<8x1152xf32>
    %max3A_172 = arith.constant 0.000000e+00 : f32
    %max3A_173 = vector.broadcast %max3A_172 : f32 to vector<8x1152xf32>
    %max3A_174 = arith.maximumf %sub3A_171, %max3A_173 : vector<8x1152xf32>
    %min3A_175 = vector.broadcast %get3A_166 : f32 to vector<8x1152xf32>
    %min3A_176 = arith.minimumf %min3A_175, %get3A_10 : vector<8x1152xf32>
    %max3A_177 = vector.broadcast %get3A_158 : f32 to vector<8x1152xf32>
    %max3A_178 = arith.maximumf %max3A_177, %get3A_4 : vector<8x1152xf32>
    %sub3A_179 = arith.subf %min3A_176, %max3A_178 : vector<8x1152xf32>
    %max3A_180 = arith.constant 0.000000e+00 : f32
    %max3A_181 = vector.broadcast %max3A_180 : f32 to vector<8x1152xf32>
    %max3A_182 = arith.maximumf %sub3A_179, %max3A_181 : vector<8x1152xf32>
    %mul3A_183 = arith.mulf %max3A_174, %max3A_182 : vector<8x1152xf32>
    %sub3A_184 = arith.subf %get3A_162, %get3A_154 : f32
    %sub3A_185 = arith.subf %get3A_166, %get3A_158 : f32
    %mul3A_186 = arith.mulf %sub3A_184, %sub3A_185 : f32
    %add3A_187 = vector.broadcast %mul3A_186 : f32 to vector<8x1152xf32>
    %add3A_188 = arith.addf %add3A_187, %get3A_13 : vector<8x1152xf32>
    %sub3A_189 = arith.subf %add3A_188, %mul3A_183 : vector<8x1152xf32>
    %div3A_190 = arith.divf %mul3A_183, %sub3A_189 : vector<8x1152xf32>
    %get3A_191 = arith.constant 0 : index
    %get3A_192 = arith.constant 0 : index
    %get3A_193 = arith.constant 20 : index
    %get3A_194 = memref.load %arg2[%get3A_191, %get3A_192, %get3A_193] : memref<1x1x60xf32, #tpu.memory_space<smem>>
    %get3A_195 = arith.constant 0 : index
    %get3A_196 = arith.constant 0 : index
    %get3A_197 = arith.constant 21 : index
    %get3A_198 = memref.load %arg2[%get3A_195, %get3A_196, %get3A_197] : memref<1x1x60xf32, #tpu.memory_space<smem>>
    %get3A_199 = arith.constant 0 : index
    %get3A_200 = arith.constant 0 : index
    %get3A_201 = arith.constant 22 : index
    %get3A_202 = memref.load %arg2[%get3A_199, %get3A_200, %get3A_201] : memref<1x1x60xf32, #tpu.memory_space<smem>>
    %get3A_203 = arith.constant 0 : index
    %get3A_204 = arith.constant 0 : index
    %get3A_205 = arith.constant 23 : index
    %get3A_206 = memref.load %arg2[%get3A_203, %get3A_204, %get3A_205] : memref<1x1x60xf32, #tpu.memory_space<smem>>
    %min3A_207 = vector.broadcast %get3A_202 : f32 to vector<8x1152xf32>
    %min3A_208 = arith.minimumf %min3A_207, %get3A_7 : vector<8x1152xf32>
    %max3A_209 = vector.broadcast %get3A_194 : f32 to vector<8x1152xf32>
    %max3A_210 = arith.maximumf %max3A_209, %get3A_1 : vector<8x1152xf32>
    %sub3A_211 = arith.subf %min3A_208, %max3A_210 : vector<8x1152xf32>
    %max3A_212 = arith.constant 0.000000e+00 : f32
    %max3A_213 = vector.broadcast %max3A_212 : f32 to vector<8x1152xf32>
    %max3A_214 = arith.maximumf %sub3A_211, %max3A_213 : vector<8x1152xf32>
    %min3A_215 = vector.broadcast %get3A_206 : f32 to vector<8x1152xf32>
    %min3A_216 = arith.minimumf %min3A_215, %get3A_10 : vector<8x1152xf32>
    %max3A_217 = vector.broadcast %get3A_198 : f32 to vector<8x1152xf32>
    %max3A_218 = arith.maximumf %max3A_217, %get3A_4 : vector<8x1152xf32>
    %sub3A_219 = arith.subf %min3A_216, %max3A_218 : vector<8x1152xf32>
    %max3A_220 = arith.constant 0.000000e+00 : f32
    %max3A_221 = vector.broadcast %max3A_220 : f32 to vector<8x1152xf32>
    %max3A_222 = arith.maximumf %sub3A_219, %max3A_221 : vector<8x1152xf32>
    %mul3A_223 = arith.mulf %max3A_214, %max3A_222 : vector<8x1152xf32>
    %sub3A_224 = arith.subf %get3A_202, %get3A_194 : f32
    %sub3A_225 = arith.subf %get3A_206, %get3A_198 : f32
    %mul3A_226 = arith.mulf %sub3A_224, %sub3A_225 : f32
    %add3A_227 = vector.broadcast %mul3A_226 : f32 to vector<8x1152xf32>
    %add3A_228 = arith.addf %add3A_227, %get3A_13 : vector<8x1152xf32>
    %sub3A_229 = arith.subf %add3A_228, %mul3A_223 : vector<8x1152xf32>
    %div3A_230 = arith.divf %mul3A_223, %sub3A_229 : vector<8x1152xf32>
    %get3A_231 = arith.constant 0 : index
    %get3A_232 = arith.constant 0 : index
    %get3A_233 = arith.constant 25 : index
    %get3A_234 = memref.load %arg2[%get3A_231, %get3A_232, %get3A_233] : memref<1x1x60xf32, #tpu.memory_space<smem>>
    %get3A_235 = arith.constant 0 : index
    %get3A_236 = arith.constant 0 : index
    %get3A_237 = arith.constant 26 : index
    %get3A_238 = memref.load %arg2[%get3A_235, %get3A_236, %get3A_237] : memref<1x1x60xf32, #tpu.memory_space<smem>>
    %get3A_239 = arith.constant 0 : index
    %get3A_240 = arith.constant 0 : index
    %get3A_241 = arith.constant 27 : index
    %get3A_242 = memref.load %arg2[%get3A_239, %get3A_240, %get3A_241] : memref<1x1x60xf32, #tpu.memory_space<smem>>
    %get3A_243 = arith.constant 0 : index
    %get3A_244 = arith.constant 0 : index
    %get3A_245 = arith.constant 28 : index
    %get3A_246 = memref.load %arg2[%get3A_243, %get3A_244, %get3A_245] : memref<1x1x60xf32, #tpu.memory_space<smem>>
    %min3A_247 = vector.broadcast %get3A_242 : f32 to vector<8x1152xf32>
    %min3A_248 = arith.minimumf %min3A_247, %get3A_7 : vector<8x1152xf32>
    %max3A_249 = vector.broadcast %get3A_234 : f32 to vector<8x1152xf32>
    %max3A_250 = arith.maximumf %max3A_249, %get3A_1 : vector<8x1152xf32>
    %sub3A_251 = arith.subf %min3A_248, %max3A_250 : vector<8x1152xf32>
    %max3A_252 = arith.constant 0.000000e+00 : f32
    %max3A_253 = vector.broadcast %max3A_252 : f32 to vector<8x1152xf32>
    %max3A_254 = arith.maximumf %sub3A_251, %max3A_253 : vector<8x1152xf32>
    %min3A_255 = vector.broadcast %get3A_246 : f32 to vector<8x1152xf32>
    %min3A_256 = arith.minimumf %min3A_255, %get3A_10 : vector<8x1152xf32>
    %max3A_257 = vector.broadcast %get3A_238 : f32 to vector<8x1152xf32>
    %max3A_258 = arith.maximumf %max3A_257, %get3A_4 : vector<8x1152xf32>
    %sub3A_259 = arith.subf %min3A_256, %max3A_258 : vector<8x1152xf32>
    %max3A_260 = arith.constant 0.000000e+00 : f32
    %max3A_261 = vector.broadcast %max3A_260 : f32 to vector<8x1152xf32>
    %max3A_262 = arith.maximumf %sub3A_259, %max3A_261 : vector<8x1152xf32>
    %mul3A_263 = arith.mulf %max3A_254, %max3A_262 : vector<8x1152xf32>
    %sub3A_264 = arith.subf %get3A_242, %get3A_234 : f32
    %sub3A_265 = arith.subf %get3A_246, %get3A_238 : f32
    %mul3A_266 = arith.mulf %sub3A_264, %sub3A_265 : f32
    %add3A_267 = vector.broadcast %mul3A_266 : f32 to vector<8x1152xf32>
    %add3A_268 = arith.addf %add3A_267, %get3A_13 : vector<8x1152xf32>
    %sub3A_269 = arith.subf %add3A_268, %mul3A_263 : vector<8x1152xf32>
    %div3A_270 = arith.divf %mul3A_263, %sub3A_269 : vector<8x1152xf32>
    %get3A_271 = arith.constant 0 : index
    %get3A_272 = arith.constant 0 : index
    %get3A_273 = arith.constant 30 : index
    %get3A_274 = memref.load %arg2[%get3A_271, %get3A_272, %get3A_273] : memref<1x1x60xf32, #tpu.memory_space<smem>>
    %get3A_275 = arith.constant 0 : index
    %get3A_276 = arith.constant 0 : index
    %get3A_277 = arith.constant 31 : index
    %get3A_278 = memref.load %arg2[%get3A_275, %get3A_276, %get3A_277] : memref<1x1x60xf32, #tpu.memory_space<smem>>
    %get3A_279 = arith.constant 0 : index
    %get3A_280 = arith.constant 0 : index
    %get3A_281 = arith.constant 32 : index
    %get3A_282 = memref.load %arg2[%get3A_279, %get3A_280, %get3A_281] : memref<1x1x60xf32, #tpu.memory_space<smem>>
    %get3A_283 = arith.constant 0 : index
    %get3A_284 = arith.constant 0 : index
    %get3A_285 = arith.constant 33 : index
    %get3A_286 = memref.load %arg2[%get3A_283, %get3A_284, %get3A_285] : memref<1x1x60xf32, #tpu.memory_space<smem>>
    %min3A_287 = vector.broadcast %get3A_282 : f32 to vector<8x1152xf32>
    %min3A_288 = arith.minimumf %min3A_287, %get3A_7 : vector<8x1152xf32>
    %max3A_289 = vector.broadcast %get3A_274 : f32 to vector<8x1152xf32>
    %max3A_290 = arith.maximumf %max3A_289, %get3A_1 : vector<8x1152xf32>
    %sub3A_291 = arith.subf %min3A_288, %max3A_290 : vector<8x1152xf32>
    %max3A_292 = arith.constant 0.000000e+00 : f32
    %max3A_293 = vector.broadcast %max3A_292 : f32 to vector<8x1152xf32>
    %max3A_294 = arith.maximumf %sub3A_291, %max3A_293 : vector<8x1152xf32>
    %min3A_295 = vector.broadcast %get3A_286 : f32 to vector<8x1152xf32>
    %min3A_296 = arith.minimumf %min3A_295, %get3A_10 : vector<8x1152xf32>
    %max3A_297 = vector.broadcast %get3A_278 : f32 to vector<8x1152xf32>
    %max3A_298 = arith.maximumf %max3A_297, %get3A_4 : vector<8x1152xf32>
    %sub3A_299 = arith.subf %min3A_296, %max3A_298 : vector<8x1152xf32>
    %max3A_300 = arith.constant 0.000000e+00 : f32
    %max3A_301 = vector.broadcast %max3A_300 : f32 to vector<8x1152xf32>
    %max3A_302 = arith.maximumf %sub3A_299, %max3A_301 : vector<8x1152xf32>
    %mul3A_303 = arith.mulf %max3A_294, %max3A_302 : vector<8x1152xf32>
    %sub3A_304 = arith.subf %get3A_282, %get3A_274 : f32
    %sub3A_305 = arith.subf %get3A_286, %get3A_278 : f32
    %mul3A_306 = arith.mulf %sub3A_304, %sub3A_305 : f32
    %add3A_307 = vector.broadcast %mul3A_306 : f32 to vector<8x1152xf32>
    %add3A_308 = arith.addf %add3A_307, %get3A_13 : vector<8x1152xf32>
    %sub3A_309 = arith.subf %add3A_308, %mul3A_303 : vector<8x1152xf32>
    %div3A_310 = arith.divf %mul3A_303, %sub3A_309 : vector<8x1152xf32>
    %get3A_311 = arith.constant 0 : index
    %get3A_312 = arith.constant 0 : index
    %get3A_313 = arith.constant 35 : index
    %get3A_314 = memref.load %arg2[%get3A_311, %get3A_312, %get3A_313] : memref<1x1x60xf32, #tpu.memory_space<smem>>
    %get3A_315 = arith.constant 0 : index
    %get3A_316 = arith.constant 0 : index
    %get3A_317 = arith.constant 36 : index
    %get3A_318 = memref.load %arg2[%get3A_315, %get3A_316, %get3A_317] : memref<1x1x60xf32, #tpu.memory_space<smem>>
    %get3A_319 = arith.constant 0 : index
    %get3A_320 = arith.constant 0 : index
    %get3A_321 = arith.constant 37 : index
    %get3A_322 = memref.load %arg2[%get3A_319, %get3A_320, %get3A_321] : memref<1x1x60xf32, #tpu.memory_space<smem>>
    %get3A_323 = arith.constant 0 : index
    %get3A_324 = arith.constant 0 : index
    %get3A_325 = arith.constant 38 : index
    %get3A_326 = memref.load %arg2[%get3A_323, %get3A_324, %get3A_325] : memref<1x1x60xf32, #tpu.memory_space<smem>>
    %min3A_327 = vector.broadcast %get3A_322 : f32 to vector<8x1152xf32>
    %min3A_328 = arith.minimumf %min3A_327, %get3A_7 : vector<8x1152xf32>
    %max3A_329 = vector.broadcast %get3A_314 : f32 to vector<8x1152xf32>
    %max3A_330 = arith.maximumf %max3A_329, %get3A_1 : vector<8x1152xf32>
    %sub3A_331 = arith.subf %min3A_328, %max3A_330 : vector<8x1152xf32>
    %max3A_332 = arith.constant 0.000000e+00 : f32
    %max3A_333 = vector.broadcast %max3A_332 : f32 to vector<8x1152xf32>
    %max3A_334 = arith.maximumf %sub3A_331, %max3A_333 : vector<8x1152xf32>
    %min3A_335 = vector.broadcast %get3A_326 : f32 to vector<8x1152xf32>
    %min3A_336 = arith.minimumf %min3A_335, %get3A_10 : vector<8x1152xf32>
    %max3A_337 = vector.broadcast %get3A_318 : f32 to vector<8x1152xf32>
    %max3A_338 = arith.maximumf %max3A_337, %get3A_4 : vector<8x1152xf32>
    %sub3A_339 = arith.subf %min3A_336, %max3A_338 : vector<8x1152xf32>
    %max3A_340 = arith.constant 0.000000e+00 : f32
    %max3A_341 = vector.broadcast %max3A_340 : f32 to vector<8x1152xf32>
    %max3A_342 = arith.maximumf %sub3A_339, %max3A_341 : vector<8x1152xf32>
    %mul3A_343 = arith.mulf %max3A_334, %max3A_342 : vector<8x1152xf32>
    %sub3A_344 = arith.subf %get3A_322, %get3A_314 : f32
    %sub3A_345 = arith.subf %get3A_326, %get3A_318 : f32
    %mul3A_346 = arith.mulf %sub3A_344, %sub3A_345 : f32
    %add3A_347 = vector.broadcast %mul3A_346 : f32 to vector<8x1152xf32>
    %add3A_348 = arith.addf %add3A_347, %get3A_13 : vector<8x1152xf32>
    %sub3A_349 = arith.subf %add3A_348, %mul3A_343 : vector<8x1152xf32>
    %div3A_350 = arith.divf %mul3A_343, %sub3A_349 : vector<8x1152xf32>
    %get3A_351 = arith.constant 0 : index
    %get3A_352 = arith.constant 0 : index
    %get3A_353 = arith.constant 40 : index
    %get3A_354 = memref.load %arg2[%get3A_351, %get3A_352, %get3A_353] : memref<1x1x60xf32, #tpu.memory_space<smem>>
    %get3A_355 = arith.constant 0 : index
    %get3A_356 = arith.constant 0 : index
    %get3A_357 = arith.constant 41 : index
    %get3A_358 = memref.load %arg2[%get3A_355, %get3A_356, %get3A_357] : memref<1x1x60xf32, #tpu.memory_space<smem>>
    %get3A_359 = arith.constant 0 : index
    %get3A_360 = arith.constant 0 : index
    %get3A_361 = arith.constant 42 : index
    %get3A_362 = memref.load %arg2[%get3A_359, %get3A_360, %get3A_361] : memref<1x1x60xf32, #tpu.memory_space<smem>>
    %get3A_363 = arith.constant 0 : index
    %get3A_364 = arith.constant 0 : index
    %get3A_365 = arith.constant 43 : index
    %get3A_366 = memref.load %arg2[%get3A_363, %get3A_364, %get3A_365] : memref<1x1x60xf32, #tpu.memory_space<smem>>
    %min3A_367 = vector.broadcast %get3A_362 : f32 to vector<8x1152xf32>
    %min3A_368 = arith.minimumf %min3A_367, %get3A_7 : vector<8x1152xf32>
    %max3A_369 = vector.broadcast %get3A_354 : f32 to vector<8x1152xf32>
    %max3A_370 = arith.maximumf %max3A_369, %get3A_1 : vector<8x1152xf32>
    %sub3A_371 = arith.subf %min3A_368, %max3A_370 : vector<8x1152xf32>
    %max3A_372 = arith.constant 0.000000e+00 : f32
    %max3A_373 = vector.broadcast %max3A_372 : f32 to vector<8x1152xf32>
    %max3A_374 = arith.maximumf %sub3A_371, %max3A_373 : vector<8x1152xf32>
    %min3A_375 = vector.broadcast %get3A_366 : f32 to vector<8x1152xf32>
    %min3A_376 = arith.minimumf %min3A_375, %get3A_10 : vector<8x1152xf32>
    %max3A_377 = vector.broadcast %get3A_358 : f32 to vector<8x1152xf32>
    %max3A_378 = arith.maximumf %max3A_377, %get3A_4 : vector<8x1152xf32>
    %sub3A_379 = arith.subf %min3A_376, %max3A_378 : vector<8x1152xf32>
    %max3A_380 = arith.constant 0.000000e+00 : f32
    %max3A_381 = vector.broadcast %max3A_380 : f32 to vector<8x1152xf32>
    %max3A_382 = arith.maximumf %sub3A_379, %max3A_381 : vector<8x1152xf32>
    %mul3A_383 = arith.mulf %max3A_374, %max3A_382 : vector<8x1152xf32>
    %sub3A_384 = arith.subf %get3A_362, %get3A_354 : f32
    %sub3A_385 = arith.subf %get3A_366, %get3A_358 : f32
    %mul3A_386 = arith.mulf %sub3A_384, %sub3A_385 : f32
    %add3A_387 = vector.broadcast %mul3A_386 : f32 to vector<8x1152xf32>
    %add3A_388 = arith.addf %add3A_387, %get3A_13 : vector<8x1152xf32>
    %sub3A_389 = arith.subf %add3A_388, %mul3A_383 : vector<8x1152xf32>
    %div3A_390 = arith.divf %mul3A_383, %sub3A_389 : vector<8x1152xf32>
    %get3A_391 = arith.constant 0 : index
    %get3A_392 = arith.constant 0 : index
    %get3A_393 = arith.constant 45 : index
    %get3A_394 = memref.load %arg2[%get3A_391, %get3A_392, %get3A_393] : memref<1x1x60xf32, #tpu.memory_space<smem>>
    %get3A_395 = arith.constant 0 : index
    %get3A_396 = arith.constant 0 : index
    %get3A_397 = arith.constant 46 : index
    %get3A_398 = memref.load %arg2[%get3A_395, %get3A_396, %get3A_397] : memref<1x1x60xf32, #tpu.memory_space<smem>>
    %get3A_399 = arith.constant 0 : index
    %get3A_400 = arith.constant 0 : index
    %get3A_401 = arith.constant 47 : index
    %get3A_402 = memref.load %arg2[%get3A_399, %get3A_400, %get3A_401] : memref<1x1x60xf32, #tpu.memory_space<smem>>
    %get3A_403 = arith.constant 0 : index
    %get3A_404 = arith.constant 0 : index
    %get3A_405 = arith.constant 48 : index
    %get3A_406 = memref.load %arg2[%get3A_403, %get3A_404, %get3A_405] : memref<1x1x60xf32, #tpu.memory_space<smem>>
    %min3A_407 = vector.broadcast %get3A_402 : f32 to vector<8x1152xf32>
    %min3A_408 = arith.minimumf %min3A_407, %get3A_7 : vector<8x1152xf32>
    %max3A_409 = vector.broadcast %get3A_394 : f32 to vector<8x1152xf32>
    %max3A_410 = arith.maximumf %max3A_409, %get3A_1 : vector<8x1152xf32>
    %sub3A_411 = arith.subf %min3A_408, %max3A_410 : vector<8x1152xf32>
    %max3A_412 = arith.constant 0.000000e+00 : f32
    %max3A_413 = vector.broadcast %max3A_412 : f32 to vector<8x1152xf32>
    %max3A_414 = arith.maximumf %sub3A_411, %max3A_413 : vector<8x1152xf32>
    %min3A_415 = vector.broadcast %get3A_406 : f32 to vector<8x1152xf32>
    %min3A_416 = arith.minimumf %min3A_415, %get3A_10 : vector<8x1152xf32>
    %max3A_417 = vector.broadcast %get3A_398 : f32 to vector<8x1152xf32>
    %max3A_418 = arith.maximumf %max3A_417, %get3A_4 : vector<8x1152xf32>
    %sub3A_419 = arith.subf %min3A_416, %max3A_418 : vector<8x1152xf32>
    %max3A_420 = arith.constant 0.000000e+00 : f32
    %max3A_421 = vector.broadcast %max3A_420 : f32 to vector<8x1152xf32>
    %max3A_422 = arith.maximumf %sub3A_419, %max3A_421 : vector<8x1152xf32>
    %mul3A_423 = arith.mulf %max3A_414, %max3A_422 : vector<8x1152xf32>
    %sub3A_424 = arith.subf %get3A_402, %get3A_394 : f32
    %sub3A_425 = arith.subf %get3A_406, %get3A_398 : f32
    %mul3A_426 = arith.mulf %sub3A_424, %sub3A_425 : f32
    %add3A_427 = vector.broadcast %mul3A_426 : f32 to vector<8x1152xf32>
    %add3A_428 = arith.addf %add3A_427, %get3A_13 : vector<8x1152xf32>
    %sub3A_429 = arith.subf %add3A_428, %mul3A_423 : vector<8x1152xf32>
    %div3A_430 = arith.divf %mul3A_423, %sub3A_429 : vector<8x1152xf32>
    %get3A_431 = arith.constant 0 : index
    %get3A_432 = arith.constant 0 : index
    %get3A_433 = arith.constant 50 : index
    %get3A_434 = memref.load %arg2[%get3A_431, %get3A_432, %get3A_433] : memref<1x1x60xf32, #tpu.memory_space<smem>>
    %get3A_435 = arith.constant 0 : index
    %get3A_436 = arith.constant 0 : index
    %get3A_437 = arith.constant 51 : index
    %get3A_438 = memref.load %arg2[%get3A_435, %get3A_436, %get3A_437] : memref<1x1x60xf32, #tpu.memory_space<smem>>
    %get3A_439 = arith.constant 0 : index
    %get3A_440 = arith.constant 0 : index
    %get3A_441 = arith.constant 52 : index
    %get3A_442 = memref.load %arg2[%get3A_439, %get3A_440, %get3A_441] : memref<1x1x60xf32, #tpu.memory_space<smem>>
    %get3A_443 = arith.constant 0 : index
    %get3A_444 = arith.constant 0 : index
    %get3A_445 = arith.constant 53 : index
    %get3A_446 = memref.load %arg2[%get3A_443, %get3A_444, %get3A_445] : memref<1x1x60xf32, #tpu.memory_space<smem>>
    %min3A_447 = vector.broadcast %get3A_442 : f32 to vector<8x1152xf32>
    %min3A_448 = arith.minimumf %min3A_447, %get3A_7 : vector<8x1152xf32>
    %max3A_449 = vector.broadcast %get3A_434 : f32 to vector<8x1152xf32>
    %max3A_450 = arith.maximumf %max3A_449, %get3A_1 : vector<8x1152xf32>
    %sub3A_451 = arith.subf %min3A_448, %max3A_450 : vector<8x1152xf32>
    %max3A_452 = arith.constant 0.000000e+00 : f32
    %max3A_453 = vector.broadcast %max3A_452 : f32 to vector<8x1152xf32>
    %max3A_454 = arith.maximumf %sub3A_451, %max3A_453 : vector<8x1152xf32>
    %min3A_455 = vector.broadcast %get3A_446 : f32 to vector<8x1152xf32>
    %min3A_456 = arith.minimumf %min3A_455, %get3A_10 : vector<8x1152xf32>
    %max3A_457 = vector.broadcast %get3A_438 : f32 to vector<8x1152xf32>
    %max3A_458 = arith.maximumf %max3A_457, %get3A_4 : vector<8x1152xf32>
    %sub3A_459 = arith.subf %min3A_456, %max3A_458 : vector<8x1152xf32>
    %max3A_460 = arith.constant 0.000000e+00 : f32
    %max3A_461 = vector.broadcast %max3A_460 : f32 to vector<8x1152xf32>
    %max3A_462 = arith.maximumf %sub3A_459, %max3A_461 : vector<8x1152xf32>
    %mul3A_463 = arith.mulf %max3A_454, %max3A_462 : vector<8x1152xf32>
    %sub3A_464 = arith.subf %get3A_442, %get3A_434 : f32
    %sub3A_465 = arith.subf %get3A_446, %get3A_438 : f32
    %mul3A_466 = arith.mulf %sub3A_464, %sub3A_465 : f32
    %add3A_467 = vector.broadcast %mul3A_466 : f32 to vector<8x1152xf32>
    %add3A_468 = arith.addf %add3A_467, %get3A_13 : vector<8x1152xf32>
    %sub3A_469 = arith.subf %add3A_468, %mul3A_463 : vector<8x1152xf32>
    %div3A_470 = arith.divf %mul3A_463, %sub3A_469 : vector<8x1152xf32>
    %get3A_471 = arith.constant 0 : index
    %get3A_472 = arith.constant 0 : index
    %get3A_473 = arith.constant 55 : index
    %get3A_474 = memref.load %arg2[%get3A_471, %get3A_472, %get3A_473] : memref<1x1x60xf32, #tpu.memory_space<smem>>
    %get3A_475 = arith.constant 0 : index
    %get3A_476 = arith.constant 0 : index
    %get3A_477 = arith.constant 56 : index
    %get3A_478 = memref.load %arg2[%get3A_475, %get3A_476, %get3A_477] : memref<1x1x60xf32, #tpu.memory_space<smem>>
    %get3A_479 = arith.constant 0 : index
    %get3A_480 = arith.constant 0 : index
    %get3A_481 = arith.constant 57 : index
    %get3A_482 = memref.load %arg2[%get3A_479, %get3A_480, %get3A_481] : memref<1x1x60xf32, #tpu.memory_space<smem>>
    %get3A_483 = arith.constant 0 : index
    %get3A_484 = arith.constant 0 : index
    %get3A_485 = arith.constant 58 : index
    %get3A_486 = memref.load %arg2[%get3A_483, %get3A_484, %get3A_485] : memref<1x1x60xf32, #tpu.memory_space<smem>>
    %min3A_487 = vector.broadcast %get3A_482 : f32 to vector<8x1152xf32>
    %min3A_488 = arith.minimumf %min3A_487, %get3A_7 : vector<8x1152xf32>
    %max3A_489 = vector.broadcast %get3A_474 : f32 to vector<8x1152xf32>
    %max3A_490 = arith.maximumf %max3A_489, %get3A_1 : vector<8x1152xf32>
    %sub3A_491 = arith.subf %min3A_488, %max3A_490 : vector<8x1152xf32>
    %max3A_492 = arith.constant 0.000000e+00 : f32
    %max3A_493 = vector.broadcast %max3A_492 : f32 to vector<8x1152xf32>
    %max3A_494 = arith.maximumf %sub3A_491, %max3A_493 : vector<8x1152xf32>
    %min3A_495 = vector.broadcast %get3A_486 : f32 to vector<8x1152xf32>
    %min3A_496 = arith.minimumf %min3A_495, %get3A_10 : vector<8x1152xf32>
    %max3A_497 = vector.broadcast %get3A_478 : f32 to vector<8x1152xf32>
    %max3A_498 = arith.maximumf %max3A_497, %get3A_4 : vector<8x1152xf32>
    %sub3A_499 = arith.subf %min3A_496, %max3A_498 : vector<8x1152xf32>
    %max3A_500 = arith.constant 0.000000e+00 : f32
    %max3A_501 = vector.broadcast %max3A_500 : f32 to vector<8x1152xf32>
    %max3A_502 = arith.maximumf %sub3A_499, %max3A_501 : vector<8x1152xf32>
    %mul3A_503 = arith.mulf %max3A_494, %max3A_502 : vector<8x1152xf32>
    %sub3A_504 = arith.subf %get3A_482, %get3A_474 : f32
    %sub3A_505 = arith.subf %get3A_486, %get3A_478 : f32
    %mul3A_506 = arith.mulf %sub3A_504, %sub3A_505 : f32
    %add3A_507 = vector.broadcast %mul3A_506 : f32 to vector<8x1152xf32>
    %add3A_508 = arith.addf %add3A_507, %get3A_13 : vector<8x1152xf32>
    %sub3A_509 = arith.subf %add3A_508, %mul3A_503 : vector<8x1152xf32>
    %div3A_510 = arith.divf %mul3A_503, %sub3A_509 : vector<8x1152xf32>
    %stack3A = vector.shape_cast %div3A : vector<8x1152xf32> to vector<1x8x1152xf32>
    %stack3A_511 = vector.shape_cast %div3A_110 : vector<8x1152xf32> to vector<1x8x1152xf32>
    %stack3A_512 = vector.shape_cast %div3A_150 : vector<8x1152xf32> to vector<1x8x1152xf32>
    %stack3A_513 = vector.shape_cast %div3A_190 : vector<8x1152xf32> to vector<1x8x1152xf32>
    %stack3A_514 = vector.shape_cast %div3A_230 : vector<8x1152xf32> to vector<1x8x1152xf32>
    %stack3A_515 = vector.shape_cast %div3A_270 : vector<8x1152xf32> to vector<1x8x1152xf32>
    %stack3A_516 = vector.shape_cast %div3A_310 : vector<8x1152xf32> to vector<1x8x1152xf32>
    %stack3A_517 = vector.shape_cast %div3A_350 : vector<8x1152xf32> to vector<1x8x1152xf32>
    %stack3A_518 = vector.shape_cast %div3A_390 : vector<8x1152xf32> to vector<1x8x1152xf32>
    %stack3A_519 = vector.shape_cast %div3A_430 : vector<8x1152xf32> to vector<1x8x1152xf32>
    %stack3A_520 = vector.shape_cast %div3A_470 : vector<8x1152xf32> to vector<1x8x1152xf32>
    %stack3A_521 = vector.shape_cast %div3A_510 : vector<8x1152xf32> to vector<1x8x1152xf32>
    %stack3A_522 = tpu.concatenate %stack3A, %stack3A_511, %stack3A_512, %stack3A_513, %stack3A_514, %stack3A_515, %stack3A_516, %stack3A_517, %stack3A_518, %stack3A_519, %stack3A_520, %stack3A_521 in 0 : vector<1x8x1152xf32>, vector<1x8x1152xf32>, vector<1x8x1152xf32>, vector<1x8x1152xf32>, vector<1x8x1152xf32>, vector<1x8x1152xf32>, vector<1x8x1152xf32>, vector<1x8x1152xf32>, vector<1x8x1152xf32>, vector<1x8x1152xf32>, vector<1x8x1152xf32>, vector<1x8x1152xf32> -> vector<12x8x1152xf32>
    %iota3A_523 = tpu.iota {dimensions = array<i32: 0>} : vector<12x8x1152xi32>
    %broadcast_in_dim3A = vector.shape_cast %add3A : vector<8x1152xi32> to vector<1x8x1152xi32>
    %reduce_max3A = arith.constant dense<0xFF800000> : vector<8x1152xf32>
    %reduce_max3A_524 = vector.multi_reduction <maximumf>, %stack3A_522, %reduce_max3A [0] : vector<12x8x1152xf32> to vector<8x1152xf32>
    %broadcast_in_dim3A_525 = vector.shape_cast %reduce_max3A_524 : vector<8x1152xf32> to vector<1x8x1152xf32>
    %eq3A = vector.broadcast %broadcast_in_dim3A_525 : vector<1x8x1152xf32> to vector<12x8x1152xf32>
    %eq3A_526 = arith.cmpf oeq, %stack3A_522, %eq3A : vector<12x8x1152xf32>
    %jit3A = arith.constant 12 : i32
    %broadcast_in_dim3A_527 = vector.broadcast %jit3A : i32 to vector<12x8x1152xi32>
    %select_n3A = arith.select %eq3A_526, %iota3A_523, %broadcast_in_dim3A_527 : vector<12x8x1152xi1>, vector<12x8x1152xi32>
    %reduce_min3A = arith.constant dense<2147483647> : vector<8x1152xi32>
    %reduce_min3A_528 = vector.multi_reduction <minsi>, %select_n3A, %reduce_min3A [0] : vector<12x8x1152xi32> to vector<8x1152xi32>
    %reduce_max3A_529 = arith.constant dense<0xFF800000> : vector<12x8xf32>
    %reduce_max3A_530 = vector.multi_reduction <maximumf>, %stack3A_522, %reduce_max3A_529 [2] : vector<12x8x1152xf32> to vector<12x8xf32>
    %reduce_max3A_531 = arith.constant dense<0xFF800000> : vector<12xf32>
    %reduce_max3A_532 = vector.multi_reduction <maximumf>, %reduce_max3A_530, %reduce_max3A_531 [1] : vector<12x8xf32> to vector<12xf32>
    %broadcast_in_dim3A_533 = vector.shape_cast %reduce_max3A_532 : vector<12xf32> to vector<12x1x1xf32>
    %eq3A_534 = vector.broadcast %broadcast_in_dim3A_533 : vector<12x1x1xf32> to vector<12x8x1152xf32>
    %eq3A_535 = arith.cmpf oeq, %stack3A_522, %eq3A_534 : vector<12x8x1152xf32>
    %jit3A_536 = arith.constant 9216 : i32
    %broadcast_in_dim3A_537 = vector.shape_cast %broadcast_in_dim3A : vector<1x8x1152xi32> to vector<1x8x1152xi32>
    %broadcast_in_dim3A_538 = vector.broadcast %broadcast_in_dim3A_537 : vector<1x8x1152xi32> to vector<12x8x1152xi32>
    %broadcast_in_dim3A_539 = vector.broadcast %jit3A_536 : i32 to vector<12x8x1152xi32>
    %select_n3A_540 = arith.select %eq3A_535, %broadcast_in_dim3A_538, %broadcast_in_dim3A_539 : vector<12x8x1152xi1>, vector<12x8x1152xi32>
    %reduce_min3A_541 = arith.constant dense<2147483647> : vector<12x8xi32>
    %reduce_min3A_542 = vector.multi_reduction <minsi>, %select_n3A_540, %reduce_min3A_541 [2] : vector<12x8x1152xi32> to vector<12x8xi32>
    %reduce_min3A_543 = arith.constant dense<2147483647> : vector<12xi32>
    %reduce_min3A_544 = vector.multi_reduction <minsi>, %reduce_min3A_542, %reduce_min3A_543 [1] : vector<12x8xi32> to vector<12xi32>
    %broadcast_in_dim3A_545 = vector.shape_cast %reduce_min3A_544 : vector<12xi32> to vector<12x1x1xi32>
    %eq3A_546 = vector.broadcast %broadcast_in_dim3A : vector<1x8x1152xi32> to vector<12x8x1152xi32>
    %eq3A_547 = vector.broadcast %broadcast_in_dim3A_545 : vector<12x1x1xi32> to vector<12x8x1152xi32>
    %eq3A_548 = arith.cmpi eq, %eq3A_546, %eq3A_547 : vector<12x8x1152xi32>
    %jit3A_549 = arith.constant -1 : i32
    %broadcast_in_dim3A_550 = vector.broadcast %jit3A_549 : i32 to vector<12x8x1152xi32>
    %select_n3A_551 = arith.select %eq3A_548, %iota3A_523, %broadcast_in_dim3A_550 : vector<12x8x1152xi1>, vector<12x8x1152xi32>
    %reduce_max3A_552 = arith.constant dense<-2147483648> : vector<8x1152xi32>
    %reduce_max3A_553 = vector.multi_reduction <maxsi>, %select_n3A_551, %reduce_max3A_552 [0] : vector<12x8x1152xi32> to vector<8x1152xi32>
    %ge3A = arith.constant 0 : i32
    %ge3A_554 = vector.broadcast %ge3A : i32 to vector<8x1152xi32>
    %ge3A_555 = arith.cmpi sge, %reduce_max3A_553, %ge3A_554 : vector<8x1152xi32>
    %select_n3A_556 = arith.select %ge3A_555, %reduce_max3A_553, %reduce_min3A_528 : vector<8x1152xi1>, vector<8x1152xi32>
    %jit3A_557 = arith.constant 1.000000e+00 : f32
    %broadcast_in_dim3A_558 = vector.broadcast %jit3A_557 : f32 to vector<8x1152xf32>
    %select_n3A_559 = arith.select %ge3A_555, %broadcast_in_dim3A_558, %reduce_max3A_524 : vector<8x1152xi1>, vector<8x1152xf32>
    %broadcast_in_dim3A_560 = arith.constant 0.000000e+00 : f32
    %broadcast_in_dim3A_561 = vector.broadcast %broadcast_in_dim3A_560 : f32 to vector<8x1152xf32>
    %broadcast_in_dim3A_562 = arith.constant 0.000000e+00 : f32
    %broadcast_in_dim3A_563 = vector.broadcast %broadcast_in_dim3A_562 : f32 to vector<8x1152xf32>
    %broadcast_in_dim3A_564 = arith.constant 0.000000e+00 : f32
    %broadcast_in_dim3A_565 = vector.broadcast %broadcast_in_dim3A_564 : f32 to vector<8x1152xf32>
    %broadcast_in_dim3A_566 = arith.constant 0.000000e+00 : f32
    %broadcast_in_dim3A_567 = vector.broadcast %broadcast_in_dim3A_566 : f32 to vector<8x1152xf32>
    %broadcast_in_dim3A_568 = arith.constant 0.000000e+00 : f32
    %broadcast_in_dim3A_569 = vector.broadcast %broadcast_in_dim3A_568 : f32 to vector<8x1152xf32>
    %eq3A_570 = arith.constant 0 : i32
    %eq3A_571 = vector.broadcast %eq3A_570 : i32 to vector<8x1152xi32>
    %eq3A_572 = arith.cmpi eq, %select_n3A_556, %eq3A_571 : vector<8x1152xi32>
    %get3A_573 = arith.constant 0 : index
    %get3A_574 = arith.constant 0 : index
    %get3A_575 = arith.constant 4 : index
    %get3A_576 = memref.load %arg2[%get3A_573, %get3A_574, %get3A_575] : memref<1x1x60xf32, #tpu.memory_space<smem>>
    %broadcast_in_dim3A_577 = vector.broadcast %get3A_576 : f32 to vector<8x1152xf32>
    %select_n3A_578 = arith.select %eq3A_572, %broadcast_in_dim3A_577, %broadcast_in_dim3A_561 : vector<8x1152xi1>, vector<8x1152xf32>
    %get3A_579 = arith.constant 0 : index
    %get3A_580 = arith.constant 0 : index
    %get3A_581 = arith.constant 0 : index
    %get3A_582 = memref.load %arg2[%get3A_579, %get3A_580, %get3A_581] : memref<1x1x60xf32, #tpu.memory_space<smem>>
    %broadcast_in_dim3A_583 = vector.broadcast %get3A_582 : f32 to vector<8x1152xf32>
    %select_n3A_584 = arith.select %eq3A_572, %broadcast_in_dim3A_583, %broadcast_in_dim3A_563 : vector<8x1152xi1>, vector<8x1152xf32>
    %get3A_585 = arith.constant 0 : index
    %get3A_586 = arith.constant 0 : index
    %get3A_587 = arith.constant 1 : index
    %get3A_588 = memref.load %arg2[%get3A_585, %get3A_586, %get3A_587] : memref<1x1x60xf32, #tpu.memory_space<smem>>
    %broadcast_in_dim3A_589 = vector.broadcast %get3A_588 : f32 to vector<8x1152xf32>
    %select_n3A_590 = arith.select %eq3A_572, %broadcast_in_dim3A_589, %broadcast_in_dim3A_565 : vector<8x1152xi1>, vector<8x1152xf32>
    %get3A_591 = arith.constant 0 : index
    %get3A_592 = arith.constant 0 : index
    %get3A_593 = arith.constant 2 : index
    %get3A_594 = memref.load %arg2[%get3A_591, %get3A_592, %get3A_593] : memref<1x1x60xf32, #tpu.memory_space<smem>>
    %broadcast_in_dim3A_595 = vector.broadcast %get3A_594 : f32 to vector<8x1152xf32>
    %select_n3A_596 = arith.select %eq3A_572, %broadcast_in_dim3A_595, %broadcast_in_dim3A_567 : vector<8x1152xi1>, vector<8x1152xf32>
    %get3A_597 = arith.constant 0 : index
    %get3A_598 = arith.constant 0 : index
    %get3A_599 = arith.constant 3 : index
    %get3A_600 = memref.load %arg2[%get3A_597, %get3A_598, %get3A_599] : memref<1x1x60xf32, #tpu.memory_space<smem>>
    %broadcast_in_dim3A_601 = vector.broadcast %get3A_600 : f32 to vector<8x1152xf32>
    %select_n3A_602 = arith.select %eq3A_572, %broadcast_in_dim3A_601, %broadcast_in_dim3A_569 : vector<8x1152xi1>, vector<8x1152xf32>
    %eq3A_603 = arith.constant 1 : i32
    %eq3A_604 = vector.broadcast %eq3A_603 : i32 to vector<8x1152xi32>
    %eq3A_605 = arith.cmpi eq, %select_n3A_556, %eq3A_604 : vector<8x1152xi32>
    %get3A_606 = arith.constant 0 : index
    %get3A_607 = arith.constant 0 : index
    %get3A_608 = arith.constant 9 : index
    %get3A_609 = memref.load %arg2[%get3A_606, %get3A_607, %get3A_608] : memref<1x1x60xf32, #tpu.memory_space<smem>>
    %broadcast_in_dim3A_610 = vector.broadcast %get3A_609 : f32 to vector<8x1152xf32>
    %select_n3A_611 = arith.select %eq3A_605, %broadcast_in_dim3A_610, %select_n3A_578 : vector<8x1152xi1>, vector<8x1152xf32>
    %get3A_612 = arith.constant 0 : index
    %get3A_613 = arith.constant 0 : index
    %get3A_614 = arith.constant 5 : index
    %get3A_615 = memref.load %arg2[%get3A_612, %get3A_613, %get3A_614] : memref<1x1x60xf32, #tpu.memory_space<smem>>
    %broadcast_in_dim3A_616 = vector.broadcast %get3A_615 : f32 to vector<8x1152xf32>
    %select_n3A_617 = arith.select %eq3A_605, %broadcast_in_dim3A_616, %select_n3A_584 : vector<8x1152xi1>, vector<8x1152xf32>
    %get3A_618 = arith.constant 0 : index
    %get3A_619 = arith.constant 0 : index
    %get3A_620 = arith.constant 6 : index
    %get3A_621 = memref.load %arg2[%get3A_618, %get3A_619, %get3A_620] : memref<1x1x60xf32, #tpu.memory_space<smem>>
    %broadcast_in_dim3A_622 = vector.broadcast %get3A_621 : f32 to vector<8x1152xf32>
    %select_n3A_623 = arith.select %eq3A_605, %broadcast_in_dim3A_622, %select_n3A_590 : vector<8x1152xi1>, vector<8x1152xf32>
    %get3A_624 = arith.constant 0 : index
    %get3A_625 = arith.constant 0 : index
    %get3A_626 = arith.constant 7 : index
    %get3A_627 = memref.load %arg2[%get3A_624, %get3A_625, %get3A_626] : memref<1x1x60xf32, #tpu.memory_space<smem>>
    %broadcast_in_dim3A_628 = vector.broadcast %get3A_627 : f32 to vector<8x1152xf32>
    %select_n3A_629 = arith.select %eq3A_605, %broadcast_in_dim3A_628, %select_n3A_596 : vector<8x1152xi1>, vector<8x1152xf32>
    %get3A_630 = arith.constant 0 : index
    %get3A_631 = arith.constant 0 : index
    %get3A_632 = arith.constant 8 : index
    %get3A_633 = memref.load %arg2[%get3A_630, %get3A_631, %get3A_632] : memref<1x1x60xf32, #tpu.memory_space<smem>>
    %broadcast_in_dim3A_634 = vector.broadcast %get3A_633 : f32 to vector<8x1152xf32>
    %select_n3A_635 = arith.select %eq3A_605, %broadcast_in_dim3A_634, %select_n3A_602 : vector<8x1152xi1>, vector<8x1152xf32>
    %eq3A_636 = arith.constant 2 : i32
    %eq3A_637 = vector.broadcast %eq3A_636 : i32 to vector<8x1152xi32>
    %eq3A_638 = arith.cmpi eq, %select_n3A_556, %eq3A_637 : vector<8x1152xi32>
    %get3A_639 = arith.constant 0 : index
    %get3A_640 = arith.constant 0 : index
    %get3A_641 = arith.constant 14 : index
    %get3A_642 = memref.load %arg2[%get3A_639, %get3A_640, %get3A_641] : memref<1x1x60xf32, #tpu.memory_space<smem>>
    %broadcast_in_dim3A_643 = vector.broadcast %get3A_642 : f32 to vector<8x1152xf32>
    %select_n3A_644 = arith.select %eq3A_638, %broadcast_in_dim3A_643, %select_n3A_611 : vector<8x1152xi1>, vector<8x1152xf32>
    %get3A_645 = arith.constant 0 : index
    %get3A_646 = arith.constant 0 : index
    %get3A_647 = arith.constant 10 : index
    %get3A_648 = memref.load %arg2[%get3A_645, %get3A_646, %get3A_647] : memref<1x1x60xf32, #tpu.memory_space<smem>>
    %broadcast_in_dim3A_649 = vector.broadcast %get3A_648 : f32 to vector<8x1152xf32>
    %select_n3A_650 = arith.select %eq3A_638, %broadcast_in_dim3A_649, %select_n3A_617 : vector<8x1152xi1>, vector<8x1152xf32>
    %get3A_651 = arith.constant 0 : index
    %get3A_652 = arith.constant 0 : index
    %get3A_653 = arith.constant 11 : index
    %get3A_654 = memref.load %arg2[%get3A_651, %get3A_652, %get3A_653] : memref<1x1x60xf32, #tpu.memory_space<smem>>
    %broadcast_in_dim3A_655 = vector.broadcast %get3A_654 : f32 to vector<8x1152xf32>
    %select_n3A_656 = arith.select %eq3A_638, %broadcast_in_dim3A_655, %select_n3A_623 : vector<8x1152xi1>, vector<8x1152xf32>
    %get3A_657 = arith.constant 0 : index
    %get3A_658 = arith.constant 0 : index
    %get3A_659 = arith.constant 12 : index
    %get3A_660 = memref.load %arg2[%get3A_657, %get3A_658, %get3A_659] : memref<1x1x60xf32, #tpu.memory_space<smem>>
    %broadcast_in_dim3A_661 = vector.broadcast %get3A_660 : f32 to vector<8x1152xf32>
    %select_n3A_662 = arith.select %eq3A_638, %broadcast_in_dim3A_661, %select_n3A_629 : vector<8x1152xi1>, vector<8x1152xf32>
    %get3A_663 = arith.constant 0 : index
    %get3A_664 = arith.constant 0 : index
    %get3A_665 = arith.constant 13 : index
    %get3A_666 = memref.load %arg2[%get3A_663, %get3A_664, %get3A_665] : memref<1x1x60xf32, #tpu.memory_space<smem>>
    %broadcast_in_dim3A_667 = vector.broadcast %get3A_666 : f32 to vector<8x1152xf32>
    %select_n3A_668 = arith.select %eq3A_638, %broadcast_in_dim3A_667, %select_n3A_635 : vector<8x1152xi1>, vector<8x1152xf32>
    %eq3A_669 = arith.constant 3 : i32
    %eq3A_670 = vector.broadcast %eq3A_669 : i32 to vector<8x1152xi32>
    %eq3A_671 = arith.cmpi eq, %select_n3A_556, %eq3A_670 : vector<8x1152xi32>
    %get3A_672 = arith.constant 0 : index
    %get3A_673 = arith.constant 0 : index
    %get3A_674 = arith.constant 19 : index
    %get3A_675 = memref.load %arg2[%get3A_672, %get3A_673, %get3A_674] : memref<1x1x60xf32, #tpu.memory_space<smem>>
    %broadcast_in_dim3A_676 = vector.broadcast %get3A_675 : f32 to vector<8x1152xf32>
    %select_n3A_677 = arith.select %eq3A_671, %broadcast_in_dim3A_676, %select_n3A_644 : vector<8x1152xi1>, vector<8x1152xf32>
    %get3A_678 = arith.constant 0 : index
    %get3A_679 = arith.constant 0 : index
    %get3A_680 = arith.constant 15 : index
    %get3A_681 = memref.load %arg2[%get3A_678, %get3A_679, %get3A_680] : memref<1x1x60xf32, #tpu.memory_space<smem>>
    %broadcast_in_dim3A_682 = vector.broadcast %get3A_681 : f32 to vector<8x1152xf32>
    %select_n3A_683 = arith.select %eq3A_671, %broadcast_in_dim3A_682, %select_n3A_650 : vector<8x1152xi1>, vector<8x1152xf32>
    %get3A_684 = arith.constant 0 : index
    %get3A_685 = arith.constant 0 : index
    %get3A_686 = arith.constant 16 : index
    %get3A_687 = memref.load %arg2[%get3A_684, %get3A_685, %get3A_686] : memref<1x1x60xf32, #tpu.memory_space<smem>>
    %broadcast_in_dim3A_688 = vector.broadcast %get3A_687 : f32 to vector<8x1152xf32>
    %select_n3A_689 = arith.select %eq3A_671, %broadcast_in_dim3A_688, %select_n3A_656 : vector<8x1152xi1>, vector<8x1152xf32>
    %get3A_690 = arith.constant 0 : index
    %get3A_691 = arith.constant 0 : index
    %get3A_692 = arith.constant 17 : index
    %get3A_693 = memref.load %arg2[%get3A_690, %get3A_691, %get3A_692] : memref<1x1x60xf32, #tpu.memory_space<smem>>
    %broadcast_in_dim3A_694 = vector.broadcast %get3A_693 : f32 to vector<8x1152xf32>
    %select_n3A_695 = arith.select %eq3A_671, %broadcast_in_dim3A_694, %select_n3A_662 : vector<8x1152xi1>, vector<8x1152xf32>
    %get3A_696 = arith.constant 0 : index
    %get3A_697 = arith.constant 0 : index
    %get3A_698 = arith.constant 18 : index
    %get3A_699 = memref.load %arg2[%get3A_696, %get3A_697, %get3A_698] : memref<1x1x60xf32, #tpu.memory_space<smem>>
    %broadcast_in_dim3A_700 = vector.broadcast %get3A_699 : f32 to vector<8x1152xf32>
    %select_n3A_701 = arith.select %eq3A_671, %broadcast_in_dim3A_700, %select_n3A_668 : vector<8x1152xi1>, vector<8x1152xf32>
    %eq3A_702 = arith.constant 4 : i32
    %eq3A_703 = vector.broadcast %eq3A_702 : i32 to vector<8x1152xi32>
    %eq3A_704 = arith.cmpi eq, %select_n3A_556, %eq3A_703 : vector<8x1152xi32>
    %get3A_705 = arith.constant 0 : index
    %get3A_706 = arith.constant 0 : index
    %get3A_707 = arith.constant 24 : index
    %get3A_708 = memref.load %arg2[%get3A_705, %get3A_706, %get3A_707] : memref<1x1x60xf32, #tpu.memory_space<smem>>
    %broadcast_in_dim3A_709 = vector.broadcast %get3A_708 : f32 to vector<8x1152xf32>
    %select_n3A_710 = arith.select %eq3A_704, %broadcast_in_dim3A_709, %select_n3A_677 : vector<8x1152xi1>, vector<8x1152xf32>
    %get3A_711 = arith.constant 0 : index
    %get3A_712 = arith.constant 0 : index
    %get3A_713 = arith.constant 20 : index
    %get3A_714 = memref.load %arg2[%get3A_711, %get3A_712, %get3A_713] : memref<1x1x60xf32, #tpu.memory_space<smem>>
    %broadcast_in_dim3A_715 = vector.broadcast %get3A_714 : f32 to vector<8x1152xf32>
    %select_n3A_716 = arith.select %eq3A_704, %broadcast_in_dim3A_715, %select_n3A_683 : vector<8x1152xi1>, vector<8x1152xf32>
    %get3A_717 = arith.constant 0 : index
    %get3A_718 = arith.constant 0 : index
    %get3A_719 = arith.constant 21 : index
    %get3A_720 = memref.load %arg2[%get3A_717, %get3A_718, %get3A_719] : memref<1x1x60xf32, #tpu.memory_space<smem>>
    %broadcast_in_dim3A_721 = vector.broadcast %get3A_720 : f32 to vector<8x1152xf32>
    %select_n3A_722 = arith.select %eq3A_704, %broadcast_in_dim3A_721, %select_n3A_689 : vector<8x1152xi1>, vector<8x1152xf32>
    %get3A_723 = arith.constant 0 : index
    %get3A_724 = arith.constant 0 : index
    %get3A_725 = arith.constant 22 : index
    %get3A_726 = memref.load %arg2[%get3A_723, %get3A_724, %get3A_725] : memref<1x1x60xf32, #tpu.memory_space<smem>>
    %broadcast_in_dim3A_727 = vector.broadcast %get3A_726 : f32 to vector<8x1152xf32>
    %select_n3A_728 = arith.select %eq3A_704, %broadcast_in_dim3A_727, %select_n3A_695 : vector<8x1152xi1>, vector<8x1152xf32>
    %get3A_729 = arith.constant 0 : index
    %get3A_730 = arith.constant 0 : index
    %get3A_731 = arith.constant 23 : index
    %get3A_732 = memref.load %arg2[%get3A_729, %get3A_730, %get3A_731] : memref<1x1x60xf32, #tpu.memory_space<smem>>
    %broadcast_in_dim3A_733 = vector.broadcast %get3A_732 : f32 to vector<8x1152xf32>
    %select_n3A_734 = arith.select %eq3A_704, %broadcast_in_dim3A_733, %select_n3A_701 : vector<8x1152xi1>, vector<8x1152xf32>
    %eq3A_735 = arith.constant 5 : i32
    %eq3A_736 = vector.broadcast %eq3A_735 : i32 to vector<8x1152xi32>
    %eq3A_737 = arith.cmpi eq, %select_n3A_556, %eq3A_736 : vector<8x1152xi32>
    %get3A_738 = arith.constant 0 : index
    %get3A_739 = arith.constant 0 : index
    %get3A_740 = arith.constant 29 : index
    %get3A_741 = memref.load %arg2[%get3A_738, %get3A_739, %get3A_740] : memref<1x1x60xf32, #tpu.memory_space<smem>>
    %broadcast_in_dim3A_742 = vector.broadcast %get3A_741 : f32 to vector<8x1152xf32>
    %select_n3A_743 = arith.select %eq3A_737, %broadcast_in_dim3A_742, %select_n3A_710 : vector<8x1152xi1>, vector<8x1152xf32>
    %get3A_744 = arith.constant 0 : index
    %get3A_745 = arith.constant 0 : index
    %get3A_746 = arith.constant 25 : index
    %get3A_747 = memref.load %arg2[%get3A_744, %get3A_745, %get3A_746] : memref<1x1x60xf32, #tpu.memory_space<smem>>
    %broadcast_in_dim3A_748 = vector.broadcast %get3A_747 : f32 to vector<8x1152xf32>
    %select_n3A_749 = arith.select %eq3A_737, %broadcast_in_dim3A_748, %select_n3A_716 : vector<8x1152xi1>, vector<8x1152xf32>
    %get3A_750 = arith.constant 0 : index
    %get3A_751 = arith.constant 0 : index
    %get3A_752 = arith.constant 26 : index
    %get3A_753 = memref.load %arg2[%get3A_750, %get3A_751, %get3A_752] : memref<1x1x60xf32, #tpu.memory_space<smem>>
    %broadcast_in_dim3A_754 = vector.broadcast %get3A_753 : f32 to vector<8x1152xf32>
    %select_n3A_755 = arith.select %eq3A_737, %broadcast_in_dim3A_754, %select_n3A_722 : vector<8x1152xi1>, vector<8x1152xf32>
    %get3A_756 = arith.constant 0 : index
    %get3A_757 = arith.constant 0 : index
    %get3A_758 = arith.constant 27 : index
    %get3A_759 = memref.load %arg2[%get3A_756, %get3A_757, %get3A_758] : memref<1x1x60xf32, #tpu.memory_space<smem>>
    %broadcast_in_dim3A_760 = vector.broadcast %get3A_759 : f32 to vector<8x1152xf32>
    %select_n3A_761 = arith.select %eq3A_737, %broadcast_in_dim3A_760, %select_n3A_728 : vector<8x1152xi1>, vector<8x1152xf32>
    %get3A_762 = arith.constant 0 : index
    %get3A_763 = arith.constant 0 : index
    %get3A_764 = arith.constant 28 : index
    %get3A_765 = memref.load %arg2[%get3A_762, %get3A_763, %get3A_764] : memref<1x1x60xf32, #tpu.memory_space<smem>>
    %broadcast_in_dim3A_766 = vector.broadcast %get3A_765 : f32 to vector<8x1152xf32>
    %select_n3A_767 = arith.select %eq3A_737, %broadcast_in_dim3A_766, %select_n3A_734 : vector<8x1152xi1>, vector<8x1152xf32>
    %eq3A_768 = arith.constant 6 : i32
    %eq3A_769 = vector.broadcast %eq3A_768 : i32 to vector<8x1152xi32>
    %eq3A_770 = arith.cmpi eq, %select_n3A_556, %eq3A_769 : vector<8x1152xi32>
    %get3A_771 = arith.constant 0 : index
    %get3A_772 = arith.constant 0 : index
    %get3A_773 = arith.constant 34 : index
    %get3A_774 = memref.load %arg2[%get3A_771, %get3A_772, %get3A_773] : memref<1x1x60xf32, #tpu.memory_space<smem>>
    %broadcast_in_dim3A_775 = vector.broadcast %get3A_774 : f32 to vector<8x1152xf32>
    %select_n3A_776 = arith.select %eq3A_770, %broadcast_in_dim3A_775, %select_n3A_743 : vector<8x1152xi1>, vector<8x1152xf32>
    %get3A_777 = arith.constant 0 : index
    %get3A_778 = arith.constant 0 : index
    %get3A_779 = arith.constant 30 : index
    %get3A_780 = memref.load %arg2[%get3A_777, %get3A_778, %get3A_779] : memref<1x1x60xf32, #tpu.memory_space<smem>>
    %broadcast_in_dim3A_781 = vector.broadcast %get3A_780 : f32 to vector<8x1152xf32>
    %select_n3A_782 = arith.select %eq3A_770, %broadcast_in_dim3A_781, %select_n3A_749 : vector<8x1152xi1>, vector<8x1152xf32>
    %get3A_783 = arith.constant 0 : index
    %get3A_784 = arith.constant 0 : index
    %get3A_785 = arith.constant 31 : index
    %get3A_786 = memref.load %arg2[%get3A_783, %get3A_784, %get3A_785] : memref<1x1x60xf32, #tpu.memory_space<smem>>
    %broadcast_in_dim3A_787 = vector.broadcast %get3A_786 : f32 to vector<8x1152xf32>
    %select_n3A_788 = arith.select %eq3A_770, %broadcast_in_dim3A_787, %select_n3A_755 : vector<8x1152xi1>, vector<8x1152xf32>
    %get3A_789 = arith.constant 0 : index
    %get3A_790 = arith.constant 0 : index
    %get3A_791 = arith.constant 32 : index
    %get3A_792 = memref.load %arg2[%get3A_789, %get3A_790, %get3A_791] : memref<1x1x60xf32, #tpu.memory_space<smem>>
    %broadcast_in_dim3A_793 = vector.broadcast %get3A_792 : f32 to vector<8x1152xf32>
    %select_n3A_794 = arith.select %eq3A_770, %broadcast_in_dim3A_793, %select_n3A_761 : vector<8x1152xi1>, vector<8x1152xf32>
    %get3A_795 = arith.constant 0 : index
    %get3A_796 = arith.constant 0 : index
    %get3A_797 = arith.constant 33 : index
    %get3A_798 = memref.load %arg2[%get3A_795, %get3A_796, %get3A_797] : memref<1x1x60xf32, #tpu.memory_space<smem>>
    %broadcast_in_dim3A_799 = vector.broadcast %get3A_798 : f32 to vector<8x1152xf32>
    %select_n3A_800 = arith.select %eq3A_770, %broadcast_in_dim3A_799, %select_n3A_767 : vector<8x1152xi1>, vector<8x1152xf32>
    %eq3A_801 = arith.constant 7 : i32
    %eq3A_802 = vector.broadcast %eq3A_801 : i32 to vector<8x1152xi32>
    %eq3A_803 = arith.cmpi eq, %select_n3A_556, %eq3A_802 : vector<8x1152xi32>
    %get3A_804 = arith.constant 0 : index
    %get3A_805 = arith.constant 0 : index
    %get3A_806 = arith.constant 39 : index
    %get3A_807 = memref.load %arg2[%get3A_804, %get3A_805, %get3A_806] : memref<1x1x60xf32, #tpu.memory_space<smem>>
    %broadcast_in_dim3A_808 = vector.broadcast %get3A_807 : f32 to vector<8x1152xf32>
    %select_n3A_809 = arith.select %eq3A_803, %broadcast_in_dim3A_808, %select_n3A_776 : vector<8x1152xi1>, vector<8x1152xf32>
    %get3A_810 = arith.constant 0 : index
    %get3A_811 = arith.constant 0 : index
    %get3A_812 = arith.constant 35 : index
    %get3A_813 = memref.load %arg2[%get3A_810, %get3A_811, %get3A_812] : memref<1x1x60xf32, #tpu.memory_space<smem>>
    %broadcast_in_dim3A_814 = vector.broadcast %get3A_813 : f32 to vector<8x1152xf32>
    %select_n3A_815 = arith.select %eq3A_803, %broadcast_in_dim3A_814, %select_n3A_782 : vector<8x1152xi1>, vector<8x1152xf32>
    %get3A_816 = arith.constant 0 : index
    %get3A_817 = arith.constant 0 : index
    %get3A_818 = arith.constant 36 : index
    %get3A_819 = memref.load %arg2[%get3A_816, %get3A_817, %get3A_818] : memref<1x1x60xf32, #tpu.memory_space<smem>>
    %broadcast_in_dim3A_820 = vector.broadcast %get3A_819 : f32 to vector<8x1152xf32>
    %select_n3A_821 = arith.select %eq3A_803, %broadcast_in_dim3A_820, %select_n3A_788 : vector<8x1152xi1>, vector<8x1152xf32>
    %get3A_822 = arith.constant 0 : index
    %get3A_823 = arith.constant 0 : index
    %get3A_824 = arith.constant 37 : index
    %get3A_825 = memref.load %arg2[%get3A_822, %get3A_823, %get3A_824] : memref<1x1x60xf32, #tpu.memory_space<smem>>
    %broadcast_in_dim3A_826 = vector.broadcast %get3A_825 : f32 to vector<8x1152xf32>
    %select_n3A_827 = arith.select %eq3A_803, %broadcast_in_dim3A_826, %select_n3A_794 : vector<8x1152xi1>, vector<8x1152xf32>
    %get3A_828 = arith.constant 0 : index
    %get3A_829 = arith.constant 0 : index
    %get3A_830 = arith.constant 38 : index
    %get3A_831 = memref.load %arg2[%get3A_828, %get3A_829, %get3A_830] : memref<1x1x60xf32, #tpu.memory_space<smem>>
    %broadcast_in_dim3A_832 = vector.broadcast %get3A_831 : f32 to vector<8x1152xf32>
    %select_n3A_833 = arith.select %eq3A_803, %broadcast_in_dim3A_832, %select_n3A_800 : vector<8x1152xi1>, vector<8x1152xf32>
    %eq3A_834 = arith.constant 8 : i32
    %eq3A_835 = vector.broadcast %eq3A_834 : i32 to vector<8x1152xi32>
    %eq3A_836 = arith.cmpi eq, %select_n3A_556, %eq3A_835 : vector<8x1152xi32>
    %get3A_837 = arith.constant 0 : index
    %get3A_838 = arith.constant 0 : index
    %get3A_839 = arith.constant 44 : index
    %get3A_840 = memref.load %arg2[%get3A_837, %get3A_838, %get3A_839] : memref<1x1x60xf32, #tpu.memory_space<smem>>
    %broadcast_in_dim3A_841 = vector.broadcast %get3A_840 : f32 to vector<8x1152xf32>
    %select_n3A_842 = arith.select %eq3A_836, %broadcast_in_dim3A_841, %select_n3A_809 : vector<8x1152xi1>, vector<8x1152xf32>
    %get3A_843 = arith.constant 0 : index
    %get3A_844 = arith.constant 0 : index
    %get3A_845 = arith.constant 40 : index
    %get3A_846 = memref.load %arg2[%get3A_843, %get3A_844, %get3A_845] : memref<1x1x60xf32, #tpu.memory_space<smem>>
    %broadcast_in_dim3A_847 = vector.broadcast %get3A_846 : f32 to vector<8x1152xf32>
    %select_n3A_848 = arith.select %eq3A_836, %broadcast_in_dim3A_847, %select_n3A_815 : vector<8x1152xi1>, vector<8x1152xf32>
    %get3A_849 = arith.constant 0 : index
    %get3A_850 = arith.constant 0 : index
    %get3A_851 = arith.constant 41 : index
    %get3A_852 = memref.load %arg2[%get3A_849, %get3A_850, %get3A_851] : memref<1x1x60xf32, #tpu.memory_space<smem>>
    %broadcast_in_dim3A_853 = vector.broadcast %get3A_852 : f32 to vector<8x1152xf32>
    %select_n3A_854 = arith.select %eq3A_836, %broadcast_in_dim3A_853, %select_n3A_821 : vector<8x1152xi1>, vector<8x1152xf32>
    %get3A_855 = arith.constant 0 : index
    %get3A_856 = arith.constant 0 : index
    %get3A_857 = arith.constant 42 : index
    %get3A_858 = memref.load %arg2[%get3A_855, %get3A_856, %get3A_857] : memref<1x1x60xf32, #tpu.memory_space<smem>>
    %broadcast_in_dim3A_859 = vector.broadcast %get3A_858 : f32 to vector<8x1152xf32>
    %select_n3A_860 = arith.select %eq3A_836, %broadcast_in_dim3A_859, %select_n3A_827 : vector<8x1152xi1>, vector<8x1152xf32>
    %get3A_861 = arith.constant 0 : index
    %get3A_862 = arith.constant 0 : index
    %get3A_863 = arith.constant 43 : index
    %get3A_864 = memref.load %arg2[%get3A_861, %get3A_862, %get3A_863] : memref<1x1x60xf32, #tpu.memory_space<smem>>
    %broadcast_in_dim3A_865 = vector.broadcast %get3A_864 : f32 to vector<8x1152xf32>
    %select_n3A_866 = arith.select %eq3A_836, %broadcast_in_dim3A_865, %select_n3A_833 : vector<8x1152xi1>, vector<8x1152xf32>
    %eq3A_867 = arith.constant 9 : i32
    %eq3A_868 = vector.broadcast %eq3A_867 : i32 to vector<8x1152xi32>
    %eq3A_869 = arith.cmpi eq, %select_n3A_556, %eq3A_868 : vector<8x1152xi32>
    %get3A_870 = arith.constant 0 : index
    %get3A_871 = arith.constant 0 : index
    %get3A_872 = arith.constant 49 : index
    %get3A_873 = memref.load %arg2[%get3A_870, %get3A_871, %get3A_872] : memref<1x1x60xf32, #tpu.memory_space<smem>>
    %broadcast_in_dim3A_874 = vector.broadcast %get3A_873 : f32 to vector<8x1152xf32>
    %select_n3A_875 = arith.select %eq3A_869, %broadcast_in_dim3A_874, %select_n3A_842 : vector<8x1152xi1>, vector<8x1152xf32>
    %get3A_876 = arith.constant 0 : index
    %get3A_877 = arith.constant 0 : index
    %get3A_878 = arith.constant 45 : index
    %get3A_879 = memref.load %arg2[%get3A_876, %get3A_877, %get3A_878] : memref<1x1x60xf32, #tpu.memory_space<smem>>
    %broadcast_in_dim3A_880 = vector.broadcast %get3A_879 : f32 to vector<8x1152xf32>
    %select_n3A_881 = arith.select %eq3A_869, %broadcast_in_dim3A_880, %select_n3A_848 : vector<8x1152xi1>, vector<8x1152xf32>
    %get3A_882 = arith.constant 0 : index
    %get3A_883 = arith.constant 0 : index
    %get3A_884 = arith.constant 46 : index
    %get3A_885 = memref.load %arg2[%get3A_882, %get3A_883, %get3A_884] : memref<1x1x60xf32, #tpu.memory_space<smem>>
    %broadcast_in_dim3A_886 = vector.broadcast %get3A_885 : f32 to vector<8x1152xf32>
    %select_n3A_887 = arith.select %eq3A_869, %broadcast_in_dim3A_886, %select_n3A_854 : vector<8x1152xi1>, vector<8x1152xf32>
    %get3A_888 = arith.constant 0 : index
    %get3A_889 = arith.constant 0 : index
    %get3A_890 = arith.constant 47 : index
    %get3A_891 = memref.load %arg2[%get3A_888, %get3A_889, %get3A_890] : memref<1x1x60xf32, #tpu.memory_space<smem>>
    %broadcast_in_dim3A_892 = vector.broadcast %get3A_891 : f32 to vector<8x1152xf32>
    %select_n3A_893 = arith.select %eq3A_869, %broadcast_in_dim3A_892, %select_n3A_860 : vector<8x1152xi1>, vector<8x1152xf32>
    %get3A_894 = arith.constant 0 : index
    %get3A_895 = arith.constant 0 : index
    %get3A_896 = arith.constant 48 : index
    %get3A_897 = memref.load %arg2[%get3A_894, %get3A_895, %get3A_896] : memref<1x1x60xf32, #tpu.memory_space<smem>>
    %broadcast_in_dim3A_898 = vector.broadcast %get3A_897 : f32 to vector<8x1152xf32>
    %select_n3A_899 = arith.select %eq3A_869, %broadcast_in_dim3A_898, %select_n3A_866 : vector<8x1152xi1>, vector<8x1152xf32>
    %eq3A_900 = arith.constant 10 : i32
    %eq3A_901 = vector.broadcast %eq3A_900 : i32 to vector<8x1152xi32>
    %eq3A_902 = arith.cmpi eq, %select_n3A_556, %eq3A_901 : vector<8x1152xi32>
    %get3A_903 = arith.constant 0 : index
    %get3A_904 = arith.constant 0 : index
    %get3A_905 = arith.constant 54 : index
    %get3A_906 = memref.load %arg2[%get3A_903, %get3A_904, %get3A_905] : memref<1x1x60xf32, #tpu.memory_space<smem>>
    %broadcast_in_dim3A_907 = vector.broadcast %get3A_906 : f32 to vector<8x1152xf32>
    %select_n3A_908 = arith.select %eq3A_902, %broadcast_in_dim3A_907, %select_n3A_875 : vector<8x1152xi1>, vector<8x1152xf32>
    %get3A_909 = arith.constant 0 : index
    %get3A_910 = arith.constant 0 : index
    %get3A_911 = arith.constant 50 : index
    %get3A_912 = memref.load %arg2[%get3A_909, %get3A_910, %get3A_911] : memref<1x1x60xf32, #tpu.memory_space<smem>>
    %broadcast_in_dim3A_913 = vector.broadcast %get3A_912 : f32 to vector<8x1152xf32>
    %select_n3A_914 = arith.select %eq3A_902, %broadcast_in_dim3A_913, %select_n3A_881 : vector<8x1152xi1>, vector<8x1152xf32>
    %get3A_915 = arith.constant 0 : index
    %get3A_916 = arith.constant 0 : index
    %get3A_917 = arith.constant 51 : index
    %get3A_918 = memref.load %arg2[%get3A_915, %get3A_916, %get3A_917] : memref<1x1x60xf32, #tpu.memory_space<smem>>
    %broadcast_in_dim3A_919 = vector.broadcast %get3A_918 : f32 to vector<8x1152xf32>
    %select_n3A_920 = arith.select %eq3A_902, %broadcast_in_dim3A_919, %select_n3A_887 : vector<8x1152xi1>, vector<8x1152xf32>
    %get3A_921 = arith.constant 0 : index
    %get3A_922 = arith.constant 0 : index
    %get3A_923 = arith.constant 52 : index
    %get3A_924 = memref.load %arg2[%get3A_921, %get3A_922, %get3A_923] : memref<1x1x60xf32, #tpu.memory_space<smem>>
    %broadcast_in_dim3A_925 = vector.broadcast %get3A_924 : f32 to vector<8x1152xf32>
    %select_n3A_926 = arith.select %eq3A_902, %broadcast_in_dim3A_925, %select_n3A_893 : vector<8x1152xi1>, vector<8x1152xf32>
    %get3A_927 = arith.constant 0 : index
    %get3A_928 = arith.constant 0 : index
    %get3A_929 = arith.constant 53 : index
    %get3A_930 = memref.load %arg2[%get3A_927, %get3A_928, %get3A_929] : memref<1x1x60xf32, #tpu.memory_space<smem>>
    %broadcast_in_dim3A_931 = vector.broadcast %get3A_930 : f32 to vector<8x1152xf32>
    %select_n3A_932 = arith.select %eq3A_902, %broadcast_in_dim3A_931, %select_n3A_899 : vector<8x1152xi1>, vector<8x1152xf32>
    %eq3A_933 = arith.constant 11 : i32
    %eq3A_934 = vector.broadcast %eq3A_933 : i32 to vector<8x1152xi32>
    %eq3A_935 = arith.cmpi eq, %select_n3A_556, %eq3A_934 : vector<8x1152xi32>
    %get3A_936 = arith.constant 0 : index
    %get3A_937 = arith.constant 0 : index
    %get3A_938 = arith.constant 59 : index
    %get3A_939 = memref.load %arg2[%get3A_936, %get3A_937, %get3A_938] : memref<1x1x60xf32, #tpu.memory_space<smem>>
    %broadcast_in_dim3A_940 = vector.broadcast %get3A_939 : f32 to vector<8x1152xf32>
    %select_n3A_941 = arith.select %eq3A_935, %broadcast_in_dim3A_940, %select_n3A_908 : vector<8x1152xi1>, vector<8x1152xf32>
    %get3A_942 = arith.constant 0 : index
    %get3A_943 = arith.constant 0 : index
    %get3A_944 = arith.constant 55 : index
    %get3A_945 = memref.load %arg2[%get3A_942, %get3A_943, %get3A_944] : memref<1x1x60xf32, #tpu.memory_space<smem>>
    %broadcast_in_dim3A_946 = vector.broadcast %get3A_945 : f32 to vector<8x1152xf32>
    %select_n3A_947 = arith.select %eq3A_935, %broadcast_in_dim3A_946, %select_n3A_914 : vector<8x1152xi1>, vector<8x1152xf32>
    %get3A_948 = arith.constant 0 : index
    %get3A_949 = arith.constant 0 : index
    %get3A_950 = arith.constant 56 : index
    %get3A_951 = memref.load %arg2[%get3A_948, %get3A_949, %get3A_950] : memref<1x1x60xf32, #tpu.memory_space<smem>>
    %broadcast_in_dim3A_952 = vector.broadcast %get3A_951 : f32 to vector<8x1152xf32>
    %select_n3A_953 = arith.select %eq3A_935, %broadcast_in_dim3A_952, %select_n3A_920 : vector<8x1152xi1>, vector<8x1152xf32>
    %get3A_954 = arith.constant 0 : index
    %get3A_955 = arith.constant 0 : index
    %get3A_956 = arith.constant 57 : index
    %get3A_957 = memref.load %arg2[%get3A_954, %get3A_955, %get3A_956] : memref<1x1x60xf32, #tpu.memory_space<smem>>
    %broadcast_in_dim3A_958 = vector.broadcast %get3A_957 : f32 to vector<8x1152xf32>
    %select_n3A_959 = arith.select %eq3A_935, %broadcast_in_dim3A_958, %select_n3A_926 : vector<8x1152xi1>, vector<8x1152xf32>
    %get3A_960 = arith.constant 0 : index
    %get3A_961 = arith.constant 0 : index
    %get3A_962 = arith.constant 58 : index
    %get3A_963 = memref.load %arg2[%get3A_960, %get3A_961, %get3A_962] : memref<1x1x60xf32, #tpu.memory_space<smem>>
    %broadcast_in_dim3A_964 = vector.broadcast %get3A_963 : f32 to vector<8x1152xf32>
    %select_n3A_965 = arith.select %eq3A_935, %broadcast_in_dim3A_964, %select_n3A_932 : vector<8x1152xi1>, vector<8x1152xf32>
    %lt3A = arith.constant 5.000000e-01 : f32
    %lt3A_966 = vector.broadcast %lt3A : f32 to vector<8x1152xf32>
    %lt3A_967 = arith.cmpf olt, %select_n3A_559, %lt3A_966 : vector<8x1152xf32>
    %jit3A_968 = arith.constant 0.000000e+00 : f32
    %broadcast_in_dim3A_969 = vector.broadcast %jit3A_968 : f32 to vector<8x1152xf32>
    %select_n3A_970 = arith.select %lt3A_967, %broadcast_in_dim3A_969, %select_n3A_941 : vector<8x1152xi1>, vector<8x1152xf32>
    %ne3A = arith.constant 0.000000e+00 : f32
    %ne3A_971 = vector.broadcast %ne3A : f32 to vector<8x1152xf32>
    %ne3A_972 = arith.cmpf one, %select_n3A_970, %ne3A_971 : vector<8x1152xf32>
    %convert_element_type3A = arith.extui %ne3A_972 : vector<8x1152xi1> to vector<8x1152xi32>
    %convert_element_type3A_973 = arith.sitofp %convert_element_type3A : vector<8x1152xi32> to vector<8x1152xf32>
    %add3A_974 = arith.addf %select_n3A_947, %select_n3A_959 : vector<8x1152xf32>
    %mul3A_975 = arith.constant 5.000000e-01 : f32
    %mul3A_976 = vector.broadcast %mul3A_975 : f32 to vector<8x1152xf32>
    %mul3A_977 = arith.mulf %add3A_974, %mul3A_976 : vector<8x1152xf32>
    %add3A_978 = arith.addf %select_n3A_953, %select_n3A_965 : vector<8x1152xf32>
    %mul3A_979 = arith.constant 5.000000e-01 : f32
    %mul3A_980 = vector.broadcast %mul3A_979 : f32 to vector<8x1152xf32>
    %mul3A_981 = arith.mulf %add3A_978, %mul3A_980 : vector<8x1152xf32>
    %sub3A_982 = arith.subf %select_n3A_959, %select_n3A_947 : vector<8x1152xf32>
    %sub3A_983 = arith.subf %select_n3A_965, %select_n3A_953 : vector<8x1152xf32>
    %sub3A_984 = arith.subf %mul3A_977, %get3A_16 : vector<8x1152xf32>
    %mul3A_985 = arith.mulf %sub3A_984, %get3A_22 : vector<8x1152xf32>
    %sub3A_986 = arith.subf %mul3A_981, %get3A_19 : vector<8x1152xf32>
    %mul3A_987 = arith.mulf %sub3A_986, %get3A_25 : vector<8x1152xf32>
    %log3A = math.log %sub3A_982 : vector<8x1152xf32>
    %mul3A_988 = arith.constant 5.000000e+00 : f32
    %mul3A_989 = vector.broadcast %mul3A_988 : f32 to vector<8x1152xf32>
    %mul3A_990 = arith.mulf %log3A, %mul3A_989 : vector<8x1152xf32>
    %sub3A_991 = arith.subf %mul3A_990, %get3A_28 : vector<8x1152xf32>
    %log3A_992 = math.log %sub3A_983 : vector<8x1152xf32>
    %mul3A_993 = arith.constant 5.000000e+00 : f32
    %mul3A_994 = vector.broadcast %mul3A_993 : f32 to vector<8x1152xf32>
    %mul3A_995 = arith.mulf %log3A_992, %mul3A_994 : vector<8x1152xf32>
    %sub3A_996 = arith.subf %mul3A_995, %get3A_31 : vector<8x1152xf32>
    %get3A_997 = arith.constant 0 : index
    %get3A_998 = arith.constant 0 : index
    %get3A_999 = arith.constant 0 : index
    %get3A_1000 = vector.load %arg3[%get3A_997, %get3A_998, %get3A_999] : memref<1x32x1152xf32, #tpu.memory_space<vmem>>, vector<1x8x1152xf32>
    %get3A_1001 = vector.shape_cast %get3A_1000 : vector<1x8x1152xf32> to vector<8x1152xf32>
    %sub3A_1002 = arith.subf %get3A_1001, %mul3A_985 : vector<8x1152xf32>
    %abs3A = math.absf %sub3A_1002 : vector<8x1152xf32>
    %get3A_1003 = arith.constant 0 : index
    %get3A_1004 = arith.constant 8 : index
    %get3A_1005 = arith.constant 0 : index
    %get3A_1006 = vector.load %arg3[%get3A_1003, %get3A_1004, %get3A_1005] : memref<1x32x1152xf32, #tpu.memory_space<vmem>>, vector<1x8x1152xf32>
    %get3A_1007 = vector.shape_cast %get3A_1006 : vector<1x8x1152xf32> to vector<8x1152xf32>
    %sub3A_1008 = arith.subf %get3A_1007, %mul3A_987 : vector<8x1152xf32>
    %abs3A_1009 = math.absf %sub3A_1008 : vector<8x1152xf32>
    %add3A_1010 = arith.addf %abs3A, %abs3A_1009 : vector<8x1152xf32>
    %get3A_1011 = arith.constant 0 : index
    %get3A_1012 = arith.constant 16 : index
    %get3A_1013 = arith.constant 0 : index
    %get3A_1014 = vector.load %arg3[%get3A_1011, %get3A_1012, %get3A_1013] : memref<1x32x1152xf32, #tpu.memory_space<vmem>>, vector<1x8x1152xf32>
    %get3A_1015 = vector.shape_cast %get3A_1014 : vector<1x8x1152xf32> to vector<8x1152xf32>
    %sub3A_1016 = arith.subf %get3A_1015, %sub3A_991 : vector<8x1152xf32>
    %abs3A_1017 = math.absf %sub3A_1016 : vector<8x1152xf32>
    %add3A_1018 = arith.addf %add3A_1010, %abs3A_1017 : vector<8x1152xf32>
    %get3A_1019 = arith.constant 0 : index
    %get3A_1020 = arith.constant 24 : index
    %get3A_1021 = arith.constant 0 : index
    %get3A_1022 = vector.load %arg3[%get3A_1019, %get3A_1020, %get3A_1021] : memref<1x32x1152xf32, #tpu.memory_space<vmem>>, vector<1x8x1152xf32>
    %get3A_1023 = vector.shape_cast %get3A_1022 : vector<1x8x1152xf32> to vector<8x1152xf32>
    %sub3A_1024 = arith.subf %get3A_1023, %sub3A_996 : vector<8x1152xf32>
    %abs3A_1025 = math.absf %sub3A_1024 : vector<8x1152xf32>
    %add3A_1026 = arith.addf %add3A_1018, %abs3A_1025 : vector<8x1152xf32>
    %mul3A_1027 = arith.mulf %add3A_1026, %convert_element_type3A_973 : vector<8x1152xf32>
    %reduce_sum3A = vector.shape_cast %mul3A_1027 : vector<8x1152xf32> to vector<1x8x1152xf32>
    %reduce_sum3A_1028 = arith.constant dense<0.000000e+00> : vector<1xf32>
    %reduce_sum3A_1029 = vector.multi_reduction <add>, %reduce_sum3A, %reduce_sum3A_1028 [1, 2] : vector<1x8x1152xf32> to vector<1xf32>
    %reduce_sum3A_1030 = vector.shape_cast %reduce_sum3A_1029 : vector<1xf32> to vector<1x1x1xf32>
    %reduce_sum3A_1031 = vector.extract %reduce_sum3A_1030[0, 0, 0] : f32 from vector<1x1x1xf32>
    %get3A_1032 = arith.constant 0 : index
    %get3A_1033 = arith.constant 0 : index
    %get3A_1034 = arith.constant 0 : index
    %get3A_1035 = vector.load %arg4[%get3A_1032, %get3A_1033, %get3A_1034] : memref<1x168x1152xf32, #tpu.memory_space<vmem>>, vector<1x8x1152xf32>
    %get3A_1036 = vector.shape_cast %get3A_1035 : vector<1x8x1152xf32> to vector<8x1152xf32>
    %exp3A = math.exp %get3A_1036 : vector<8x1152xf32>
    %get3A_1037 = arith.constant 0 : index
    %get3A_1038 = arith.constant 8 : index
    %get3A_1039 = arith.constant 0 : index
    %get3A_1040 = vector.load %arg4[%get3A_1037, %get3A_1038, %get3A_1039] : memref<1x168x1152xf32, #tpu.memory_space<vmem>>, vector<1x8x1152xf32>
    %get3A_1041 = vector.shape_cast %get3A_1040 : vector<1x8x1152xf32> to vector<8x1152xf32>
    %exp3A_1042 = math.exp %get3A_1041 : vector<8x1152xf32>
    %add3A_1043 = arith.addf %exp3A, %exp3A_1042 : vector<8x1152xf32>
    %get3A_1044 = arith.constant 0 : index
    %get3A_1045 = arith.constant 16 : index
    %get3A_1046 = arith.constant 0 : index
    %get3A_1047 = vector.load %arg4[%get3A_1044, %get3A_1045, %get3A_1046] : memref<1x168x1152xf32, #tpu.memory_space<vmem>>, vector<1x8x1152xf32>
    %get3A_1048 = vector.shape_cast %get3A_1047 : vector<1x8x1152xf32> to vector<8x1152xf32>
    %exp3A_1049 = math.exp %get3A_1048 : vector<8x1152xf32>
    %add3A_1050 = arith.addf %add3A_1043, %exp3A_1049 : vector<8x1152xf32>
    %get3A_1051 = arith.constant 0 : index
    %get3A_1052 = arith.constant 24 : index
    %get3A_1053 = arith.constant 0 : index
    %get3A_1054 = vector.load %arg4[%get3A_1051, %get3A_1052, %get3A_1053] : memref<1x168x1152xf32, #tpu.memory_space<vmem>>, vector<1x8x1152xf32>
    %get3A_1055 = vector.shape_cast %get3A_1054 : vector<1x8x1152xf32> to vector<8x1152xf32>
    %exp3A_1056 = math.exp %get3A_1055 : vector<8x1152xf32>
    %add3A_1057 = arith.addf %add3A_1050, %exp3A_1056 : vector<8x1152xf32>
    %get3A_1058 = arith.constant 0 : index
    %get3A_1059 = arith.constant 32 : index
    %get3A_1060 = arith.constant 0 : index
    %get3A_1061 = vector.load %arg4[%get3A_1058, %get3A_1059, %get3A_1060] : memref<1x168x1152xf32, #tpu.memory_space<vmem>>, vector<1x8x1152xf32>
    %get3A_1062 = vector.shape_cast %get3A_1061 : vector<1x8x1152xf32> to vector<8x1152xf32>
    %exp3A_1063 = math.exp %get3A_1062 : vector<8x1152xf32>
    %add3A_1064 = arith.addf %add3A_1057, %exp3A_1063 : vector<8x1152xf32>
    %get3A_1065 = arith.constant 0 : index
    %get3A_1066 = arith.constant 40 : index
    %get3A_1067 = arith.constant 0 : index
    %get3A_1068 = vector.load %arg4[%get3A_1065, %get3A_1066, %get3A_1067] : memref<1x168x1152xf32, #tpu.memory_space<vmem>>, vector<1x8x1152xf32>
    %get3A_1069 = vector.shape_cast %get3A_1068 : vector<1x8x1152xf32> to vector<8x1152xf32>
    %exp3A_1070 = math.exp %get3A_1069 : vector<8x1152xf32>
    %add3A_1071 = arith.addf %add3A_1064, %exp3A_1070 : vector<8x1152xf32>
    %get3A_1072 = arith.constant 0 : index
    %get3A_1073 = arith.constant 48 : index
    %get3A_1074 = arith.constant 0 : index
    %get3A_1075 = vector.load %arg4[%get3A_1072, %get3A_1073, %get3A_1074] : memref<1x168x1152xf32, #tpu.memory_space<vmem>>, vector<1x8x1152xf32>
    %get3A_1076 = vector.shape_cast %get3A_1075 : vector<1x8x1152xf32> to vector<8x1152xf32>
    %exp3A_1077 = math.exp %get3A_1076 : vector<8x1152xf32>
    %add3A_1078 = arith.addf %add3A_1071, %exp3A_1077 : vector<8x1152xf32>
    %get3A_1079 = arith.constant 0 : index
    %get3A_1080 = arith.constant 56 : index
    %get3A_1081 = arith.constant 0 : index
    %get3A_1082 = vector.load %arg4[%get3A_1079, %get3A_1080, %get3A_1081] : memref<1x168x1152xf32, #tpu.memory_space<vmem>>, vector<1x8x1152xf32>
    %get3A_1083 = vector.shape_cast %get3A_1082 : vector<1x8x1152xf32> to vector<8x1152xf32>
    %exp3A_1084 = math.exp %get3A_1083 : vector<8x1152xf32>
    %add3A_1085 = arith.addf %add3A_1078, %exp3A_1084 : vector<8x1152xf32>
    %get3A_1086 = arith.constant 0 : index
    %get3A_1087 = arith.constant 64 : index
    %get3A_1088 = arith.constant 0 : index
    %get3A_1089 = vector.load %arg4[%get3A_1086, %get3A_1087, %get3A_1088] : memref<1x168x1152xf32, #tpu.memory_space<vmem>>, vector<1x8x1152xf32>
    %get3A_1090 = vector.shape_cast %get3A_1089 : vector<1x8x1152xf32> to vector<8x1152xf32>
    %exp3A_1091 = math.exp %get3A_1090 : vector<8x1152xf32>
    %add3A_1092 = arith.addf %add3A_1085, %exp3A_1091 : vector<8x1152xf32>
    %get3A_1093 = arith.constant 0 : index
    %get3A_1094 = arith.constant 72 : index
    %get3A_1095 = arith.constant 0 : index
    %get3A_1096 = vector.load %arg4[%get3A_1093, %get3A_1094, %get3A_1095] : memref<1x168x1152xf32, #tpu.memory_space<vmem>>, vector<1x8x1152xf32>
    %get3A_1097 = vector.shape_cast %get3A_1096 : vector<1x8x1152xf32> to vector<8x1152xf32>
    %exp3A_1098 = math.exp %get3A_1097 : vector<8x1152xf32>
    %add3A_1099 = arith.addf %add3A_1092, %exp3A_1098 : vector<8x1152xf32>
    %get3A_1100 = arith.constant 0 : index
    %get3A_1101 = arith.constant 80 : index
    %get3A_1102 = arith.constant 0 : index
    %get3A_1103 = vector.load %arg4[%get3A_1100, %get3A_1101, %get3A_1102] : memref<1x168x1152xf32, #tpu.memory_space<vmem>>, vector<1x8x1152xf32>
    %get3A_1104 = vector.shape_cast %get3A_1103 : vector<1x8x1152xf32> to vector<8x1152xf32>
    %exp3A_1105 = math.exp %get3A_1104 : vector<8x1152xf32>
    %add3A_1106 = arith.addf %add3A_1099, %exp3A_1105 : vector<8x1152xf32>
    %get3A_1107 = arith.constant 0 : index
    %get3A_1108 = arith.constant 88 : index
    %get3A_1109 = arith.constant 0 : index
    %get3A_1110 = vector.load %arg4[%get3A_1107, %get3A_1108, %get3A_1109] : memref<1x168x1152xf32, #tpu.memory_space<vmem>>, vector<1x8x1152xf32>
    %get3A_1111 = vector.shape_cast %get3A_1110 : vector<1x8x1152xf32> to vector<8x1152xf32>
    %exp3A_1112 = math.exp %get3A_1111 : vector<8x1152xf32>
    %add3A_1113 = arith.addf %add3A_1106, %exp3A_1112 : vector<8x1152xf32>
    %get3A_1114 = arith.constant 0 : index
    %get3A_1115 = arith.constant 96 : index
    %get3A_1116 = arith.constant 0 : index
    %get3A_1117 = vector.load %arg4[%get3A_1114, %get3A_1115, %get3A_1116] : memref<1x168x1152xf32, #tpu.memory_space<vmem>>, vector<1x8x1152xf32>
    %get3A_1118 = vector.shape_cast %get3A_1117 : vector<1x8x1152xf32> to vector<8x1152xf32>
    %exp3A_1119 = math.exp %get3A_1118 : vector<8x1152xf32>
    %add3A_1120 = arith.addf %add3A_1113, %exp3A_1119 : vector<8x1152xf32>
    %get3A_1121 = arith.constant 0 : index
    %get3A_1122 = arith.constant 104 : index
    %get3A_1123 = arith.constant 0 : index
    %get3A_1124 = vector.load %arg4[%get3A_1121, %get3A_1122, %get3A_1123] : memref<1x168x1152xf32, #tpu.memory_space<vmem>>, vector<1x8x1152xf32>
    %get3A_1125 = vector.shape_cast %get3A_1124 : vector<1x8x1152xf32> to vector<8x1152xf32>
    %exp3A_1126 = math.exp %get3A_1125 : vector<8x1152xf32>
    %add3A_1127 = arith.addf %add3A_1120, %exp3A_1126 : vector<8x1152xf32>
    %get3A_1128 = arith.constant 0 : index
    %get3A_1129 = arith.constant 112 : index
    %get3A_1130 = arith.constant 0 : index
    %get3A_1131 = vector.load %arg4[%get3A_1128, %get3A_1129, %get3A_1130] : memref<1x168x1152xf32, #tpu.memory_space<vmem>>, vector<1x8x1152xf32>
    %get3A_1132 = vector.shape_cast %get3A_1131 : vector<1x8x1152xf32> to vector<8x1152xf32>
    %exp3A_1133 = math.exp %get3A_1132 : vector<8x1152xf32>
    %add3A_1134 = arith.addf %add3A_1127, %exp3A_1133 : vector<8x1152xf32>
    %get3A_1135 = arith.constant 0 : index
    %get3A_1136 = arith.constant 120 : index
    %get3A_1137 = arith.constant 0 : index
    %get3A_1138 = vector.load %arg4[%get3A_1135, %get3A_1136, %get3A_1137] : memref<1x168x1152xf32, #tpu.memory_space<vmem>>, vector<1x8x1152xf32>
    %get3A_1139 = vector.shape_cast %get3A_1138 : vector<1x8x1152xf32> to vector<8x1152xf32>
    %exp3A_1140 = math.exp %get3A_1139 : vector<8x1152xf32>
    %add3A_1141 = arith.addf %add3A_1134, %exp3A_1140 : vector<8x1152xf32>
    %get3A_1142 = arith.constant 0 : index
    %get3A_1143 = arith.constant 128 : index
    %get3A_1144 = arith.constant 0 : index
    %get3A_1145 = vector.load %arg4[%get3A_1142, %get3A_1143, %get3A_1144] : memref<1x168x1152xf32, #tpu.memory_space<vmem>>, vector<1x8x1152xf32>
    %get3A_1146 = vector.shape_cast %get3A_1145 : vector<1x8x1152xf32> to vector<8x1152xf32>
    %exp3A_1147 = math.exp %get3A_1146 : vector<8x1152xf32>
    %add3A_1148 = arith.addf %add3A_1141, %exp3A_1147 : vector<8x1152xf32>
    %get3A_1149 = arith.constant 0 : index
    %get3A_1150 = arith.constant 136 : index
    %get3A_1151 = arith.constant 0 : index
    %get3A_1152 = vector.load %arg4[%get3A_1149, %get3A_1150, %get3A_1151] : memref<1x168x1152xf32, #tpu.memory_space<vmem>>, vector<1x8x1152xf32>
    %get3A_1153 = vector.shape_cast %get3A_1152 : vector<1x8x1152xf32> to vector<8x1152xf32>
    %exp3A_1154 = math.exp %get3A_1153 : vector<8x1152xf32>
    %add3A_1155 = arith.addf %add3A_1148, %exp3A_1154 : vector<8x1152xf32>
    %get3A_1156 = arith.constant 0 : index
    %get3A_1157 = arith.constant 144 : index
    %get3A_1158 = arith.constant 0 : index
    %get3A_1159 = vector.load %arg4[%get3A_1156, %get3A_1157, %get3A_1158] : memref<1x168x1152xf32, #tpu.memory_space<vmem>>, vector<1x8x1152xf32>
    %get3A_1160 = vector.shape_cast %get3A_1159 : vector<1x8x1152xf32> to vector<8x1152xf32>
    %exp3A_1161 = math.exp %get3A_1160 : vector<8x1152xf32>
    %add3A_1162 = arith.addf %add3A_1155, %exp3A_1161 : vector<8x1152xf32>
    %get3A_1163 = arith.constant 0 : index
    %get3A_1164 = arith.constant 152 : index
    %get3A_1165 = arith.constant 0 : index
    %get3A_1166 = vector.load %arg4[%get3A_1163, %get3A_1164, %get3A_1165] : memref<1x168x1152xf32, #tpu.memory_space<vmem>>, vector<1x8x1152xf32>
    %get3A_1167 = vector.shape_cast %get3A_1166 : vector<1x8x1152xf32> to vector<8x1152xf32>
    %exp3A_1168 = math.exp %get3A_1167 : vector<8x1152xf32>
    %add3A_1169 = arith.addf %add3A_1162, %exp3A_1168 : vector<8x1152xf32>
    %get3A_1170 = arith.constant 0 : index
    %get3A_1171 = arith.constant 160 : index
    %get3A_1172 = arith.constant 0 : index
    %get3A_1173 = vector.load %arg4[%get3A_1170, %get3A_1171, %get3A_1172] : memref<1x168x1152xf32, #tpu.memory_space<vmem>>, vector<1x8x1152xf32>
    %get3A_1174 = vector.shape_cast %get3A_1173 : vector<1x8x1152xf32> to vector<8x1152xf32>
    %exp3A_1175 = math.exp %get3A_1174 : vector<8x1152xf32>
    %add3A_1176 = arith.addf %add3A_1169, %exp3A_1175 : vector<8x1152xf32>
    %log3A_1177 = math.log %add3A_1176 : vector<8x1152xf32>
    %get3A_1178 = arith.constant 0 : index
    %get3A_1179 = arith.constant 0 : index
    %get3A_1180 = arith.constant 0 : index
    %get3A_1181 = vector.load %arg4[%get3A_1178, %get3A_1179, %get3A_1180] : memref<1x168x1152xf32, #tpu.memory_space<vmem>>, vector<1x8x1152xf32>
    %get3A_1182 = vector.shape_cast %get3A_1181 : vector<1x8x1152xf32> to vector<8x1152xf32>
    %eq3A_1183 = arith.constant 1.000000e+00 : f32
    %eq3A_1184 = vector.broadcast %eq3A_1183 : f32 to vector<8x1152xf32>
    %eq3A_1185 = arith.cmpf oeq, %select_n3A_970, %eq3A_1184 : vector<8x1152xf32>
    %get3A_1186 = arith.constant 0 : index
    %get3A_1187 = arith.constant 8 : index
    %get3A_1188 = arith.constant 0 : index
    %get3A_1189 = vector.load %arg4[%get3A_1186, %get3A_1187, %get3A_1188] : memref<1x168x1152xf32, #tpu.memory_space<vmem>>, vector<1x8x1152xf32>
    %get3A_1190 = vector.shape_cast %get3A_1189 : vector<1x8x1152xf32> to vector<8x1152xf32>
    %select_n3A_1191 = arith.select %eq3A_1185, %get3A_1190, %get3A_1182 : vector<8x1152xi1>, vector<8x1152xf32>
    %eq3A_1192 = arith.constant 2.000000e+00 : f32
    %eq3A_1193 = vector.broadcast %eq3A_1192 : f32 to vector<8x1152xf32>
    %eq3A_1194 = arith.cmpf oeq, %select_n3A_970, %eq3A_1193 : vector<8x1152xf32>
    %get3A_1195 = arith.constant 0 : index
    %get3A_1196 = arith.constant 16 : index
    %get3A_1197 = arith.constant 0 : index
    %get3A_1198 = vector.load %arg4[%get3A_1195, %get3A_1196, %get3A_1197] : memref<1x168x1152xf32, #tpu.memory_space<vmem>>, vector<1x8x1152xf32>
    %get3A_1199 = vector.shape_cast %get3A_1198 : vector<1x8x1152xf32> to vector<8x1152xf32>
    %select_n3A_1200 = arith.select %eq3A_1194, %get3A_1199, %select_n3A_1191 : vector<8x1152xi1>, vector<8x1152xf32>
    %eq3A_1201 = arith.constant 3.000000e+00 : f32
    %eq3A_1202 = vector.broadcast %eq3A_1201 : f32 to vector<8x1152xf32>
    %eq3A_1203 = arith.cmpf oeq, %select_n3A_970, %eq3A_1202 : vector<8x1152xf32>
    %get3A_1204 = arith.constant 0 : index
    %get3A_1205 = arith.constant 24 : index
    %get3A_1206 = arith.constant 0 : index
    %get3A_1207 = vector.load %arg4[%get3A_1204, %get3A_1205, %get3A_1206] : memref<1x168x1152xf32, #tpu.memory_space<vmem>>, vector<1x8x1152xf32>
    %get3A_1208 = vector.shape_cast %get3A_1207 : vector<1x8x1152xf32> to vector<8x1152xf32>
    %select_n3A_1209 = arith.select %eq3A_1203, %get3A_1208, %select_n3A_1200 : vector<8x1152xi1>, vector<8x1152xf32>
    %eq3A_1210 = arith.constant 4.000000e+00 : f32
    %eq3A_1211 = vector.broadcast %eq3A_1210 : f32 to vector<8x1152xf32>
    %eq3A_1212 = arith.cmpf oeq, %select_n3A_970, %eq3A_1211 : vector<8x1152xf32>
    %get3A_1213 = arith.constant 0 : index
    %get3A_1214 = arith.constant 32 : index
    %get3A_1215 = arith.constant 0 : index
    %get3A_1216 = vector.load %arg4[%get3A_1213, %get3A_1214, %get3A_1215] : memref<1x168x1152xf32, #tpu.memory_space<vmem>>, vector<1x8x1152xf32>
    %get3A_1217 = vector.shape_cast %get3A_1216 : vector<1x8x1152xf32> to vector<8x1152xf32>
    %select_n3A_1218 = arith.select %eq3A_1212, %get3A_1217, %select_n3A_1209 : vector<8x1152xi1>, vector<8x1152xf32>
    %eq3A_1219 = arith.constant 5.000000e+00 : f32
    %eq3A_1220 = vector.broadcast %eq3A_1219 : f32 to vector<8x1152xf32>
    %eq3A_1221 = arith.cmpf oeq, %select_n3A_970, %eq3A_1220 : vector<8x1152xf32>
    %get3A_1222 = arith.constant 0 : index
    %get3A_1223 = arith.constant 40 : index
    %get3A_1224 = arith.constant 0 : index
    %get3A_1225 = vector.load %arg4[%get3A_1222, %get3A_1223, %get3A_1224] : memref<1x168x1152xf32, #tpu.memory_space<vmem>>, vector<1x8x1152xf32>
    %get3A_1226 = vector.shape_cast %get3A_1225 : vector<1x8x1152xf32> to vector<8x1152xf32>
    %select_n3A_1227 = arith.select %eq3A_1221, %get3A_1226, %select_n3A_1218 : vector<8x1152xi1>, vector<8x1152xf32>
    %eq3A_1228 = arith.constant 6.000000e+00 : f32
    %eq3A_1229 = vector.broadcast %eq3A_1228 : f32 to vector<8x1152xf32>
    %eq3A_1230 = arith.cmpf oeq, %select_n3A_970, %eq3A_1229 : vector<8x1152xf32>
    %get3A_1231 = arith.constant 0 : index
    %get3A_1232 = arith.constant 48 : index
    %get3A_1233 = arith.constant 0 : index
    %get3A_1234 = vector.load %arg4[%get3A_1231, %get3A_1232, %get3A_1233] : memref<1x168x1152xf32, #tpu.memory_space<vmem>>, vector<1x8x1152xf32>
    %get3A_1235 = vector.shape_cast %get3A_1234 : vector<1x8x1152xf32> to vector<8x1152xf32>
    %select_n3A_1236 = arith.select %eq3A_1230, %get3A_1235, %select_n3A_1227 : vector<8x1152xi1>, vector<8x1152xf32>
    %eq3A_1237 = arith.constant 7.000000e+00 : f32
    %eq3A_1238 = vector.broadcast %eq3A_1237 : f32 to vector<8x1152xf32>
    %eq3A_1239 = arith.cmpf oeq, %select_n3A_970, %eq3A_1238 : vector<8x1152xf32>
    %get3A_1240 = arith.constant 0 : index
    %get3A_1241 = arith.constant 56 : index
    %get3A_1242 = arith.constant 0 : index
    %get3A_1243 = vector.load %arg4[%get3A_1240, %get3A_1241, %get3A_1242] : memref<1x168x1152xf32, #tpu.memory_space<vmem>>, vector<1x8x1152xf32>
    %get3A_1244 = vector.shape_cast %get3A_1243 : vector<1x8x1152xf32> to vector<8x1152xf32>
    %select_n3A_1245 = arith.select %eq3A_1239, %get3A_1244, %select_n3A_1236 : vector<8x1152xi1>, vector<8x1152xf32>
    %eq3A_1246 = arith.constant 8.000000e+00 : f32
    %eq3A_1247 = vector.broadcast %eq3A_1246 : f32 to vector<8x1152xf32>
    %eq3A_1248 = arith.cmpf oeq, %select_n3A_970, %eq3A_1247 : vector<8x1152xf32>
    %get3A_1249 = arith.constant 0 : index
    %get3A_1250 = arith.constant 64 : index
    %get3A_1251 = arith.constant 0 : index
    %get3A_1252 = vector.load %arg4[%get3A_1249, %get3A_1250, %get3A_1251] : memref<1x168x1152xf32, #tpu.memory_space<vmem>>, vector<1x8x1152xf32>
    %get3A_1253 = vector.shape_cast %get3A_1252 : vector<1x8x1152xf32> to vector<8x1152xf32>
    %select_n3A_1254 = arith.select %eq3A_1248, %get3A_1253, %select_n3A_1245 : vector<8x1152xi1>, vector<8x1152xf32>
    %eq3A_1255 = arith.constant 9.000000e+00 : f32
    %eq3A_1256 = vector.broadcast %eq3A_1255 : f32 to vector<8x1152xf32>
    %eq3A_1257 = arith.cmpf oeq, %select_n3A_970, %eq3A_1256 : vector<8x1152xf32>
    %get3A_1258 = arith.constant 0 : index
    %get3A_1259 = arith.constant 72 : index
    %get3A_1260 = arith.constant 0 : index
    %get3A_1261 = vector.load %arg4[%get3A_1258, %get3A_1259, %get3A_1260] : memref<1x168x1152xf32, #tpu.memory_space<vmem>>, vector<1x8x1152xf32>
    %get3A_1262 = vector.shape_cast %get3A_1261 : vector<1x8x1152xf32> to vector<8x1152xf32>
    %select_n3A_1263 = arith.select %eq3A_1257, %get3A_1262, %select_n3A_1254 : vector<8x1152xi1>, vector<8x1152xf32>
    %eq3A_1264 = arith.constant 1.000000e+01 : f32
    %eq3A_1265 = vector.broadcast %eq3A_1264 : f32 to vector<8x1152xf32>
    %eq3A_1266 = arith.cmpf oeq, %select_n3A_970, %eq3A_1265 : vector<8x1152xf32>
    %get3A_1267 = arith.constant 0 : index
    %get3A_1268 = arith.constant 80 : index
    %get3A_1269 = arith.constant 0 : index
    %get3A_1270 = vector.load %arg4[%get3A_1267, %get3A_1268, %get3A_1269] : memref<1x168x1152xf32, #tpu.memory_space<vmem>>, vector<1x8x1152xf32>
    %get3A_1271 = vector.shape_cast %get3A_1270 : vector<1x8x1152xf32> to vector<8x1152xf32>
    %select_n3A_1272 = arith.select %eq3A_1266, %get3A_1271, %select_n3A_1263 : vector<8x1152xi1>, vector<8x1152xf32>
    %eq3A_1273 = arith.constant 1.100000e+01 : f32
    %eq3A_1274 = vector.broadcast %eq3A_1273 : f32 to vector<8x1152xf32>
    %eq3A_1275 = arith.cmpf oeq, %select_n3A_970, %eq3A_1274 : vector<8x1152xf32>
    %get3A_1276 = arith.constant 0 : index
    %get3A_1277 = arith.constant 88 : index
    %get3A_1278 = arith.constant 0 : index
    %get3A_1279 = vector.load %arg4[%get3A_1276, %get3A_1277, %get3A_1278] : memref<1x168x1152xf32, #tpu.memory_space<vmem>>, vector<1x8x1152xf32>
    %get3A_1280 = vector.shape_cast %get3A_1279 : vector<1x8x1152xf32> to vector<8x1152xf32>
    %select_n3A_1281 = arith.select %eq3A_1275, %get3A_1280, %select_n3A_1272 : vector<8x1152xi1>, vector<8x1152xf32>
    %eq3A_1282 = arith.constant 1.200000e+01 : f32
    %eq3A_1283 = vector.broadcast %eq3A_1282 : f32 to vector<8x1152xf32>
    %eq3A_1284 = arith.cmpf oeq, %select_n3A_970, %eq3A_1283 : vector<8x1152xf32>
    %get3A_1285 = arith.constant 0 : index
    %get3A_1286 = arith.constant 96 : index
    %get3A_1287 = arith.constant 0 : index
    %get3A_1288 = vector.load %arg4[%get3A_1285, %get3A_1286, %get3A_1287] : memref<1x168x1152xf32, #tpu.memory_space<vmem>>, vector<1x8x1152xf32>
    %get3A_1289 = vector.shape_cast %get3A_1288 : vector<1x8x1152xf32> to vector<8x1152xf32>
    %select_n3A_1290 = arith.select %eq3A_1284, %get3A_1289, %select_n3A_1281 : vector<8x1152xi1>, vector<8x1152xf32>
    %eq3A_1291 = arith.constant 1.300000e+01 : f32
    %eq3A_1292 = vector.broadcast %eq3A_1291 : f32 to vector<8x1152xf32>
    %eq3A_1293 = arith.cmpf oeq, %select_n3A_970, %eq3A_1292 : vector<8x1152xf32>
    %get3A_1294 = arith.constant 0 : index
    %get3A_1295 = arith.constant 104 : index
    %get3A_1296 = arith.constant 0 : index
    %get3A_1297 = vector.load %arg4[%get3A_1294, %get3A_1295, %get3A_1296] : memref<1x168x1152xf32, #tpu.memory_space<vmem>>, vector<1x8x1152xf32>
    %get3A_1298 = vector.shape_cast %get3A_1297 : vector<1x8x1152xf32> to vector<8x1152xf32>
    %select_n3A_1299 = arith.select %eq3A_1293, %get3A_1298, %select_n3A_1290 : vector<8x1152xi1>, vector<8x1152xf32>
    %eq3A_1300 = arith.constant 1.400000e+01 : f32
    %eq3A_1301 = vector.broadcast %eq3A_1300 : f32 to vector<8x1152xf32>
    %eq3A_1302 = arith.cmpf oeq, %select_n3A_970, %eq3A_1301 : vector<8x1152xf32>
    %get3A_1303 = arith.constant 0 : index
    %get3A_1304 = arith.constant 112 : index
    %get3A_1305 = arith.constant 0 : index
    %get3A_1306 = vector.load %arg4[%get3A_1303, %get3A_1304, %get3A_1305] : memref<1x168x1152xf32, #tpu.memory_space<vmem>>, vector<1x8x1152xf32>
    %get3A_1307 = vector.shape_cast %get3A_1306 : vector<1x8x1152xf32> to vector<8x1152xf32>
    %select_n3A_1308 = arith.select %eq3A_1302, %get3A_1307, %select_n3A_1299 : vector<8x1152xi1>, vector<8x1152xf32>
    %eq3A_1309 = arith.constant 1.500000e+01 : f32
    %eq3A_1310 = vector.broadcast %eq3A_1309 : f32 to vector<8x1152xf32>
    %eq3A_1311 = arith.cmpf oeq, %select_n3A_970, %eq3A_1310 : vector<8x1152xf32>
    %get3A_1312 = arith.constant 0 : index
    %get3A_1313 = arith.constant 120 : index
    %get3A_1314 = arith.constant 0 : index
    %get3A_1315 = vector.load %arg4[%get3A_1312, %get3A_1313, %get3A_1314] : memref<1x168x1152xf32, #tpu.memory_space<vmem>>, vector<1x8x1152xf32>
    %get3A_1316 = vector.shape_cast %get3A_1315 : vector<1x8x1152xf32> to vector<8x1152xf32>
    %select_n3A_1317 = arith.select %eq3A_1311, %get3A_1316, %select_n3A_1308 : vector<8x1152xi1>, vector<8x1152xf32>
    %eq3A_1318 = arith.constant 1.600000e+01 : f32
    %eq3A_1319 = vector.broadcast %eq3A_1318 : f32 to vector<8x1152xf32>
    %eq3A_1320 = arith.cmpf oeq, %select_n3A_970, %eq3A_1319 : vector<8x1152xf32>
    %get3A_1321 = arith.constant 0 : index
    %get3A_1322 = arith.constant 128 : index
    %get3A_1323 = arith.constant 0 : index
    %get3A_1324 = vector.load %arg4[%get3A_1321, %get3A_1322, %get3A_1323] : memref<1x168x1152xf32, #tpu.memory_space<vmem>>, vector<1x8x1152xf32>
    %get3A_1325 = vector.shape_cast %get3A_1324 : vector<1x8x1152xf32> to vector<8x1152xf32>
    %select_n3A_1326 = arith.select %eq3A_1320, %get3A_1325, %select_n3A_1317 : vector<8x1152xi1>, vector<8x1152xf32>
    %eq3A_1327 = arith.constant 1.700000e+01 : f32
    %eq3A_1328 = vector.broadcast %eq3A_1327 : f32 to vector<8x1152xf32>
    %eq3A_1329 = arith.cmpf oeq, %select_n3A_970, %eq3A_1328 : vector<8x1152xf32>
    %get3A_1330 = arith.constant 0 : index
    %get3A_1331 = arith.constant 136 : index
    %get3A_1332 = arith.constant 0 : index
    %get3A_1333 = vector.load %arg4[%get3A_1330, %get3A_1331, %get3A_1332] : memref<1x168x1152xf32, #tpu.memory_space<vmem>>, vector<1x8x1152xf32>
    %get3A_1334 = vector.shape_cast %get3A_1333 : vector<1x8x1152xf32> to vector<8x1152xf32>
    %select_n3A_1335 = arith.select %eq3A_1329, %get3A_1334, %select_n3A_1326 : vector<8x1152xi1>, vector<8x1152xf32>
    %eq3A_1336 = arith.constant 1.800000e+01 : f32
    %eq3A_1337 = vector.broadcast %eq3A_1336 : f32 to vector<8x1152xf32>
    %eq3A_1338 = arith.cmpf oeq, %select_n3A_970, %eq3A_1337 : vector<8x1152xf32>
    %get3A_1339 = arith.constant 0 : index
    %get3A_1340 = arith.constant 144 : index
    %get3A_1341 = arith.constant 0 : index
    %get3A_1342 = vector.load %arg4[%get3A_1339, %get3A_1340, %get3A_1341] : memref<1x168x1152xf32, #tpu.memory_space<vmem>>, vector<1x8x1152xf32>
    %get3A_1343 = vector.shape_cast %get3A_1342 : vector<1x8x1152xf32> to vector<8x1152xf32>
    %select_n3A_1344 = arith.select %eq3A_1338, %get3A_1343, %select_n3A_1335 : vector<8x1152xi1>, vector<8x1152xf32>
    %eq3A_1345 = arith.constant 1.900000e+01 : f32
    %eq3A_1346 = vector.broadcast %eq3A_1345 : f32 to vector<8x1152xf32>
    %eq3A_1347 = arith.cmpf oeq, %select_n3A_970, %eq3A_1346 : vector<8x1152xf32>
    %get3A_1348 = arith.constant 0 : index
    %get3A_1349 = arith.constant 152 : index
    %get3A_1350 = arith.constant 0 : index
    %get3A_1351 = vector.load %arg4[%get3A_1348, %get3A_1349, %get3A_1350] : memref<1x168x1152xf32, #tpu.memory_space<vmem>>, vector<1x8x1152xf32>
    %get3A_1352 = vector.shape_cast %get3A_1351 : vector<1x8x1152xf32> to vector<8x1152xf32>
    %select_n3A_1353 = arith.select %eq3A_1347, %get3A_1352, %select_n3A_1344 : vector<8x1152xi1>, vector<8x1152xf32>
    %eq3A_1354 = arith.constant 2.000000e+01 : f32
    %eq3A_1355 = vector.broadcast %eq3A_1354 : f32 to vector<8x1152xf32>
    %eq3A_1356 = arith.cmpf oeq, %select_n3A_970, %eq3A_1355 : vector<8x1152xf32>
    %get3A_1357 = arith.constant 0 : index
    %get3A_1358 = arith.constant 160 : index
    %get3A_1359 = arith.constant 0 : index
    %get3A_1360 = vector.load %arg4[%get3A_1357, %get3A_1358, %get3A_1359] : memref<1x168x1152xf32, #tpu.memory_space<vmem>>, vector<1x8x1152xf32>
    %get3A_1361 = vector.shape_cast %get3A_1360 : vector<1x8x1152xf32> to vector<8x1152xf32>
    %select_n3A_1362 = arith.select %eq3A_1356, %get3A_1361, %select_n3A_1353 : vector<8x1152xi1>, vector<8x1152xf32>
    %sub3A_1363 = arith.subf %log3A_1177, %select_n3A_1362 : vector<8x1152xf32>
    %mul3A_1364 = arith.mulf %sub3A_1363, %convert_element_type3A_973 : vector<8x1152xf32>
    %reduce_sum3A_1365 = vector.shape_cast %mul3A_1364 : vector<8x1152xf32> to vector<1x8x1152xf32>
    %reduce_sum3A_1366 = arith.constant dense<0.000000e+00> : vector<1xf32>
    %reduce_sum3A_1367 = vector.multi_reduction <add>, %reduce_sum3A_1365, %reduce_sum3A_1366 [1, 2] : vector<1x8x1152xf32> to vector<1xf32>
    %reduce_sum3A_1368 = vector.shape_cast %reduce_sum3A_1367 : vector<1xf32> to vector<1x1x1xf32>
    %reduce_sum3A_1369 = vector.extract %reduce_sum3A_1368[0, 0, 0] : f32 from vector<1x1x1xf32>
    %reduce_sum3A_1370 = vector.shape_cast %convert_element_type3A_973 : vector<8x1152xf32> to vector<1x8x1152xf32>
    %reduce_sum3A_1371 = arith.constant dense<0.000000e+00> : vector<1xf32>
    %reduce_sum3A_1372 = vector.multi_reduction <add>, %reduce_sum3A_1370, %reduce_sum3A_1371 [1, 2] : vector<1x8x1152xf32> to vector<1xf32>
    %reduce_sum3A_1373 = vector.shape_cast %reduce_sum3A_1372 : vector<1xf32> to vector<1x1x1xf32>
    %reduce_sum3A_1374 = vector.extract %reduce_sum3A_1373[0, 0, 0] : f32 from vector<1x1x1xf32>
    %lt3A_1375 = arith.constant 8732 : i32
    %lt3A_1376 = vector.broadcast %lt3A_1375 : i32 to vector<8x1152xi32>
    %lt3A_1377 = arith.cmpi slt, %add3A, %lt3A_1376 : vector<8x1152xi32>
    %not3A = arith.constant dense<true> : vector<8x1152xi1>
    %not3A_1378 = arith.xori %lt3A_1377, %not3A : vector<8x1152xi1>
    %or3A = arith.ori %ne3A_972, %not3A_1378 : vector<8x1152xi1>
    %jit3A_1379 = arith.constant 0.000000e+00 : f32
    %broadcast_in_dim3A_1380 = vector.broadcast %jit3A_1379 : f32 to vector<8x1152xf32>
    %select_n3A_1381 = arith.select %or3A, %broadcast_in_dim3A_1380, %sub3A_1363 : vector<8x1152xi1>, vector<8x1152xf32>
    %iota3A_1382 = tpu.iota {dimensions = array<i32: 0>} : vector<8x1152xi32>
    %eq3A_1383 = arith.constant 7 : i32
    %eq3A_1384 = vector.broadcast %eq3A_1383 : i32 to vector<8x1152xi32>
    %eq3A_1385 = arith.cmpi eq, %iota3A_1382, %eq3A_1384 : vector<8x1152xi32>
    %iota3A_1386 = tpu.iota {dimensions = array<i32: 1>} : vector<8x1152xi32>
    %eq3A_1387 = arith.constant 1151 : i32
    %eq3A_1388 = vector.broadcast %eq3A_1387 : i32 to vector<8x1152xi32>
    %eq3A_1389 = arith.cmpi eq, %iota3A_1386, %eq3A_1388 : vector<8x1152xi32>
    %and3A = arith.andi %eq3A_1385, %eq3A_1389 : vector<8x1152xi1>
    %broadcast_in_dim3A_1390 = vector.broadcast %reduce_sum3A_1374 : f32 to vector<8x1152xf32>
    %select_n3A_1391 = arith.select %and3A, %broadcast_in_dim3A_1390, %select_n3A_1381 : vector<8x1152xi1>, vector<8x1152xf32>
    %swap3A = arith.constant 0 : index
    %swap3A_1392 = arith.constant 0 : index
    %swap3A_1393 = arith.constant 0 : index
    %swap3A_1394 = vector.load %arg5[%swap3A, %swap3A_1392, %swap3A_1393] : memref<1x8x1152xf32, #tpu.memory_space<vmem>>, vector<1x8x1152xf32>
    %swap3A_1395 = vector.shape_cast %swap3A_1394 : vector<1x8x1152xf32> to vector<8x1152xf32>
    %swap3A_1396 = vector.shape_cast %select_n3A_1391 : vector<8x1152xf32> to vector<1x8x1152xf32>
    tpu.vector_store %arg5[%swap3A, %swap3A_1392, %swap3A_1393], %swap3A_1396 {strides = array<i32>} : memref<1x8x1152xf32, #tpu.memory_space<vmem>>, vector<1x8x1152xf32>,
    %eq3A_1397 = arith.constant 0 : i32
    %eq3A_1398 = arith.cmpi eq, %arg0, %eq3A_1397 : i32
    %convert_element_type3A_1399 = arith.extui %eq3A_1398 : i1 to i32
    %cond3A = arith.constant 0 : i32
    %cond3A_1400 = arith.cmpi ne, %convert_element_type3A_1399, %cond3A : i32
    scf.if %cond3A_1400 {
      %swap3A_1410 = arith.constant 0 : index
      %swap3A_1411 = memref.load %arg7[%swap3A_1410] : memref<4xf32, #tpu.memory_space<smem>>
      memref.store %reduce_sum3A_1031, %arg7[%swap3A_1410] : memref<4xf32, #tpu.memory_space<smem>>
      %swap3A_1412 = arith.constant 1 : index
      %swap3A_1413 = memref.load %arg7[%swap3A_1412] : memref<4xf32, #tpu.memory_space<smem>>
      memref.store %reduce_sum3A_1369, %arg7[%swap3A_1412] : memref<4xf32, #tpu.memory_space<smem>>
      %swap3A_1414 = arith.constant 2 : index
      %swap3A_1415 = memref.load %arg7[%swap3A_1414] : memref<4xf32, #tpu.memory_space<smem>>
      memref.store %reduce_sum3A_1374, %arg7[%swap3A_1414] : memref<4xf32, #tpu.memory_space<smem>>
    } else {
    }
    %gt3A = arith.constant 0 : i32
    %gt3A_1401 = arith.cmpi sgt, %arg0, %gt3A : i32
    %convert_element_type3A_1402 = arith.extui %gt3A_1401 : i1 to i32
    %cond3A_1403 = arith.constant 0 : i32
    %cond3A_1404 = arith.cmpi ne, %convert_element_type3A_1402, %cond3A_1403 : i32
    scf.if %cond3A_1404 {
      %get3A_1410 = arith.constant 0 : index
      %get3A_1411 = memref.load %arg7[%get3A_1410] : memref<4xf32, #tpu.memory_space<smem>>
      %add3A_1412 = arith.addf %get3A_1411, %reduce_sum3A_1031 : f32
      %swap3A_1413 = arith.constant 0 : index
      %swap3A_1414 = memref.load %arg7[%swap3A_1413] : memref<4xf32, #tpu.memory_space<smem>>
      memref.store %add3A_1412, %arg7[%swap3A_1413] : memref<4xf32, #tpu.memory_space<smem>>
      %get3A_1415 = arith.constant 1 : index
      %get3A_1416 = memref.load %arg7[%get3A_1415] : memref<4xf32, #tpu.memory_space<smem>>
      %add3A_1417 = arith.addf %get3A_1416, %reduce_sum3A_1369 : f32
      %swap3A_1418 = arith.constant 1 : index
      %swap3A_1419 = memref.load %arg7[%swap3A_1418] : memref<4xf32, #tpu.memory_space<smem>>
      memref.store %add3A_1417, %arg7[%swap3A_1418] : memref<4xf32, #tpu.memory_space<smem>>
      %get3A_1420 = arith.constant 2 : index
      %get3A_1421 = memref.load %arg7[%get3A_1420] : memref<4xf32, #tpu.memory_space<smem>>
      %add3A_1422 = arith.addf %get3A_1421, %reduce_sum3A_1374 : f32
      %swap3A_1423 = arith.constant 2 : index
      %swap3A_1424 = memref.load %arg7[%swap3A_1423] : memref<4xf32, #tpu.memory_space<smem>>
      memref.store %add3A_1422, %arg7[%swap3A_1423] : memref<4xf32, #tpu.memory_space<smem>>
    } else {
    }
    %eq3A_1405 = arith.constant 31 : i32
    %eq3A_1406 = arith.cmpi eq, %arg0, %eq3A_1405 : i32
    %convert_element_type3A_1407 = arith.extui %eq3A_1406 : i1 to i32
    %cond3A_1408 = arith.constant 0 : i32
    %cond3A_1409 = arith.cmpi ne, %convert_element_type3A_1407, %cond3A_1408 : i32
    scf.if %cond3A_1409 {
      %get3A_1410 = arith.constant 0 : index
      %get3A_1411 = memref.load %arg7[%get3A_1410] : memref<4xf32, #tpu.memory_space<smem>>
      %swap3A_1412 = arith.constant 0 : index
      %swap3A_1413 = arith.constant 0 : index
      %swap3A_1414 = memref.load %arg6[%swap3A_1412, %swap3A_1413] : memref<1x4xf32, #tpu.memory_space<smem>>
      memref.store %get3A_1411, %arg6[%swap3A_1412, %swap3A_1413] : memref<1x4xf32, #tpu.memory_space<smem>>
      %get3A_1415 = arith.constant 1 : index
      %get3A_1416 = memref.load %arg7[%get3A_1415] : memref<4xf32, #tpu.memory_space<smem>>
      %swap3A_1417 = arith.constant 0 : index
      %swap3A_1418 = arith.constant 1 : index
      %swap3A_1419 = memref.load %arg6[%swap3A_1417, %swap3A_1418] : memref<1x4xf32, #tpu.memory_space<smem>>
      memref.store %get3A_1416, %arg6[%swap3A_1417, %swap3A_1418] : memref<1x4xf32, #tpu.memory_space<smem>>
      %get3A_1420 = arith.constant 2 : index
      %get3A_1421 = memref.load %arg7[%get3A_1420] : memref<4xf32, #tpu.memory_space<smem>>
      %swap3A_1422 = arith.constant 0 : index
      %swap3A_1423 = arith.constant 2 : index
      %swap3A_1424 = memref.load %arg6[%swap3A_1422, %swap3A_1423] : memref<1x4xf32, #tpu.memory_space<smem>>
      memref.store %get3A_1421, %arg6[%swap3A_1422, %swap3A_1423] : memref<1x4xf32, #tpu.memory_space<smem>>
      %swap3A_1425 = arith.constant 0.000000e+00 : f32
      %swap3A_1426 = arith.constant 0 : index
      %swap3A_1427 = arith.constant 3 : index
      %swap3A_1428 = memref.load %arg6[%swap3A_1426, %swap3A_1427] : memref<1x4xf32, #tpu.memory_space<smem>>
      memref.store %swap3A_1425, %arg6[%swap3A_1426, %swap3A_1427] : memref<1x4xf32, #tpu.memory_space<smem>>
    } else {
    }
    return
  }
  func.func @transform_0(%arg0: i32) -> (i32, i32) {
    %c0_i32 = arith.constant 0 : i32
    %c0_i32_0 = arith.constant 0 : i32
    %c0_i32_1 = arith.constant 0 : i32
    return %c0_i32, %c0_i32_0 : i32, i32
  }
  func.func @transform_1(%arg0: i32) -> (i32, i32, i32) {
    %c0_i32 = arith.constant 0 : i32
    %c0_i32_0 = arith.constant 0 : i32
    %c0_i32_1 = arith.constant 0 : i32
    return %arg0, %c0_i32, %c0_i32_0 : i32, i32, i32
  }
  func.func @transform_2(%arg0: i32) -> (i32, i32, i32) {
    %c0_i32 = arith.constant 0 : i32
    %c0_i32_0 = arith.constant 0 : i32
    %c0_i32_1 = arith.constant 0 : i32
    return %arg0, %c0_i32, %c0_i32_0 : i32, i32, i32
  }
  func.func @transform_3(%arg0: i32) -> (i32, i32, i32) {
    %c0_i32 = arith.constant 0 : i32
    %c0_i32_0 = arith.constant 0 : i32
    %c0_i32_1 = arith.constant 0 : i32
    return %arg0, %c0_i32, %c0_i32_0 : i32, i32, i32
  }
  func.func @transform_4(%arg0: i32) -> (i32, i32, i32) {
    %c0_i32 = arith.constant 0 : i32
    %c0_i32_0 = arith.constant 0 : i32
    %c0_i32_1 = arith.constant 0 : i32
    return %arg0, %c0_i32, %c0_i32_0 : i32, i32, i32
  }
  func.func @transform_5(%arg0: i32) -> (i32, i32) {
    %c0_i32 = arith.constant 0 : i32
    %c0_i32_0 = arith.constant 0 : i32
    %c0_i32_1 = arith.constant 0 : i32
    return %c0_i32, %c0_i32_0 : i32, i32
  }
}

</mosaic_0001>

<sc_bundles>
// kernel: kernel.4.cloned.1.call-start
scs
__scs_entry_jumppad:
0x0: {  	(pc) =	sbr.rel $0x88, $3  }
0x1: {  	(tag) =	ssettag $0x0;
	lr =	simm.s32 $0x1  }
0x2: {  	[smem:$0x3F9E] =	sst lr;
	_ =	strace $0xD0000000  }
0x3: {  	_ = 	snop  }
0x4: {  	_ = 	snop  }
0x5: {  	_ = 	snop  }
0x6: {  	_ = 	snop  }
0x7: {  	_ = 	snop  }
__scs_overlays_trampoline_lowered:
0x8: {  	[smem:$0x3FAD] =	sst s0  }
0x9: {  	[smem:$0x3FAE] =	sst s1  }
0xa: {  	[smem:$0x3FAF] =	sst s2  }
0xb: {  	[smem:$0x3FB0] =	sst s3  }
0xc: {  	[smem:$0x3FB1] =	sst s4  }
0xd: {  	[smem:$0x3FB2] =	sst s5  }
0xe: {  	[smem:$0x3FB3] =	sst s6  }
0xf: {  	[smem:$0x3FB4] =	sst s7  }
0x10: {  	[smem:$0x3FB5] =	sst s8  }
0x11: {  	[smem:$0x3FB6] =	sst s9;
	s0 =	simm.s32 @!p0 $0x0  }
0x12: {  	s1 =	sld [smem:$0x3F9C];
	s0 =	simm.s32 @p0 $0x1  }
0x13: {  	[smem:$0x3FB7] =	sst s0;
	s0 =	simm.s32 @!p1 $0x0  }
0x14: {  	s2 =	sld [smem:$0x3F9B];
	s0 =	simm.s32 @p1 $0x1  }
0x15: {  	[smem:$0x3FB8] =	sst s0;
	s0 =	simm.s32 @!p2 $0x0  }
0x16: {  	s3 =	sld [smem:$0x3FDB];
	s0 =	simm.s32 @p2 $0x1  }
0x17: {  	s4 =	simm.s32 $0x1BF5;
	[smem:$0x3FBA] =	sst s0  }
0x18: {  	s0 =	sld [smem:$0x3F9D];
	_ =	swait.ge [sflag:s4], $0x0  }
0x19: {  	s7 =	sld [smem:$0x3F9E]  }
0x1a: {  	s8 =	sadd.s32 $0xFFFFE003, lr  }
0x1b: {  	s9 =	sadd.s32 $0xFFFFFEF7, lr;
	s5 =	simm.s32 $0xFFFFFFFF;
	p2 =	slt.u32 s8, $0xFFFFF086  }
0x1c: {  	p1 =	slt.u32 s9, $0xF7A;
	s5 =	simm.s32 @!p2 $0x0  }
0x1d: {  	s5 =	simm.s32 @p1 $0x1;
	p0 =	seq.s32 s7, s2  }
0x1e: {  	s7 =	smul.u32 @!p0 $0xF7A, s2;
	p2 =	seq.s32 @!p0 s5, $0x0  }
0x1f: {  	s9 =	smul.u32 $0xF7A, s1;
	s8 =	simm.s32 @!p0 $0x1BF5;
	p2 =	por !p2, p0  }
0x20: {  	[sflag:s8] =	ssyncset.s32 @!p0 $0xFFFFF086;
	s6 =	sadd.s32 @!p0 s3, s7;
	s7 =	simm.s32 @!p0 $0x108  }
0x21: {  	s3 =	sadd.s32 s3, s9;
	s6 =	sadd.s32 @!p0 $0x88, s6;
	s7 =	simm.s32 @p2 $0x1082  }
0x22: {  	[simem:s7], [sflag:s8] =	dma.local @!p0 [hbm:s6], $0xF7A  }
0x23: {  	s9 =	sor.u32 $0xD0000000, s2;
	s6 =	simm.s32 $0x108;
	_ =	swait.ge @!p0 [sflag:s8], $0x0  }
0x24: {  	s3 =	sadd.s32 $0x88, s3;
	s6 =	simm.s32 @!p1 $0x1082;
	[sflag:s4] =	ssyncset.s32 $0xFFFFF086  }
0x25: {  	[simem:s6], [sflag:s4] =	dma.local [hbm:s3], $0xF7A  }
0x26: {  	[smem:$0x3F9E] =	sst s1;
	(tag) =	ssettag s2;
	_ =	strace s9  }
0x27: {  	s1 =	sld [smem:$0x3FAE]  }
0x28: {  	s2 =	sld [smem:$0x3FAF]  }
0x29: {  	s4 =	sld [smem:$0x3FB1]  }
0x2a: {  	p0 =	seq.s32 s5, $0x0;
	s5 =	sld [smem:$0x3FB2]  }
0x2b: {  	s6 =	sld [smem:$0x3FB3]  }
0x2c: {  	s7 =	sld [smem:$0x3FB4]  }
0x2d: {  	s3 =	simm.s32 $0x108;
	s8 =	sld [smem:$0x3FB5]  }
0x2e: {  	s3 =	simm.s32 @!p0 $0x1082;
	s9 =	sld [smem:$0x3FB6]  }
0x2f: {  	lr =	sadd.s32 s0, s3;
	s0 =	sld [smem:$0x3FAD]  }
0x30: {  	s3 =	sld [smem:$0x3FB0]  }
0x31: {  	[smem:$0x3FB9] =	sst s10  }
0x32: {  	s10 =	sld [smem:$0x3FB7];
	_ =	sdelay $0x3  }
0x33: {  	p0 =	seq.s32 s10, $0x1;
	s10 =	sld [smem:$0x3FB9];
	_ =	sdelay $0x3  }
0x34: {  	[smem:$0x3FB9] =	sst s10  }
0x35: {  	s10 =	sld [smem:$0x3FB8];
	_ =	sdelay $0x3  }
0x36: {  	p1 =	seq.s32 s10, $0x1;
	s10 =	sld [smem:$0x3FB9];
	_ =	sdelay $0x3  }
0x37: {  	[smem:$0x3FB9] =	sst s10  }
0x38: {  	s10 =	sld [smem:$0x3FBA]  }
0x39: {  	_ = 	snop;
	(pc) =	sbr.ind lr, $3  }
0x3a: {  	_ = 	snop  }
0x3b: {  	_ = 	snop  }
0x3c: {  	p2 =	seq.s32 s10, $0x1;
	s10 =	sld [smem:$0x3FB9]  }
0x3d: {  	_ =	shalt  }
0x3e: {  	_ =	shalt  }
0x3f: {  	_ =	shalt  }
0x40: {  	_ =	shalt  }
0x41: {  	_ =	shalt  }
0x42: {  	_ =	shalt  }
0x43: {  	_ =	shalt  }
0x44: {  	_ =	shalt  }
0x45: {  	_ =	shalt  }
0x46: {  	_ =	shalt  }
0x47: {  	_ =	shalt  }
0x48: {  	_ =	shalt  }
0x49: {  	_ =	shalt  }
0x4a: {  	_ =	shalt  }
0x4b: {  	_ =	shalt  }
0x4c: {  	_ =	shalt  }
0x4d: {  	_ =	shalt  }
0x4e: {  	_ =	shalt  }
0x4f: {  	_ =	shalt  }
0x50: {  	_ =	shalt  }
0x51: {  	_ =	shalt  }
0x52: {  	_ =	shalt  }
0x53: {  	_ =	shalt  }
0x54: {  	_ =	shalt  }
0x55: {  	_ =	shalt  }
0x56: {  	_ =	shalt  }
0x57: {  	_ =	shalt  }
0x58: {  	_ =	shalt  }
0x59: {  	_ =	shalt  }
0x5a: {  	_ =	shalt  }
0x5b: {  	_ =	shalt  }
0x5c: {  	_ =	shalt  }
0x5d: {  	_ =	shalt  }
0x5e: {  	_ =	shalt  }
0x5f: {  	_ =	shalt  }
0x60: {  	_ =	shalt  }
0x61: {  	_ =	shalt  }
0x62: {  	_ =	shalt  }
0x63: {  	_ =	shalt  }
0x64: {  	_ =	shalt  }
0x65: {  	_ =	shalt  }
0x66: {  	_ =	shalt  }
0x67: {  	_ =	shalt  }
0x68: {  	_ =	shalt  }
0x69: {  	_ =	shalt  }
0x6a: {  	_ =	shalt  }
0x6b: {  	_ =	shalt  }
0x6c: {  	_ =	shalt  }
0x6d: {  	_ =	shalt  }
0x6e: {  	_ =	shalt  }
0x6f: {  	_ =	shalt  }
0x70: {  	_ =	shalt  }
0x71: {  	_ =	shalt  }
0x72: {  	_ =	shalt  }
0x73: {  	_ =	shalt  }
0x74: {  	_ =	shalt  }
0x75: {  	_ =	shalt  }
0x76: {  	_ =	shalt  }
0x77: {  	_ =	shalt  }
0x78: {  	_ =	shalt  }
0x79: {  	_ =	shalt  }
0x7a: {  	_ =	shalt  }
0x7b: {  	_ =	shalt  }
0x7c: {  	_ =	shalt  }
0x7d: {  	_ =	shalt  }
0x7e: {  	_ =	shalt  }
0x7f: {  	_ =	shalt  }
0x80: {  	_ =	shalt  }
0x81: {  	_ =	shalt  }
0x82: {  	_ =	shalt  }
0x83: {  	_ =	shalt  }
0x84: {  	_ =	shalt  }
0x85: {  	_ =	shalt  }
0x86: {  	_ =	shalt  }
0x87: {  	_ =	shalt  }
.Lfunc_end0:
.L_simem_size_0:
called_computation_lowered:
.L_overlay_start_0:
0x88: {  	s2 =	sld [smem:$0x3FD9]  }
0x89: {  	s3 =	sld [smem:$0x3FFE];
	_ =	sdelay $0x1  }
0x8a: {  	s1 =	srdreg.scid  }
0x8b: {  	s0 =	sand.u32 $0x1, s1  }
0x8c: {  	s16 =	sshll.u32 s0, $0xA;
	s2 =	sadd.s32 s3, s2  }
0x8d: {  	s2 =	sadd.s32 s2, s16  }
0x8e: {  	[smem:$0x3FC5] =	sst s2  }
0x8f: {  	_ = 	snop  }
0x90: {  	(tm) =	ssettm $0x1  }
0x91: {  	s17 =	sld [smem:$0x3FFB];
	_ =	sdelay $0x3  }
0x92: {  	_ =	strace s17  }
0x93: {  	s2 =	sld [smem:$0x3FFC];
	_ =	sdelay $0x3  }
0x94: {  	_ =	strace s2  }
0x95: {  	s2 =	sld [smem:$0x3FFD];
	_ =	sdelay $0x3  }
0x96: {  	_ =	strace s2  }
0x97: {  	_ =	strace $0x8FFFFFFF  }
0x98: {  	s18 =	sld [smem:$0x3FDB];
	_ =	sdelay $0x1  }
0x99: {  	s19 =	simm.s32 $_scs_section_size  }
0x9a: {  	s4 =	simm.s32 $_size__tile_overlayer_lowered;
	s5 =	simm.s32 $_tile_overlayer_lowered  }
0x9b: {  	s22 =	simm.s32 $0x1BFF;
	s21 =	sshll.u32 s5, $0x1;
	s2 =	sadd.s32 s19, s18  }
0x9c: {  	s6 =	simm.s32 $0x0;
	s20 =	sshll.u32 s4, $0x1;
	s4 =	sadd.s32 s21, s2  }
0x9d: {  	[timem:s6], [sflag:s22] =	dma.local [hbm:s4], s20  }
0x9e: {  	_ =	swait.ge [sflag:s22], s20  }
0x9f: {  	s3 =	ssub.s32 $0x0, s20;
	[sflag:s22] =	ssyncset.done $0x0  }
0xa0: {  	[sflag:s22] =	ssyncadd.s32 s3;
	_ =	sdelay $0x1  }
0xa1: {  	s23 =	simm.s32 $0x1B8B  }
0xa2: {  	_ =	swait.ge [sflag:s23], $0x1  }
0xa3: {  	[sflag:s23] =	ssyncset.done $0x0  }
0xa4: {  	s25 =	simm.s32 $0x1B8E;
	s24 =	sld [smem:$0x3FFE];
	[sflag:s23] =	ssyncadd.s32 $0xFFFFFFFF  }
0xa5: {  	s26 =	simm.s32 $execute0_lowered;
	[smem:$0x3FD2] =	sst s25  }
0xa6: {  	s4 =	sshll.u32 s26, $0x1;
	_ =	strace $0x80000046;
	[dreg:$0x1] =	wrdreg $0xFFFFFFFF  }
0xa7: {  	s28 =	simm.s32 $_size_execute0_lowered;
	s2 =	sadd.s32 s2, s4;
	[dreg:$0x0] =	wrdreg $0x0  }
0xa8: {  	s4 =	sshll.u32 s28, $0x1;
	[dreg:$0x2] =	wrdreg s2  }
0xa9: {  	[dreg:$0x3] =	wrdreg s4  }
0xaa: {  	[dreg:$0x4] =	wrdreg $0xC0  }
0xab: {  	_ =	task [dreg:s6], $0x5FFFF  }
0xac: {  	[dreg:$0x1] =	wrdreg $0xFFFFFFFF  }
0xad: {  	[dreg:$0x0] =	wrdreg $0x60  }
0xae: {  	[dreg:$0x2] =	wrdreg s24  }
0xaf: {  	[dreg:$0x3] =	wrdreg $0x9  }
0xb0: {  	_ =	task.clear_ibuf [dreg:s6], $0x4FFFF;
	_ =	strace $0x90000046  }
0xb1: {  	s29 =	simm.s32 $0x9;
	_ =	strace $0x80000048  }
0xb2: {  	_ =	swait.ge [sflag:s29], $0x1  }
0xb3: {  	[sflag:s29] =	ssyncadd.s32 $0xFFFFFFFF  }
0xb4: {  	_ =	strace $0x90000048  }
0xb5: {  	_ =	sfence  }
0xb6: {  	s30 =	sld [smem:$0x0];
	_ =	sdelay $0x2  }
0xb7: {  	s31 =	sshll.u32 s1, $0xD;
	s1 =	sshrl.u32 s1, $0x2  }
0xb8: {  	s3 =	sand.u32 $0x4000, s31;
	s1 =	sadd.s32 s1, s30  }
0xb9: {  	s0 =	sor.u32 s3, s0;
	s1 =	sshll.u32 s1, $0x11  }
0xba: {  	s0 =	sor.u32 s1, s0  }
0xbb: {  	s0 =	sadd.s32 $0x8F2B, s0  }
0xbc: {  	[sflag:s0] =	ssyncadd.remote.s32 $0x1  }
0xbd: {  	_ =	sfence.sel $0xFFFF  }
0xbe: {  	[dreg:$0x0] =	wrdreg $0xFFFFFFFF;
	(pc) =	sbr.abs _section_cstart, $3  }
0xbf: {  	[dreg:$0x1] =	wrdreg $0xFFFFFFFF  }
0xc0: {  	_ =	task.clear_ibuf [dreg:s6], $0x2FFFF;
	_ =	strace $0x9FFFFFFF  }
0xc1: {  	(tm) =	ssettm $0x7FFFFFFF  }
tec
execute0_lowered:
.L_overlay_start_1:
0x0: {  	(tag) =	ssettag $0x1  }
0x1: {  	s0 =	srdreg.scid;
	s2 =	stileid.u32  }
0x2: {  	s1 =	rddreg [dreg:$0x0];
	s13 =	simm.s32 $0x80;
	s14 =	simm.s32 $0x400  }
0x3: {  	s15 =	simm.s32 $0x1;
	s17 =	simm.s32 $0x900;
	s18 =	simm.s32 $0xD80  }
0x4: {  	s19 =	simm.s32 $0x1200;
	s20 =	simm.s32 $0x1680;
	s21 =	simm.s32 $0x1B00  }
0x5: {  	s22 =	simm.s32 $0x1F80;
	s23 =	simm.s32 $0x40000000;
	s24 =	simm.s32 $0x2400  }
0x6: {  	s25 =	simm.s32 $0x0;
	s0 =	sand.u32 $0x1, s0;
	s3 =	sshll.u32 s2, $0x1  }
0x7: {  	s2 =	simm.s32 $0x0;
	s3 =	sor.u32 s0, s3;
	s0 =	ssub.s32 $0x2, s0  }
0x8: {  	[smem:$0x7FF] =	sst s2;
	s4 =	smul.u32 $0x480, s3;
	s31 =	sshrl.u32 s0, $0x1  }
0x9: {  	_ =	strace $0x80000047;
	s3 =	sshll.u32 s3, $0x1;
	s0 =	ssub.s32 s0, s31  }
0xa: {  	s10 =	sadd.s32 s4, s1;
	s1 =	sadd.s32 s3, s1;
	s12 =	smax.u32 s0, $0x1  }
0xb: {  	s3 =	sadd.s32 $0x1200, s10;
	s4 =	sadd.s32 $0x1210, s10;
	s5 =	sadd.s32 $0x1220, s10  }
0xc: {  	vm0 =	vmmov $0x7fff;
	s6 =	sadd.s32 $0x1230, s10;
	s7 =	sadd.s32 $0x1240, s10;
	s8 =	sadd.s32 $0x1250, s10  }
0xd: {  	v0 =	vlaneseq.u32;
	v1 =	vimm.s32 $0x0;
	vm1 =	vmmov $0x1;
	s9 =	sadd.s32 $0x1260, s10;
	s10 =	sadd.s32 $0x1270, s10;
	s11 =	sadd.s32 $0xA200, s1  }
.LBB2_1:
0xe: {  	[tilespmem:s2], [sflag:$0x1] =	stream.strided.gather [hbm4b:s3+s13], $0x480, s14, s13, $0x38;
	[tilespmem:$0x2480] =	vst v63  }
0xf: {  	_ =	swait.ge [sflag:s15], $0x480  }
0x10: {  	[sflag:s15] =	ssyncset.done $0x0  }
0x11: {  	s0 =	simm.s32 $0x480;
	[sflag:s15] =	ssyncadd.s32 $0xFFFFFB80  }
0x12: {  	[tilespmem:s0], [sflag:$0x1] =	stream.strided.gather [hbm4b:s4+s13], $0x480, s14, s13, $0x38;
	[tilespmem:$0x2480] =	vst v63  }
0x13: {  	_ =	swait.ge [sflag:s15], $0x480  }
0x14: {  	[sflag:s15] =	ssyncset.done $0x0  }
0x15: {  	[sflag:s15] =	ssyncadd.s32 $0xFFFFFB80  }
0x16: {  	[tilespmem:s17], [sflag:$0x1] =	stream.strided.gather [hbm4b:s5+s13], $0x480, s14, s13, $0x38;
	[tilespmem:$0x2480] =	vst v63  }
0x17: {  	_ =	swait.ge [sflag:s15], $0x480  }
0x18: {  	[sflag:s15] =	ssyncset.done $0x0  }
0x19: {  	[sflag:s15] =	ssyncadd.s32 $0xFFFFFB80  }
0x1a: {  	[tilespmem:s18], [sflag:$0x1] =	stream.strided.gather [hbm4b:s6+s13], $0x480, s14, s13, $0x38;
	[tilespmem:$0x2480] =	vst v63  }
0x1b: {  	_ =	swait.ge [sflag:s15], $0x480  }
0x1c: {  	[sflag:s15] =	ssyncset.done $0x0  }
0x1d: {  	[sflag:s15] =	ssyncadd.s32 $0xFFFFFB80  }
0x1e: {  	[tilespmem:s19], [sflag:$0x1] =	stream.strided.gather [hbm4b:s7+s13], $0x480, s14, s13, $0x38;
	[tilespmem:$0x2480] =	vst v63  }
0x1f: {  	_ =	swait.ge [sflag:s15], $0x480  }
0x20: {  	[sflag:s15] =	ssyncset.done $0x0  }
0x21: {  	[sflag:s15] =	ssyncadd.s32 $0xFFFFFB80  }
0x22: {  	[tilespmem:s20], [sflag:$0x1] =	stream.strided.gather [hbm4b:s8+s13], $0x480, s14, s13, $0x38;
	[tilespmem:$0x2480] =	vst v63  }
0x23: {  	_ =	swait.ge [sflag:s15], $0x480  }
0x24: {  	[sflag:s15] =	ssyncset.done $0x0  }
0x25: {  	[sflag:s15] =	ssyncadd.s32 $0xFFFFFB80  }
0x26: {  	[tilespmem:s21], [sflag:$0x1] =	stream.strided.gather [hbm4b:s9+s13], $0x480, s14, s13, $0x38;
	[tilespmem:$0x2480] =	vst v63  }
0x27: {  	_ =	swait.ge [sflag:s15], $0x480  }
0x28: {  	[sflag:s15] =	ssyncset.done $0x0  }
0x29: {  	[sflag:s15] =	ssyncadd.s32 $0xFFFFFB80  }
0x2a: {  	[tilespmem:s22], [sflag:$0x1] =	stream.strided.gather [hbm4b:s10+s13], $0x480, s14, s13, $0x38;
	[tilespmem:$0x2480] =	vst v63  }
0x2b: {  	_ =	swait.ge [sflag:s15], $0x480  }
0x2c: {  	[sflag:s15] =	ssyncset.done $0x0  }
0x2d: {  	[sflag:s15] =	ssyncadd.s32 $0xFFFFFB80  }
0x2e: {  	v2 =	vld [tilespmem:$0x23F0];
	_ =	sdelay $0x4  }
0x2f: {  	v3 =	vsel vm0, $0x0, v2  }
0x30: {  	(xrf2) =	vadd.scan.msk.f32 $0xffff, v3;
	_ =	sdelay $0x9  }
0x31: {  	v3, _, _ =	vpop (xrf2)  }
0x32: {  	(v2sf) =	vpush v3, $0xF;
	_ =	sdelay $0xe  }
0x33: {  	s31 =	spop (v2sf)  }
0x34: {  	vm2 =	veq.s32 v0, $0xF;
	s0 =	scvt.f32.s32 s31  }
0x35: {  	v2 =	vsel vm2, $0x0, v2  }
0x36: {  	s29 =	simm.s32 $0x0;
	s28 =	simm.s32 $0x0;
	[tilespmem:$0x23F0] =	vst v2;
	s26 =	smul.u32 $0x3, s0  }
.LBB2_2:
0x37: {  	s0 =	simm.s32 $0x60  }
0x38: {  	v3 =	vld [tilespmem:s0+$0xFFFFFFA0]  }
0x39: {  	v4 =	vld [tilespmem:s0+$0xFFFFFFB0]  }
0x3a: {  	s1 =	sshrl.u32 s23, s28;
	v5 =	vld [tilespmem:s0+$0xFFFFFFC0]  }
0x3b: {  	s30 =	sor.u32 s1, s29;
	v6 =	vld [tilespmem:s0+$0xFFFFFFD0]  }
0x3c: {  	v7 =	vld [tilespmem:s0+$0xFFFFFFE0];
	v2 =	vmov s30  }
0x3d: {  	v8 =	vld [tilespmem:s0+$0xFFFFFFF0];
	vm2 =	vge.s32 v3, v2  }
0x3e: {  	s16 =	simm.s32 $0x0;
	v10 =	vld [tilespmem:s0+$0x0];
	v3 =	vimm.s32 $0x0;
	v9 =	vsel vm2, $0x1, v1;
	vm2 =	vge.s32 v4, v2  }
0x3f: {  	v11 =	vld [tilespmem:s0+$0x10];
	s1 =	sand.u32 $0x3FC0, s16;
	v3 =	vadd.s32 v9, v3;
	v4 =	vsel vm2, $0x1, v1;
	vm2 =	vge.s32 v5, v2  }
0x40: {  	v4 =	vadd.s32 v4, v3;
	v5 =	vsel vm2, $0x1, v1;
	vm2 =	vge.s32 v6, v2;
	v3 =	vld [tilespmem:s1+$0x80]  }
0x41: {  	v5 =	vadd.s32 v5, v4;
	v6 =	vsel vm2, $0x1, v1;
	vm2 =	vge.s32 v7, v2;
	v4 =	vld [tilespmem:s0+$0x30]  }
0x42: {  	v6 =	vadd.s32 v6, v5;
	v7 =	vsel vm2, $0x1, v1;
	vm2 =	vge.s32 v8, v2;
	v5 =	vld [tilespmem:s0+$0x40]  }
0x43: {  	s31 =	simm.s32 $0x120;
	v8 =	vadd.s32 v7, v6;
	v9 =	vsel vm2, $0x1, v1;
	vm2 =	vge.s32 v10, v2;
	v6 =	vld [tilespmem:s0+$0x50]  }
0x44: {  	s1 =	simm.s32 $0xC0;
	v7 =	vld [tilespmem:s31+$0xFFFFFFA0];
	s0 =	simm.s32 $0x180;
	v8 =	vadd.s32 v9, v8;
	v9 =	vsel vm2, $0x1, v1;
	vm2 =	vge.s32 v11, v2  }
.LBB2_3:
0x45: {  	p0 =	sne.s32 s0, $0x2340;
	v10 =	vld [tilespmem:s31+$0xFFFFFFB0];
	v8 =	vadd.s32 v9, v8;
	v9 =	vsel vm2, $0x1, v1;
	vm2 =	vge.s32 v3, v2  }
0x46: {  	v3 =	vld [tilespmem:s31+$0xFFFFFFC0];
	v8 =	vadd.s32 v9, v8;
	v9 =	vsel vm2, $0x1, v1;
	vm2 =	vge.s32 v4, v2  }
0x47: {  	v4 =	vld [tilespmem:s31+$0xFFFFFFD0];
	v8 =	vadd.s32 v9, v8;
	v9 =	vsel vm2, $0x1, v1;
	vm2 =	vge.s32 v5, v2  }
0x48: {  	v5 =	vld [tilespmem:s31+$0xFFFFFFE0];
	v8 =	vadd.s32 v9, v8;
	v9 =	vsel vm2, $0x1, v1;
	vm2 =	vge.s32 v6, v2  }
0x49: {  	vm3 =	vge.s32 v7, v2;
	v6 =	vld [tilespmem:s31+$0xFFFFFFF0];
	v7 =	vadd.s32 v9, v8;
	v8 =	vsel vm2, $0x1, v1  }
0x4a: {  	v9 =	vsel vm3, $0x1, v1;
	vm2 =	vge.s32 v10, v2;
	v10 =	vld [tilespmem:s31+$0x0];
	v7 =	vadd.s32 v8, v7  }
0x4b: {  	s16 =	sand.u32 $0x3FC0, s1;
	s1 =	smov.u32 s0;
	v7 =	vadd.s32 v9, v7;
	v8 =	vsel vm2, $0x1, v1;
	vm2 =	vge.s32 v3, v2;
	v11 =	vld [tilespmem:s31+$0x10]  }
.Ltmp0:
0x4c: {  	v7 =	vadd.s32 v8, v7;
	v8 =	vsel vm2, $0x1, v1;
	vm2 =	vge.s32 v4, v2;
	v3 =	vld [tilespmem:s16+$0x80];
	(pc) =	sbr.rel @p0 .LBB2_3-.Ltmp0, $4  }
0x4d: {  	v7 =	vadd.s32 v8, v7;
	v8 =	vsel vm2, $0x1, v1;
	vm2 =	vge.s32 v5, v2;
	v4 =	vld [tilespmem:s31+$0x30]  }
0x4e: {  	v7 =	vadd.s32 v8, v7;
	v8 =	vsel vm2, $0x1, v1;
	vm2 =	vge.s32 v6, v2;
	v5 =	vld [tilespmem:s31+$0x40]  }
0x4f: {  	v8 =	vadd.s32 v8, v7;
	v9 =	vsel vm2, $0x1, v1;
	vm2 =	vge.s32 v10, v2;
	v6 =	vld [tilespmem:s31+$0x50];
	s31 =	sadd.s32 $0xC0, s31  }
0x50: {  	s0 =	sadd.s32 $0xC0, s0;
	v7 =	vld [tilespmem:s31+$0xFFFFFFA0];
	v8 =	vadd.s32 v9, v8;
	v9 =	vsel vm2, $0x1, v1;
	vm2 =	vge.s32 v11, v2  }
0x51: {  	v10 =	vld [tilespmem:s31+$0xFFFFFFB0];
	v8 =	vadd.s32 v9, v8;
	v40 =	vsel vm2, $0x1, v1;
	vm2 =	vge.s32 v3, v2  }
0x52: {  	v3 =	vld [tilespmem:s31+$0xFFFFFFC0];
	v8 =	vadd.s32 v40, v8;
	v41 =	vsel vm2, $0x1, v1;
	vm2 =	vge.s32 v4, v2  }
0x53: {  	v42 =	vld [tilespmem:s31+$0xFFFFFFD0];
	v8 =	vadd.s32 v41, v8;
	v43 =	vsel vm2, $0x1, v1;
	vm2 =	vge.s32 v5, v2  }
0x54: {  	v44 =	vld [tilespmem:s31+$0xFFFFFFE0];
	v8 =	vadd.s32 v43, v8;
	v45 =	vsel vm2, $0x1, v1;
	vm2 =	vge.s32 v6, v2  }
0x55: {  	v46 =	vld [tilespmem:s31+$0xFFFFFFF0];
	vm3 =	vge.s32 v7, v2;
	v47 =	vadd.s32 v45, v8;
	v48 =	vsel vm2, $0x1, v1  }
0x56: {  	v50 =	vld [tilespmem:s31+$0x0];
	v49 =	vsel vm3, $0x1, v1;
	vm2 =	vge.s32 v10, v2;
	v7 =	vadd.s32 v48, v47  }
0x57: {  	s0 =	sand.u32 $0x3FC0, s1;
	v7 =	vadd.s32 v49, v7;
	v51 =	vsel vm2, $0x1, v1;
	vm2 =	vge.s32 v3, v2;
	v3 =	vld [tilespmem:s31+$0x10]  }
0x58: {  	v53 =	vld [tilespmem:s0+$0x80];
	v7 =	vadd.s32 v51, v7;
	v52 =	vsel vm2, $0x1, v1;
	vm2 =	vge.s32 v42, v2  }
0x59: {  	v55 =	vld [tilespmem:s31+$0x30];
	v7 =	vadd.s32 v52, v7;
	v54 =	vsel vm2, $0x1, v1;
	vm2 =	vge.s32 v44, v2  }
0x5a: {  	v57 =	vld [tilespmem:s31+$0x40];
	v7 =	vadd.s32 v54, v7;
	v56 =	vsel vm2, $0x1, v1;
	vm2 =	vge.s32 v46, v2  }
0x5b: {  	v59 =	vld [tilespmem:s31+$0x50];
	v7 =	vadd.s32 v56, v7;
	v58 =	vsel vm2, $0x1, v1;
	vm2 =	vge.s32 v50, v2  }
0x5c: {  	v7 =	vadd.s32 v58, v7;
	v60 =	vsel vm2, $0x1, v1;
	vm2 =	vge.s32 v3, v2  }
0x5d: {  	v3 =	vadd.s32 v60, v7;
	v61 =	vsel vm2, $0x1, v1;
	vm2 =	vge.s32 v53, v2  }
0x5e: {  	v3 =	vadd.s32 v61, v3;
	v4 =	vsel vm2, $0x1, v1;
	vm2 =	vge.s32 v55, v2  }
0x5f: {  	v3 =	vadd.s32 v4, v3;
	v62 =	vsel vm2, $0x1, v1;
	vm2 =	vge.s32 v57, v2  }
0x60: {  	v3 =	vadd.s32 v62, v3;
	v63 =	vsel vm2, $0x1, v1;
	vm2 =	vge.s32 v59, v2  }
0x61: {  	v2 =	vadd.s32 v63, v3;
	v3 =	vsel vm2, $0x1, v1  }
0x62: {  	v2 =	vadd.s32 v3, v2  }
0x63: {  	(xrf0) =	vadd.scan.msk.s32 $0xffff, v2;
	_ =	sdelay $0x5  }
0x64: {  	v2, _, _ =	vpop (xrf0)  }
0x65: {  	(v2sf) =	vpush v2, $0xF;
	_ =	sdelay $0xe  }
0x66: {  	s31 =	spop (v2sf)  }
0x67: {  	s28 =	sadd.s32 $0x1, s28;
	p0 =	slt.s32 s31, s26  }
0x68: {  	s30 =	smov.u32 @p0 s29;
	p0 =	seq.s32 s28, $0x16  }
.Ltmp1:
0x69: {  	_ = 	snop;
	(pc) =	sbr.rel @!p0 .LBB2_2-.Ltmp1, $2  }
0x6a: {  	_ =	sdelay $0x2  }
0x6b: {  	s29 =	smov.u32 s30  }
0x6c: {  	s0 =	simm.s32 $0x60  }
0x6d: {  	v7 =	vld [tilespmem:s0+$0xFFFFFFA0];
	_ =	sdelay $0x1  }
0x6e: {  	v8 =	vld [tilespmem:s0+$0xFFFFFFB0];
	_ =	sdelay $0x1  }
0x6f: {  	v2 =	vmov s30;
	v9 =	vld [tilespmem:s0+$0xFFFFFFC0]  }
0x70: {  	v3 =	vld [tilespmem:s0+$0x50];
	vm6 =	vlt.s32 v2, v7  }
0x71: {  	v6 =	vimm.f32 $0.0e+00;
	v10 =	vld [tilespmem:s0+$0xFFFFFFD0];
	v7 =	vnsel vm6, $0x0, v7  }
0x72: {  	v4 =	vld [tilespmem:s0+$0x40];
	vm7 =	vlt.s32 v2, v8;
	v6 =	vadd.f32 v7, v6  }
0x73: {  	v7 =	vnsel vm7, $0x0, v8;
	v8 =	vld [tilespmem:s0+$0xFFFFFFE0]  }
0x74: {  	v11 =	vld [tilespmem:s0+$0x30];
	vm8 =	vlt.s32 v2, v9;
	v6 =	vadd.f32 v7, v6  }
0x75: {  	s1 =	simm.s32 $0x0;
	v12 =	vld [tilespmem:s0+$0xFFFFFFF0];
	v9 =	vnsel vm8, $0x0, v9  }
0x76: {  	s1 =	sand.u32 $0x3FC0, s1;
	v13 =	vld [tilespmem:s0+$0x0];
	vm9 =	vlt.s32 v2, v10;
	v6 =	vadd.f32 v9, v6  }
0x77: {  	v10 =	vnsel vm9, $0x0, v10;
	v7 =	vld [tilespmem:s1+$0x80]  }
0x78: {  	v5 =	vimm.s32 $0x0;
	v9 =	vld [tilespmem:s0+$0x10];
	vm10 =	vlt.s32 v2, v8;
	v6 =	vadd.f32 v10, v6  }
0x79: {  	vm3 =	vlt.s32 v2, v4;
	vm2 =	vlt.s32 v2, v3;
	v8 =	vnsel vm10, $0x0, v8  }
0x7a: {  	vm11 =	vlt.s32 v2, v12;
	vm4 =	vlt.s32 v2, v11;
	v6 =	vadd.f32 v8, v6  }
0x7b: {  	v10 =	vsel vm6, $0x1, v1;
	vm6 =	vlt.s32 v2, v13;
	v8 =	vnsel vm11, $0x0, v12  }
0x7c: {  	vm5 =	vlt.s32 v2, v7;
	v5 =	vadd.s32 v10, v5;
	v6 =	vadd.f32 v8, v6  }
0x7d: {  	v10 =	vnsel vm6, $0x0, v13;
	vm12 =	vlt.s32 v2, v9;
	v8 =	vsel vm7, $0x1, v1  }
0x7e: {  	v5 =	vadd.s32 v8, v5;
	v8 =	vsel vm8, $0x1, v1;
	v6 =	vadd.f32 v10, v6  }
0x7f: {  	v9 =	vnsel vm12, $0x0, v9;
	v5 =	vadd.s32 v8, v5;
	v8 =	vsel vm9, $0x1, v1  }
0x80: {  	v5 =	vadd.s32 v8, v5;
	v8 =	vsel vm10, $0x1, v1;
	v6 =	vadd.f32 v9, v6  }
0x81: {  	v7 =	vnsel vm5, $0x0, v7;
	v5 =	vadd.s32 v8, v5;
	v8 =	vsel vm11, $0x1, v1  }
0x82: {  	s28 =	simm.s32 $0x120;
	v9 =	vsel vm6, $0x1, v1;
	v8 =	vadd.s32 v8, v5;
	v6 =	vadd.f32 v7, v6  }
0x83: {  	s29 =	simm.s32 $0xC0;
	s30 =	simm.s32 $0x180;
	v5 =	vld [tilespmem:s28+$0xFFFFFFA0];
	v7 =	vadd.s32 v9, v8;
	v8 =	vsel vm12, $0x1, v1;
	v9 =	vnsel vm4, $0x0, v11  }
.LBB2_6:
0x84: {  	p0 =	sne.s32 s30, $0x2340;
	v7 =	vadd.s32 v8, v7;
	v8 =	vsel vm5, $0x1, v1;
	v6 =	vadd.f32 v9, v6  }
0x85: {  	v4 =	vnsel vm3, $0x0, v4;
	v9 =	vld [tilespmem:s28+$0xFFFFFFB0];
	v7 =	vadd.s32 v8, v7;
	v8 =	vsel vm4, $0x1, v1  }
0x86: {  	v10 =	vld [tilespmem:s28+$0x50];
	v7 =	vadd.s32 v8, v7;
	v8 =	vsel vm3, $0x1, v1;
	v6 =	vadd.f32 v4, v6  }
0x87: {  	v3 =	vnsel vm2, $0x0, v3;
	v11 =	vld [tilespmem:s28+$0xFFFFFFC0];
	v7 =	vadd.s32 v8, v7;
	v8 =	vsel vm2, $0x1, v1  }
0x88: {  	vm6 =	vlt.s32 v2, v5;
	v4 =	vld [tilespmem:s28+$0x40];
	v7 =	vadd.s32 v8, v7;
	v13 =	vadd.f32 v3, v6  }
0x89: {  	v5 =	vnsel vm6, $0x0, v5;
	v6 =	vld [tilespmem:s28+$0xFFFFFFD0]  }
0x8a: {  	v5 =	vadd.f32 v5, v13;
	vm7 =	vlt.s32 v2, v9;
	v12 =	vld [tilespmem:s28+$0x30]  }
0x8b: {  	s0 =	sand.u32 $0x3FC0, s29;
	s29 =	smov.u32 s30;
	v8 =	vnsel vm7, $0x0, v9;
	v9 =	vld [tilespmem:s28+$0xFFFFFFE0];
	v3 =	vmov v10  }
0x8c: {  	v5 =	vadd.f32 v8, v5;
	vm8 =	vlt.s32 v2, v11;
	v8 =	vld [tilespmem:s0+$0x80]  }
0x8d: {  	v10 =	vnsel vm8, $0x0, v11;
	v11 =	vld [tilespmem:s28+$0xFFFFFFF0]  }
0x8e: {  	v5 =	vadd.f32 v10, v5;
	vm10 =	vlt.s32 v2, v6;
	v10 =	vld [tilespmem:s28+$0x10]  }
0x8f: {  	v6 =	vnsel vm10, $0x0, v6;
	v13 =	vld [tilespmem:s28+$0x0]  }
0x90: {  	v5 =	vadd.f32 v6, v5;
	vm11 =	vlt.s32 v2, v9  }
0x91: {  	vm2 =	vlt.s32 v2, v3;
	vm3 =	vlt.s32 v2, v4;
	v6 =	vnsel vm11, $0x0, v9  }
0x92: {  	vm4 =	vlt.s32 v2, v12;
	v5 =	vadd.f32 v6, v5;
	vm12 =	vlt.s32 v2, v11  }
0x93: {  	vm5 =	vlt.s32 v2, v8;
	v6 =	vnsel vm12, $0x0, v11;
	vm9 =	vlt.s32 v2, v10  }
0x94: {  	v9 =	vsel vm6, $0x1, v1;
	v5 =	vadd.f32 v6, v5;
	vm6 =	vlt.s32 v2, v13  }
0x95: {  	v6 =	vadd.s32 v9, v7;
	v7 =	vsel vm7, $0x1, v1;
	v9 =	vnsel vm6, $0x0, v13  }
0x96: {  	v6 =	vadd.s32 v7, v6;
	v7 =	vsel vm8, $0x1, v1;
	v5 =	vadd.f32 v9, v5  }
.Ltmp2:
0x97: {  	v6 =	vadd.s32 v7, v6;
	v7 =	vsel vm10, $0x1, v1;
	v9 =	vnsel vm9, $0x0, v10;
	(pc) =	sbr.rel @p0 .LBB2_6-.Ltmp2, $4  }
0x98: {  	v6 =	vadd.s32 v7, v6;
	v7 =	vsel vm11, $0x1, v1;
	v5 =	vadd.f32 v9, v5  }
0x99: {  	v8 =	vnsel vm5, $0x0, v8;
	v6 =	vadd.s32 v7, v6;
	v7 =	vsel vm12, $0x1, v1  }
0x9a: {  	s28 =	sadd.s32 $0xC0, s28;
	v9 =	vsel vm6, $0x1, v1;
	v7 =	vadd.s32 v7, v6;
	v6 =	vadd.f32 v8, v5  }
0x9b: {  	s30 =	sadd.s32 $0xC0, s30;
	v7 =	vadd.s32 v9, v7;
	v8 =	vsel vm9, $0x1, v1;
	v9 =	vnsel vm4, $0x0, v12;
	v5 =	vld [tilespmem:s28+$0xFFFFFFA0]  }
0x9c: {  	v6 =	vadd.f32 v9, v6;
	v32 =	vld [tilespmem:s28+$0xFFFFFFB0]  }
0x9d: {  	v4 =	vnsel vm3, $0x0, v4;
	v33 =	vld [tilespmem:s28+$0xFFFFFFC0]  }
0x9e: {  	v10 =	vld [tilespmem:s28+$0x50];
	v4 =	vadd.f32 v4, v6  }
0x9f: {  	v3 =	vnsel vm2, $0x0, v3;
	v35 =	vld [tilespmem:s28+$0xFFFFFFD0]  }
0xa0: {  	v11 =	vld [tilespmem:s28+$0x40];
	vm6 =	vlt.s32 v2, v5;
	v3 =	vadd.f32 v3, v4  }
0xa1: {  	v34 =	vadd.s32 v8, v7;
	v38 =	vld [tilespmem:s28+$0xFFFFFFE0];
	v5 =	vnsel vm6, $0x0, v5  }
0xa2: {  	v36 =	vsel vm5, $0x1, v1;
	v12 =	vld [tilespmem:s28+$0x30];
	vm5 =	vlt.s32 v2, v32;
	v3 =	vadd.f32 v5, v3  }
0xa3: {  	v39 =	vsel vm4, $0x1, v1;
	v41 =	vld [tilespmem:s28+$0xFFFFFFF0];
	v42 =	vsel vm3, $0x1, v1;
	v37 =	vnsel vm5, $0x0, v32  }
0xa4: {  	v43 =	vld [tilespmem:s28+$0x10];
	v4 =	vadd.s32 v36, v34;
	vm4 =	vlt.s32 v2, v33;
	v3 =	vadd.f32 v37, v3  }
0xa5: {  	s0 =	sand.u32 $0x3FC0, s29;
	v13 =	vsel vm2, $0x1, v1;
	v45 =	vld [tilespmem:s28+$0x0];
	v4 =	vadd.s32 v39, v4;
	v40 =	vnsel vm4, $0x0, v33  }
0xa6: {  	v44 =	vld [tilespmem:s0+$0x80];
	vm7 =	vlt.s32 v2, v35;
	vm8 =	vlt.s32 v2, v38;
	v3 =	vadd.f32 v40, v3  }
0xa7: {  	vm3 =	vlt.s32 v2, v11;
	vm2 =	vlt.s32 v2, v10;
	v7 =	vnsel vm7, $0x0, v35  }
0xa8: {  	vm9 =	vlt.s32 v2, v41;
	vm10 =	vlt.s32 v2, v12;
	v3 =	vadd.f32 v7, v3  }
0xa9: {  	vm11 =	vlt.s32 v2, v43;
	v46 =	vsel vm6, $0x1, v1;
	v8 =	vnsel vm8, $0x0, v38  }
0xaa: {  	vm15 =	vlt.s32 v2, v45;
	v4 =	vadd.s32 v42, v4;
	v3 =	vadd.f32 v8, v3  }
0xab: {  	v6 =	vnsel vm9, $0x0, v41;
	vm12 =	vlt.s32 v2, v44;
	v4 =	vadd.s32 v13, v4  }
0xac: {  	v47 =	vsel vm5, $0x1, v1;
	v4 =	vadd.s32 v46, v4;
	v3 =	vadd.f32 v6, v3  }
0xad: {  	v48 =	vsel vm4, $0x1, v1;
	v4 =	vadd.s32 v47, v4;
	v7 =	vnsel vm15, $0x0, v45  }
0xae: {  	v49 =	vsel vm7, $0x1, v1;
	v4 =	vadd.s32 v48, v4;
	v3 =	vadd.f32 v7, v3  }
0xaf: {  	v5 =	vnsel vm11, $0x0, v43;
	v50 =	vsel vm8, $0x1, v1;
	v4 =	vadd.s32 v49, v4  }
0xb0: {  	v51 =	vsel vm9, $0x1, v1;
	v4 =	vadd.s32 v50, v4;
	v3 =	vadd.f32 v5, v3  }
0xb1: {  	v53 =	vsel vm15, $0x1, v1;
	v52 =	vnsel vm12, $0x0, v44;
	v4 =	vadd.s32 v51, v4  }
0xb2: {  	v54 =	vsel vm11, $0x1, v1;
	v4 =	vadd.s32 v53, v4;
	v3 =	vadd.f32 v52, v3  }
0xb3: {  	v55 =	vnsel vm10, $0x0, v12;
	v56 =	vsel vm12, $0x1, v1;
	v4 =	vadd.s32 v54, v4  }
0xb4: {  	v57 =	vsel vm10, $0x1, v1;
	v4 =	vadd.s32 v56, v4;
	v3 =	vadd.f32 v55, v3  }
0xb5: {  	v58 =	vnsel vm3, $0x0, v11;
	v59 =	vsel vm3, $0x1, v1;
	v4 =	vadd.s32 v57, v4  }
0xb6: {  	v60 =	vsel vm2, $0x1, v1;
	v4 =	vadd.s32 v59, v4;
	v3 =	vadd.f32 v58, v3  }
0xb7: {  	v61 =	vnsel vm2, $0x0, v10;
	v4 =	vadd.s32 v60, v4  }
0xb8: {  	(xrf0) =	vadd.scan.msk.s32 $0xffff, v4;
	v3 =	vadd.f32 v61, v3;
	_ =	sdelay $0x1  }
0xb9: {  	(xrf2) =	vadd.scan.msk.f32 $0xffff, v3;
	_ =	sdelay $0x3  }
0xba: {  	v3, _, _ =	vpop (xrf0)  }
0xbb: {  	v3 =	vcvt.s32.f32 v3  }
0xbc: {  	v62 =	vmov s26  }
0xbd: {  	v4 =	vcvt.s32.f32 v62;
	v3 =	vbroadcast v3, $0xF;
	_ =	sdelay $0x1  }
0xbe: {  	v3 =	vsub.f32 v4, v3  }
0xbf: {  	v63, _, _ =	vpop (xrf2)  }
0xc0: {  	v2 =	vmul.f32 v2, v3;
	v4 =	vbroadcast v63, $0xF;
	_ =	sdelay $0x1  }
0xc1: {  	v2 =	vadd.f32 v2, v4  }
0xc2: {  	s25 =	sadd.s32 $0x1, s25  }
0xc3: {  	p0 =	sne.s32 s25, s12;
	v2 =	vnsel vm1, $0x0, v2  }
.Ltmp3:
0xc4: {  	[tilespmem:$0x2400] =	vst v2;
	(pc) =	sbr.rel @p0 .LBB2_1-.Ltmp3, $4  }
0xc5: {  	[hbm4b:s11+s2] =	stream.linear.scatter [tilespmem:s24], [sflag:$0x1], $0x10, $0x38;
	[tilespmem:$0x2480] =	vst v63  }
0xc6: {  	_ =	swait.ge [sflag:s15], $0x10  }
0xc7: {  	[sflag:s15] =	ssyncset.done $0x0  }
0xc8: {  	[sflag:s15] =	ssyncadd.s32 $0xFFFFFFF0  }
0xc9: {  	_ =	sfence.sel $0x180000  }
0xca: {  	[bflag:$0x0] =	sbarrier.arrive $0xFFFF  }
0xcb: {  	_ =	strace $0x90000047  }
0xcc: {  	s0 =	stileid.u32;
	[bflag:$0x2] =	sbarrier.arrive $0xFFFF  }
0xcd: {  	p0 =	sne.s32 s0, $0x0;
	s0 =	rddreg [dreg:$0x1]  }
0xce: {  	s0 =	sadd.s32 @!p0 $0x100000, s0  }
0xcf: {  	[sflag:s0] =	ssyncadd.tile.s32 @!p0 $0x1;
	_ =	shalt  }
.Lfunc_end2:
_tile_overlayer_lowered:
.L_overlay_start_2:
0xd0: {  	(tag) =	ssettag $0x2  }
0xd1: {  	s0 =	rddreg [dreg:$0x0];
	s2 =	stileid.u32  }
0xd2: {  	s1 =	rddreg [dreg:$0x1];
	p0 =	sne.s32 s2, $0x0  }
0xd3: {  	s3 =	rddreg [dreg:$0x2];
	[bflag:$0x3] =	sbarrier.arrive $0xFFFF;
	s2 =	simm.s32 @!p0 $0x1C01  }
0xd4: {  	[timem:s3], [sflag:s2] =	dma.local @!p0 [hbm:s0], s1  }
0xd5: {  	s0 =	simm.s32 @!p0 $0x1  }
0xd6: {  	_ =	swait.ge @!p0 [sflag:s0], s1  }
0xd7: {  	s1 =	ssub.s32 @!p0 $0x0, s1;
	[sflag:s0] =	ssyncset.done @!p0 $0x0  }
0xd8: {  	[sflag:s0] =	ssyncadd.s32 @!p0 s1  }
0xd9: {  	[bflag:$0x3] =	sbarrier.arrive $0xFFFF  }
0xda: {  	_ =	shalt  }

</sc_bundles>
